<compile_context>
chip_gen: v7x
topology: tpu7x:2x2x1
jax: 0.10.2.dev20260603
libtpu: 0.0.44.dev20260713+nightly
codegen_flags: <defaults>
</compile_context>

<pallas_src>
import functools

import jax
import jax.numpy as jnp
from jax import lax
from jax.experimental import pallas as pl
from jax.experimental.pallas import tpu as pltpu
from jax.experimental.pallas import tpu_sc as plsc

N_REAL = 10000
NP = 10240
E_REAL = 320000
E_PAD = 327680
EROWS = E_PAD // 128
NC, NS = 2, 16
NW = NC * NS

_MESH = plsc.VectorSubcoreMesh(core_axis_name="c", subcore_axis_name="s")


@functools.partial(
    pl.kernel,
    out_type=jax.ShapeDtypeStruct((NC, NP, 128), jnp.float32),
    mesh=_MESH,
    scratch_types=[
        pltpu.VMEM((EROWS // NW, 128), jnp.int32),
        pltpu.VMEM((128, 128), jnp.float32),
        pltpu.VMEM_SHARED((NP, 128), jnp.float32),
        pltpu.SemaphoreType.DMA,
    ],
)
def _deg_kernel(dst2d, ones_hbm, zeros_hbm, out, dst_loc, ones_v, deg_sh, sem):
    c = lax.axis_index("c")
    s = lax.axis_index("s")
    nrows = NP // NS
    base_n = s * nrows
    pltpu.sync_copy(zeros_hbm, deg_sh.at[pl.ds(base_n, nrows)])
    pltpu.sync_copy(ones_hbm, ones_v)
    nch = EROWS // NW
    row0 = c * (EROWS // NC) + s * nch
    pltpu.sync_copy(dst2d.at[pl.ds(row0, nch)], dst_loc)
    plsc.subcore_barrier()

    def loop(j, carry):
        ds_ = [pltpu.async_copy(ones_v, deg_sh.at[dst_loc.at[4 * j + t]],
                                sem, add=True)
               for t in range(4)]
        for d in ds_:
            d.wait()
        return carry

    lax.fori_loop(0, nch // 4, loop, None)
    plsc.subcore_barrier()
    pltpu.sync_copy(deg_sh.at[pl.ds(base_n, nrows)],
                    out.at[c, pl.ds(base_n, nrows)])


@functools.partial(
    pl.kernel,
    out_type=jax.ShapeDtypeStruct((NC, NP, 128), jnp.float32),
    mesh=_MESH,
    scratch_types=[
        pltpu.VMEM((32, 80), jnp.int32),
        pltpu.VMEM((32, 80), jnp.int32),
        pltpu.VMEM((80, 128), jnp.float32),
        pltpu.VMEM((80, 128), jnp.float32),
        pltpu.VMEM((80, 128), jnp.float32),
        pltpu.VMEM((80, 128), jnp.float32),
        pltpu.VMEM_SHARED((NP, 128), jnp.float32),
        pltpu.SemaphoreType.DMA,
        pltpu.SemaphoreType.DMA,
        pltpu.SemaphoreType.DMA,
        pltpu.SemaphoreType.DMA,
        pltpu.SemaphoreType.DMA,
        pltpu.SemaphoreType.DMA,
        pltpu.SemaphoreType.DMA,
        pltpu.SemaphoreType.DMA,
    ],
)
def _scatter1(a_lo, a_hi, src2d, dst2d, out, src_loc, dst_loc,
              g0, g1, g2, g3, acc_sh, sg0, sg1, sg2, sg3, ss0, ss1, ss2, ss3):
    c = lax.axis_index("c")
    s = lax.axis_index("s")
    nrows = NP // NS
    base_n = s * nrows
    bufs = [(g0, sg0, ss0), (g1, sg1, ss1), (g2, sg2, ss2), (g3, sg3, ss3)]

    @pl.when(c == 0)
    def _():
        pltpu.sync_copy(a_lo.at[pl.ds(base_n, nrows)],
                        acc_sh.at[pl.ds(base_n, nrows)])

    @pl.when(c == 1)
    def _():
        pltpu.sync_copy(a_hi.at[pl.ds(base_n, nrows)],
                        acc_sh.at[pl.ds(base_n, nrows)])

    plsc.subcore_barrier()

    def run(tab):
        def stage(st, carry):
            row0 = s * 256 + st * 32
            pltpu.sync_copy(src2d.at[pl.ds(row0, 32)], src_loc)
            pltpu.sync_copy(dst2d.at[pl.ds(row0, 32)], dst_loc)
            for b, (gb, sg, ss) in enumerate(bufs):
                pltpu.async_copy(tab.at[src_loc.at[b]], gb, sg)

            def sub(k, carry2):
                base = 4 * k
                ds_ = []
                for b, (gb, sg, ss) in enumerate(bufs):
                    pltpu.make_async_copy(tab.at[src_loc.at[base + b]], gb,
                                          sg).wait()
                    ds_.append(pltpu.async_copy(
                        gb, acc_sh.at[dst_loc.at[base + b]], ss, add=True))
                for b, d in enumerate(ds_):
                    d.wait()

                    @pl.when(k < 7)
                    def _(b=b):
                        pltpu.async_copy(tab.at[src_loc.at[base + 4 + b]],
                                         bufs[b][0], bufs[b][1])
                return carry2

            lax.fori_loop(0, 8, sub, None)
            return carry

        lax.fori_loop(0, 8, stage, None)

    @pl.when(c == 0)
    def _():
        run(a_lo)

    @pl.when(c == 1)
    def _():
        run(a_hi)

    plsc.subcore_barrier()
    pltpu.sync_copy(acc_sh.at[pl.ds(base_n, nrows)],
                    out.at[c, pl.ds(base_n, nrows)])


@functools.partial(
    pl.kernel,
    out_type=jax.ShapeDtypeStruct((NC, NP, 128), jnp.float32),
    mesh=_MESH,
    scratch_types=[
        pltpu.VMEM((32, 80), jnp.int32),
        pltpu.VMEM((32, 80), jnp.int32),
        pltpu.VMEM((80, 128), jnp.float32),
        pltpu.VMEM((80, 128), jnp.float32),
        pltpu.VMEM((80, 128), jnp.float32),
        pltpu.VMEM((80, 128), jnp.float32),
        pltpu.VMEM_SHARED((NP, 128), jnp.float32),
        pltpu.SemaphoreType.DMA,
        pltpu.SemaphoreType.DMA,
        pltpu.SemaphoreType.DMA,
        pltpu.SemaphoreType.DMA,
        pltpu.SemaphoreType.DMA,
        pltpu.SemaphoreType.DMA,
        pltpu.SemaphoreType.DMA,
        pltpu.SemaphoreType.DMA,
    ],
)
def _scatter2(b_tab, src2d, dst2d, out, src_loc, dst_loc,
              g0, g1, g2, g3, acc_sh, sg0, sg1, sg2, sg3, ss0, ss1, ss2, ss3):
    c = lax.axis_index("c")
    s = lax.axis_index("s")
    nrows = NP // NS
    base_n = s * nrows
    bufs = [(g0, sg0, ss0), (g1, sg1, ss1), (g2, sg2, ss2), (g3, sg3, ss3)]
    pltpu.sync_copy(b_tab.at[pl.ds(base_n, nrows)],
                    acc_sh.at[pl.ds(base_n, nrows)])
    plsc.subcore_barrier()

    def stage(st, carry):
        row0 = c * 2048 + s * 128 + st * 32
        pltpu.sync_copy(src2d.at[pl.ds(row0, 32)], src_loc)
        pltpu.sync_copy(dst2d.at[pl.ds(row0, 32)], dst_loc)
        for b, (gb, sg, ss) in enumerate(bufs):
            pltpu.async_copy(b_tab.at[src_loc.at[b]], gb, sg)

        def sub(k, carry2):
            base = 4 * k
            ds_ = []
            for b, (gb, sg, ss) in enumerate(bufs):
                pltpu.make_async_copy(b_tab.at[src_loc.at[base + b]], gb,
                                      sg).wait()
                ds_.append(pltpu.async_copy(
                    gb, acc_sh.at[dst_loc.at[base + b]], ss, add=True))
            for b, d in enumerate(ds_):
                d.wait()

                @pl.when(k < 7)
                def _(b=b):
                    pltpu.async_copy(b_tab.at[src_loc.at[base + 4 + b]],
                                     bufs[b][0], bufs[b][1])
            return carry2

        lax.fori_loop(0, 8, sub, None)
        return carry

    lax.fori_loop(0, 4, stage, None)
    plsc.subcore_barrier()
    pltpu.sync_copy(acc_sh.at[pl.ds(base_n, nrows)],
                    out.at[c, pl.ds(base_n, nrows)])


_R = 512
_G = NP // _R

_PREC = lax.Precision.HIGHEST


def _tc1_body(x_ref, w1_ref, degp_ref, alo_ref, ahi_ref, dinv_ref):
    deg = degp_ref[0, :, 0:1] + degp_ref[1, :, 0:1] + 1.0
    dinv = lax.rsqrt(jnp.maximum(deg, 1e-12))
    xs = x_ref[...] * dinv
    a = jnp.dot(xs, w1_ref[...], preferred_element_type=jnp.float32,
                precision=_PREC)
    alo_ref[...] = a[:, :128]
    ahi_ref[...] = a[:, 128:]
    dinv_ref[...] = dinv


_tc1 = pl.pallas_call(
    _tc1_body,
    grid=(_G,),
    in_specs=[
        pl.BlockSpec((_R, 128), lambda i: (i, 0)),
        pl.BlockSpec((128, 256), lambda i: (0, 0)),
        pl.BlockSpec((NC, _R, 128), lambda i: (0, i, 0)),
    ],
    out_specs=[
        pl.BlockSpec((_R, 128), lambda i: (i, 0)),
        pl.BlockSpec((_R, 128), lambda i: (i, 0)),
        pl.BlockSpec((_R, 1), lambda i: (i, 0)),
    ],
    out_shape=[
        jax.ShapeDtypeStruct((NP, 128), jnp.float32),
        jax.ShapeDtypeStruct((NP, 128), jnp.float32),
        jax.ShapeDtypeStruct((NP, 1), jnp.float32),
    ],
)


def _tc2_body(acc_ref, dinv_ref, w2_ref, b1_ref, b_ref):
    dinv = dinv_ref[...]
    h_lo = jnp.maximum(acc_ref[0] * dinv + b1_ref[0, :128][None, :], 0.0)
    h_hi = jnp.maximum(acc_ref[1] * dinv + b1_ref[0, 128:][None, :], 0.0)
    b = (jnp.dot(h_lo, w2_ref[0], preferred_element_type=jnp.float32,
                 precision=_PREC)
         + jnp.dot(h_hi, w2_ref[1], preferred_element_type=jnp.float32,
                   precision=_PREC))
    b_ref[...] = b * dinv


_tc2 = pl.pallas_call(
    _tc2_body,
    grid=(_G,),
    in_specs=[
        pl.BlockSpec((NC, _R, 128), lambda i: (0, i, 0)),
        pl.BlockSpec((_R, 1), lambda i: (i, 0)),
        pl.BlockSpec((2, 128, 128), lambda i: (0, 0, 0)),
        pl.BlockSpec((1, 256), lambda i: (0, 0)),
    ],
    out_specs=pl.BlockSpec((_R, 128), lambda i: (i, 0)),
    out_shape=jax.ShapeDtypeStruct((NP, 128), jnp.float32),
)


def _tc3_body(p_ref, b_ref, dinv_ref, b2_ref, out_ref):
    out_ref[...] = ((p_ref[0] + p_ref[1] - b_ref[...]) * dinv_ref[...]
                    + b2_ref[...])


_tc3 = pl.pallas_call(
    _tc3_body,
    grid=(_G,),
    in_specs=[
        pl.BlockSpec((NC, _R, 128), lambda i: (0, i, 0)),
        pl.BlockSpec((_R, 128), lambda i: (i, 0)),
        pl.BlockSpec((_R, 1), lambda i: (i, 0)),
        pl.BlockSpec((1, 128), lambda i: (0, 0)),
    ],
    out_specs=pl.BlockSpec((_R, 128), lambda i: (i, 0)),
    out_shape=jax.ShapeDtypeStruct((NP, 128), jnp.float32),
)


def kernel(x, edge_index, W1, b1, W2, b2):
    ei = edge_index.astype(jnp.int32)
    npad = E_PAD - E_REAL
    src = jnp.concatenate([ei[0], jnp.zeros((npad,), jnp.int32)])
    junk = N_REAL + (jnp.arange(npad, dtype=jnp.int32) % (NP - N_REAL))
    dst = jnp.concatenate([ei[1], junk])
    src2d = src.reshape(E_PAD // 80, 80)
    dst2d = dst.reshape(E_PAD // 80, 80)
    dstd = dst.reshape(EROWS, 128)

    xp = jnp.pad(x, ((0, NP - N_REAL), (0, 0)))
    w2s = jnp.stack([W2[:128], W2[128:]])
    b1r = b1.reshape(1, 256)
    b2r = b2.reshape(1, 128)

    ones128 = jnp.ones((128, 128), jnp.float32)
    zeros128 = jnp.zeros((NP // NS, 128), jnp.float32)
    degp = _deg_kernel(dstd, ones128, zeros128)
    a_lo, a_hi, dinv = _tc1(xp, W1, degp)
    acc = _scatter1(a_lo, a_hi, src2d, dst2d)
    bmat = _tc2(acc, dinv, w2s, b1r)
    p = _scatter2(bmat, src2d, dst2d)
    out = _tc3(p, bmat, dinv, b2r)
    return out[:N_REAL]

# --- scband reference (transcript-rebuilt; emitter-appended) ---
"""Pipeline reference for scband-gcn-attention-18056042512581 (READ-ONLY COPY).

The authoritative reference and input builder live on the scoring server;
editing this copy changes nothing except your own understanding.
"""

import jax, jax.numpy as jnp
import numpy as np

N_NODES = 10000
IN_CH = 128
OUT_CH = 128
HID = 2 * OUT_CH  # conv1 output = 2*out_channels


def gcn_conv(x, edge_index, W, b, n_nodes):
    # GCNConv (Kipf & Welling): add self-loops, symmetric degree normalization
    src = edge_index[0]
    dst = edge_index[1]
    loop = jnp.arange(n_nodes, dtype=edge_index.dtype)
    src = jnp.concatenate([src, loop])
    dst = jnp.concatenate([dst, loop])
    deg = jnp.zeros((n_nodes,), dtype=x.dtype).at[dst].add(1.0)
    dinv = jax.lax.rsqrt(jnp.maximum(deg, 1e-12))
    norm = dinv[src] * dinv[dst]
    xw = x @ W
    msg = xw[src] * norm[:, None]
    out = jnp.zeros((n_nodes, W.shape[1]), dtype=x.dtype).at[dst].add(msg)
    return out + b


def setup_inputs(seed: int = 0) -> dict:
    key = jax.random.key(seed)
    k_x, k_e, k_w1, k_b1, k_w2, k_b2 = jax.random.split(key, 6)
    x = jax.random.normal(k_x, (N_NODES, IN_CH), dtype=jnp.float32)
    edge_index = jax.random.randint(k_e, (2, 320000), 0, N_NODES, dtype=jnp.int64)
    s1 = 1.0 / np.sqrt(IN_CH)
    s2 = 1.0 / np.sqrt(HID)
    W1 = jax.random.uniform(k_w1, (IN_CH, HID), dtype=jnp.float32, minval=-s1, maxval=s1)
    b1 = jax.random.uniform(k_b1, (HID,), dtype=jnp.float32, minval=-s1, maxval=s1)
    W2 = jax.random.uniform(k_w2, (HID, OUT_CH), dtype=jnp.float32, minval=-s2, maxval=s2)
    b2 = jax.random.uniform(k_b2, (OUT_CH,), dtype=jnp.float32, minval=-s2, maxval=s2)
    return {"x": x, "edge_index": edge_index, "W1": W1, "b1": b1, "W2": W2, "b2": b2}


def reference(x, edge_index, W1, b1, W2, b2):
    # GCN_attention.encode: conv1 -> relu -> conv2
    h = gcn_conv(x, edge_index, W1, b1, N_NODES)
    h = jax.nn.relu(h)
    out = gcn_conv(h, edge_index, W2, b2, N_NODES)
    return out

if __name__ == "__main__":
    import jax
    _d = setup_inputs()
    print(jax.jit(kernel)(*tuple(_d.values())))

</pallas_src>

<mosaic_0001>
#map = affine_map<(d0, d1) -> (0, 0)>
#map1 = affine_map<(d0, d1) -> (0, 0, 0)>
module attributes {stable_mosaic.version = 14 : i64} {
  func.func @_scatter1(%arg0: i32, %arg1: i32, %arg2: memref<10240x128xf32, #tpu.memory_space<hbm>>, %arg3: memref<10240x128xf32, #tpu.memory_space<hbm>>, %arg4: memref<4096x80xi32, #tpu.memory_space<hbm>>, %arg5: memref<4096x80xi32, #tpu.memory_space<hbm>>, %arg6: memref<2x10240x128xf32, #tpu.memory_space<hbm>>, %arg7: memref<32x80xi32, #tpu.memory_space<vmem>>, %arg8: memref<32x80xi32, #tpu.memory_space<vmem>>, %arg9: memref<80x128xf32, #tpu.memory_space<vmem>>, %arg10: memref<80x128xf32, #tpu.memory_space<vmem>>, %arg11: memref<80x128xf32, #tpu.memory_space<vmem>>, %arg12: memref<80x128xf32, #tpu.memory_space<vmem>>, %arg13: memref<10240x128xf32, #tpu.memory_space<vmem_shared>>, %arg14: memref<!tpu.dma_semaphore, #tpu.memory_space<semaphore_mem>>, %arg15: memref<!tpu.dma_semaphore, #tpu.memory_space<semaphore_mem>>, %arg16: memref<!tpu.dma_semaphore, #tpu.memory_space<semaphore_mem>>, %arg17: memref<!tpu.dma_semaphore, #tpu.memory_space<semaphore_mem>>, %arg18: memref<!tpu.dma_semaphore, #tpu.memory_space<semaphore_mem>>, %arg19: memref<!tpu.dma_semaphore, #tpu.memory_space<semaphore_mem>>, %arg20: memref<!tpu.dma_semaphore, #tpu.memory_space<semaphore_mem>>, %arg21: memref<!tpu.dma_semaphore, #tpu.memory_space<semaphore_mem>>) attributes {dimension_semantics = [#tpu.dimension_semantics<core_parallel>, #tpu.dimension_semantics<subcore_parallel>], iteration_bounds = array<i64: 2, 16>, scalar_prefetch = 0 : i64, scratch_operands = 15 : i64, tpu.core_type = #tpu.core_type<sc_vector_subcore>, window_params = [{transform_indices = #map}, {transform_indices = #map}, {transform_indices = #map}, {transform_indices = #map}, {transform_indices = #map1}]} {
    %mul3A = arith.constant 640 : i32
    %mul3A_0 = arith.muli %arg1, %mul3A : i32
    %eq3A = arith.constant 0 : i32
    %eq3A_1 = arith.cmpi eq, %arg0, %eq3A : i32
    %convert_element_type3A = arith.extui %eq3A_1 : i1 to i32
    %cond3A = arith.constant 0 : i32
    %cond3A_2 = arith.cmpi ne, %convert_element_type3A, %cond3A : i32
    scf.if %cond3A_2 {
      "tpu.region"() ({
        %run_scoped3A = tpu.sem_alloc : memref<!tpu.dma_semaphore, #tpu.memory_space<semaphore_mem>>
        %dma_start3A = arith.constant 0 : i32
        %dma_start3A_19 = tpu.memref_slice %arg13[%mul3A_0, %dma_start3A] : memref<10240x128xf32, #tpu.memory_space<vmem_shared>> -> memref<640x128xf32, #tpu.memory_space<vmem_shared>>
        %dma_start3A_20 = arith.constant 0 : i32
        %dma_start3A_21 = tpu.memref_slice %arg2[%mul3A_0, %dma_start3A_20] : memref<10240x128xf32, #tpu.memory_space<hbm>> -> memref<640x128xf32, #tpu.memory_space<hbm>>
        tpu.enqueue_dma source(%dma_start3A_21 : memref<640x128xf32, #tpu.memory_space<hbm>>) target(%dma_start3A_19 : memref<640x128xf32, #tpu.memory_space<vmem_shared>>) target_semaphore(%run_scoped3A : memref<!tpu.dma_semaphore, #tpu.memory_space<semaphore_mem>>)
        %dma_wait3A = arith.constant 0 : i32
        %dma_wait3A_22 = tpu.memref_slice %arg13[%mul3A_0, %dma_wait3A] : memref<10240x128xf32, #tpu.memory_space<vmem_shared>> -> memref<640x128xf32, #tpu.memory_space<vmem_shared>>
        %dma_wait3A_23 = arith.constant 0 : i32
        %dma_wait3A_24 = tpu.memref_slice %arg2[%mul3A_0, %dma_wait3A_23] : memref<10240x128xf32, #tpu.memory_space<hbm>> -> memref<640x128xf32, #tpu.memory_space<hbm>>
        tpu.wait_dma2 semaphore(%run_scoped3A : memref<!tpu.dma_semaphore, #tpu.memory_space<semaphore_mem>>) src(%dma_wait3A_24 : memref<640x128xf32, #tpu.memory_space<hbm>>) dst(%dma_wait3A_22 : memref<640x128xf32, #tpu.memory_space<vmem_shared>>)
        tpu.yield
      }) : () -> ()
    } else {
    }
    %eq3A_3 = arith.constant 1 : i32
    %eq3A_4 = arith.cmpi eq, %arg0, %eq3A_3 : i32
    %convert_element_type3A_5 = arith.extui %eq3A_4 : i1 to i32
    %cond3A_6 = arith.constant 0 : i32
    %cond3A_7 = arith.cmpi ne, %convert_element_type3A_5, %cond3A_6 : i32
    scf.if %cond3A_7 {
      "tpu.region"() ({
        %run_scoped3A = tpu.sem_alloc : memref<!tpu.dma_semaphore, #tpu.memory_space<semaphore_mem>>
        %dma_start3A = arith.constant 0 : i32
        %dma_start3A_19 = tpu.memref_slice %arg13[%mul3A_0, %dma_start3A] : memref<10240x128xf32, #tpu.memory_space<vmem_shared>> -> memref<640x128xf32, #tpu.memory_space<vmem_shared>>
        %dma_start3A_20 = arith.constant 0 : i32
        %dma_start3A_21 = tpu.memref_slice %arg3[%mul3A_0, %dma_start3A_20] : memref<10240x128xf32, #tpu.memory_space<hbm>> -> memref<640x128xf32, #tpu.memory_space<hbm>>
        tpu.enqueue_dma source(%dma_start3A_21 : memref<640x128xf32, #tpu.memory_space<hbm>>) target(%dma_start3A_19 : memref<640x128xf32, #tpu.memory_space<vmem_shared>>) target_semaphore(%run_scoped3A : memref<!tpu.dma_semaphore, #tpu.memory_space<semaphore_mem>>)
        %dma_wait3A = arith.constant 0 : i32
        %dma_wait3A_22 = tpu.memref_slice %arg13[%mul3A_0, %dma_wait3A] : memref<10240x128xf32, #tpu.memory_space<vmem_shared>> -> memref<640x128xf32, #tpu.memory_space<vmem_shared>>
        %dma_wait3A_23 = arith.constant 0 : i32
        %dma_wait3A_24 = tpu.memref_slice %arg3[%mul3A_0, %dma_wait3A_23] : memref<10240x128xf32, #tpu.memory_space<hbm>> -> memref<640x128xf32, #tpu.memory_space<hbm>>
        tpu.wait_dma2 semaphore(%run_scoped3A : memref<!tpu.dma_semaphore, #tpu.memory_space<semaphore_mem>>) src(%dma_wait3A_24 : memref<640x128xf32, #tpu.memory_space<hbm>>) dst(%dma_wait3A_22 : memref<640x128xf32, #tpu.memory_space<vmem_shared>>)
        tpu.yield
      }) : () -> ()
    } else {
    }
    %barrier3A = arith.constant 0 : index
    tpu.barrier barrier_id(%barrier3A)
    %eq3A_8 = arith.constant 0 : i32
    %eq3A_9 = arith.cmpi eq, %arg0, %eq3A_8 : i32
    %convert_element_type3A_10 = arith.extui %eq3A_9 : i1 to i32
    %cond3A_11 = arith.constant 0 : i32
    %cond3A_12 = arith.cmpi ne, %convert_element_type3A_10, %cond3A_11 : i32
    scf.if %cond3A_12 {
      %scan3A = arith.constant 0 : i32
      %scan3A_19 = arith.constant 8 : i32
      %scan3A_20 = arith.addi %scan3A, %scan3A_19 : i32
      %scan3A_21 = arith.constant 1 : i32
      scf.for %scan3A_23 = %scan3A to %scan3A_20 step %scan3A_21  : i32 {
        %mul3A_24 = arith.constant 256 : i32
        %mul3A_25 = arith.muli %arg1, %mul3A_24 : i32
        %mul3A_26 = arith.constant 32 : i32
        %mul3A_27 = arith.muli %scan3A_23, %mul3A_26 : i32
        %add3A = arith.addi %mul3A_25, %mul3A_27 : i32
        "tpu.region"() ({
          %run_scoped3A = tpu.sem_alloc : memref<!tpu.dma_semaphore, #tpu.memory_space<semaphore_mem>>
          %dma_start3A_60 = arith.constant 0 : i32
          %dma_start3A_61 = tpu.memref_slice %arg4[%add3A, %dma_start3A_60] : memref<4096x80xi32, #tpu.memory_space<hbm>> -> memref<32x80xi32, #tpu.memory_space<hbm>>
          %dma_start3A_62 = arith.constant 0 : i32
          %dma_start3A_63 = tpu.memref_slice %arg4[%add3A, %dma_start3A_62] : memref<4096x80xi32, #tpu.memory_space<hbm>> -> memref<32x80xi32, #tpu.memory_space<hbm>>
          tpu.enqueue_dma source(%dma_start3A_63 : memref<32x80xi32, #tpu.memory_space<hbm>>) target(%arg7 : memref<32x80xi32, #tpu.memory_space<vmem>>) target_semaphore(%run_scoped3A : memref<!tpu.dma_semaphore, #tpu.memory_space<semaphore_mem>>)
          %dma_wait3A = arith.constant 0 : i32
          %dma_wait3A_64 = tpu.memref_slice %arg4[%add3A, %dma_wait3A] : memref<4096x80xi32, #tpu.memory_space<hbm>> -> memref<32x80xi32, #tpu.memory_space<hbm>>
          %dma_wait3A_65 = arith.constant 0 : i32
          %dma_wait3A_66 = tpu.memref_slice %arg4[%add3A, %dma_wait3A_65] : memref<4096x80xi32, #tpu.memory_space<hbm>> -> memref<32x80xi32, #tpu.memory_space<hbm>>
          tpu.wait_dma2 semaphore(%run_scoped3A : memref<!tpu.dma_semaphore, #tpu.memory_space<semaphore_mem>>) src(%dma_wait3A_66 : memref<32x80xi32, #tpu.memory_space<hbm>>) dst(%arg7 : memref<32x80xi32, #tpu.memory_space<vmem>>)
          tpu.yield
        }) : () -> ()
        "tpu.region"() ({
          %run_scoped3A = tpu.sem_alloc : memref<!tpu.dma_semaphore, #tpu.memory_space<semaphore_mem>>
          %dma_start3A_60 = arith.constant 0 : i32
          %dma_start3A_61 = tpu.memref_slice %arg5[%add3A, %dma_start3A_60] : memref<4096x80xi32, #tpu.memory_space<hbm>> -> memref<32x80xi32, #tpu.memory_space<hbm>>
          %dma_start3A_62 = arith.constant 0 : i32
          %dma_start3A_63 = tpu.memref_slice %arg5[%add3A, %dma_start3A_62] : memref<4096x80xi32, #tpu.memory_space<hbm>> -> memref<32x80xi32, #tpu.memory_space<hbm>>
          tpu.enqueue_dma source(%dma_start3A_63 : memref<32x80xi32, #tpu.memory_space<hbm>>) target(%arg8 : memref<32x80xi32, #tpu.memory_space<vmem>>) target_semaphore(%run_scoped3A : memref<!tpu.dma_semaphore, #tpu.memory_space<semaphore_mem>>)
          %dma_wait3A = arith.constant 0 : i32
          %dma_wait3A_64 = tpu.memref_slice %arg5[%add3A, %dma_wait3A] : memref<4096x80xi32, #tpu.memory_space<hbm>> -> memref<32x80xi32, #tpu.memory_space<hbm>>
          %dma_wait3A_65 = arith.constant 0 : i32
          %dma_wait3A_66 = tpu.memref_slice %arg5[%add3A, %dma_wait3A_65] : memref<4096x80xi32, #tpu.memory_space<hbm>> -> memref<32x80xi32, #tpu.memory_space<hbm>>
          tpu.wait_dma2 semaphore(%run_scoped3A : memref<!tpu.dma_semaphore, #tpu.memory_space<semaphore_mem>>) src(%dma_wait3A_66 : memref<32x80xi32, #tpu.memory_space<hbm>>) dst(%arg8 : memref<32x80xi32, #tpu.memory_space<vmem>>)
          tpu.yield
        }) : () -> ()
        %dma_start3A = arith.constant 0 : i32
        %dma_start3A_28 = arith.constant 0 : i32
        %dma_start3A_29 = tpu.memref_slice %arg7[%dma_start3A, %dma_start3A_28] : memref<32x80xi32, #tpu.memory_space<vmem>> -> memref<1x80xi32, #tpu.memory_space<vmem>>
        %dma_start3A_30 = tpu.memref_squeeze %dma_start3A_29 : memref<1x80xi32, #tpu.memory_space<vmem>> -> memref<80xi32, #tpu.memory_space<vmem>>
        %dma_start3A_31 = arith.constant 0 : i32
        %dma_start3A_32 = arith.constant 0 : i32
        %dma_start3A_33 = tpu.memref_slice %arg2[%dma_start3A_31, %dma_start3A_32] : memref<10240x128xf32, #tpu.memory_space<hbm>> -> memref<10240x128xf32, #tpu.memory_space<hbm>>
        tpu.enqueue_indirect_dma source(%dma_start3A_33 : memref<10240x128xf32, #tpu.memory_space<hbm>>) target(%arg9 : memref<80x128xf32, #tpu.memory_space<vmem>>) offsets(%dma_start3A_30 : memref<80xi32, #tpu.memory_space<vmem>>) semaphore(%arg14 : memref<!tpu.dma_semaphore, #tpu.memory_space<semaphore_mem>>)
        %dma_start3A_34 = arith.constant 1 : i32
        %dma_start3A_35 = arith.constant 0 : i32
        %dma_start3A_36 = tpu.memref_slice %arg7[%dma_start3A_34, %dma_start3A_35] : memref<32x80xi32, #tpu.memory_space<vmem>> -> memref<1x80xi32, #tpu.memory_space<vmem>>
        %dma_start3A_37 = tpu.memref_squeeze %dma_start3A_36 : memref<1x80xi32, #tpu.memory_space<vmem>> -> memref<80xi32, #tpu.memory_space<vmem>>
        %dma_start3A_38 = arith.constant 0 : i32
        %dma_start3A_39 = arith.constant 0 : i32
        %dma_start3A_40 = tpu.memref_slice %arg2[%dma_start3A_38, %dma_start3A_39] : memref<10240x128xf32, #tpu.memory_space<hbm>> -> memref<10240x128xf32, #tpu.memory_space<hbm>>
        tpu.enqueue_indirect_dma source(%dma_start3A_40 : memref<10240x128xf32, #tpu.memory_space<hbm>>) target(%arg10 : memref<80x128xf32, #tpu.memory_space<vmem>>) offsets(%dma_start3A_37 : memref<80xi32, #tpu.memory_space<vmem>>) semaphore(%arg15 : memref<!tpu.dma_semaphore, #tpu.memory_space<semaphore_mem>>)
        %dma_start3A_41 = arith.constant 2 : i32
        %dma_start3A_42 = arith.constant 0 : i32
        %dma_start3A_43 = tpu.memref_slice %arg7[%dma_start3A_41, %dma_start3A_42] : memref<32x80xi32, #tpu.memory_space<vmem>> -> memref<1x80xi32, #tpu.memory_space<vmem>>
        %dma_start3A_44 = tpu.memref_squeeze %dma_start3A_43 : memref<1x80xi32, #tpu.memory_space<vmem>> -> memref<80xi32, #tpu.memory_space<vmem>>
        %dma_start3A_45 = arith.constant 0 : i32
        %dma_start3A_46 = arith.constant 0 : i32
        %dma_start3A_47 = tpu.memref_slice %arg2[%dma_start3A_45, %dma_start3A_46] : memref<10240x128xf32, #tpu.memory_space<hbm>> -> memref<10240x128xf32, #tpu.memory_space<hbm>>
        tpu.enqueue_indirect_dma source(%dma_start3A_47 : memref<10240x128xf32, #tpu.memory_space<hbm>>) target(%arg11 : memref<80x128xf32, #tpu.memory_space<vmem>>) offsets(%dma_start3A_44 : memref<80xi32, #tpu.memory_space<vmem>>) semaphore(%arg16 : memref<!tpu.dma_semaphore, #tpu.memory_space<semaphore_mem>>)
        %dma_start3A_48 = arith.constant 3 : i32
        %dma_start3A_49 = arith.constant 0 : i32
        %dma_start3A_50 = tpu.memref_slice %arg7[%dma_start3A_48, %dma_start3A_49] : memref<32x80xi32, #tpu.memory_space<vmem>> -> memref<1x80xi32, #tpu.memory_space<vmem>>
        %dma_start3A_51 = tpu.memref_squeeze %dma_start3A_50 : memref<1x80xi32, #tpu.memory_space<vmem>> -> memref<80xi32, #tpu.memory_space<vmem>>
        %dma_start3A_52 = arith.constant 0 : i32
        %dma_start3A_53 = arith.constant 0 : i32
        %dma_start3A_54 = tpu.memref_slice %arg2[%dma_start3A_52, %dma_start3A_53] : memref<10240x128xf32, #tpu.memory_space<hbm>> -> memref<10240x128xf32, #tpu.memory_space<hbm>>
        tpu.enqueue_indirect_dma source(%dma_start3A_54 : memref<10240x128xf32, #tpu.memory_space<hbm>>) target(%arg12 : memref<80x128xf32, #tpu.memory_space<vmem>>) offsets(%dma_start3A_51 : memref<80xi32, #tpu.memory_space<vmem>>) semaphore(%arg17 : memref<!tpu.dma_semaphore, #tpu.memory_space<semaphore_mem>>)
        %scan3A_55 = arith.constant 0 : i32
        %scan3A_56 = arith.constant 8 : i32
        %scan3A_57 = arith.addi %scan3A_55, %scan3A_56 : i32
        %scan3A_58 = arith.constant 1 : i32
        scf.for %scan3A_60 = %scan3A_55 to %scan3A_57 step %scan3A_58  : i32 {
          %mul3A_61 = arith.constant 4 : i32
          %mul3A_62 = arith.muli %mul3A_61, %scan3A_60 : i32
          %add3A_63 = arith.constant 0 : i32
          %add3A_64 = arith.addi %mul3A_62, %add3A_63 : i32
          %dma_wait3A = arith.constant 0 : i32
          %dma_wait3A_65 = tpu.memref_slice %arg7[%add3A_64, %dma_wait3A] : memref<32x80xi32, #tpu.memory_space<vmem>> -> memref<1x80xi32, #tpu.memory_space<vmem>>
          %dma_wait3A_66 = tpu.memref_squeeze %dma_wait3A_65 : memref<1x80xi32, #tpu.memory_space<vmem>> -> memref<80xi32, #tpu.memory_space<vmem>>
          %dma_wait3A_67 = arith.constant 0 : i32
          %dma_wait3A_68 = arith.constant 0 : i32
          %dma_wait3A_69 = tpu.memref_slice %arg2[%dma_wait3A_67, %dma_wait3A_68] : memref<10240x128xf32, #tpu.memory_space<hbm>> -> memref<10240x128xf32, #tpu.memory_space<hbm>>
          tpu.wait_indirect_dma semaphore(%arg14 : memref<!tpu.dma_semaphore, #tpu.memory_space<semaphore_mem>>) src(%dma_wait3A_69 : memref<10240x128xf32, #tpu.memory_space<hbm>>) dst(%arg9 : memref<80x128xf32, #tpu.memory_space<vmem>>)
          %add3A_70 = arith.constant 0 : i32
          %add3A_71 = arith.addi %mul3A_62, %add3A_70 : i32
          %dma_start3A_72 = arith.constant 0 : i32
          %dma_start3A_73 = tpu.memref_slice %arg8[%add3A_71, %dma_start3A_72] : memref<32x80xi32, #tpu.memory_space<vmem>> -> memref<1x80xi32, #tpu.memory_space<vmem>>
          %dma_start3A_74 = tpu.memref_squeeze %dma_start3A_73 : memref<1x80xi32, #tpu.memory_space<vmem>> -> memref<80xi32, #tpu.memory_space<vmem>>
          %dma_start3A_75 = arith.constant 0 : i32
          %dma_start3A_76 = arith.constant 0 : i32
          %dma_start3A_77 = tpu.memref_slice %arg13[%dma_start3A_75, %dma_start3A_76] : memref<10240x128xf32, #tpu.memory_space<vmem_shared>> -> memref<10240x128xf32, #tpu.memory_space<vmem_shared>>
          tpu.enqueue_indirect_dma source(%arg9 : memref<80x128xf32, #tpu.memory_space<vmem>>) target(%dma_start3A_77 : memref<10240x128xf32, #tpu.memory_space<vmem_shared>>) offsets(%dma_start3A_74 : memref<80xi32, #tpu.memory_space<vmem>>) semaphore(%arg18 : memref<!tpu.dma_semaphore, #tpu.memory_space<semaphore_mem>>) {add = true}
          %add3A_78 = arith.constant 1 : i32
          %add3A_79 = arith.addi %mul3A_62, %add3A_78 : i32
          %dma_wait3A_80 = arith.constant 0 : i32
          %dma_wait3A_81 = tpu.memref_slice %arg7[%add3A_79, %dma_wait3A_80] : memref<32x80xi32, #tpu.memory_space<vmem>> -> memref<1x80xi32, #tpu.memory_space<vmem>>
          %dma_wait3A_82 = tpu.memref_squeeze %dma_wait3A_81 : memref<1x80xi32, #tpu.memory_space<vmem>> -> memref<80xi32, #tpu.memory_space<vmem>>
          %dma_wait3A_83 = arith.constant 0 : i32
          %dma_wait3A_84 = arith.constant 0 : i32
          %dma_wait3A_85 = tpu.memref_slice %arg2[%dma_wait3A_83, %dma_wait3A_84] : memref<10240x128xf32, #tpu.memory_space<hbm>> -> memref<10240x128xf32, #tpu.memory_space<hbm>>
          tpu.wait_indirect_dma semaphore(%arg15 : memref<!tpu.dma_semaphore, #tpu.memory_space<semaphore_mem>>) src(%dma_wait3A_85 : memref<10240x128xf32, #tpu.memory_space<hbm>>) dst(%arg10 : memref<80x128xf32, #tpu.memory_space<vmem>>)
          %add3A_86 = arith.constant 1 : i32
          %add3A_87 = arith.addi %mul3A_62, %add3A_86 : i32
          %dma_start3A_88 = arith.constant 0 : i32
          %dma_start3A_89 = tpu.memref_slice %arg8[%add3A_87, %dma_start3A_88] : memref<32x80xi32, #tpu.memory_space<vmem>> -> memref<1x80xi32, #tpu.memory_space<vmem>>
          %dma_start3A_90 = tpu.memref_squeeze %dma_start3A_89 : memref<1x80xi32, #tpu.memory_space<vmem>> -> memref<80xi32, #tpu.memory_space<vmem>>
          %dma_start3A_91 = arith.constant 0 : i32
          %dma_start3A_92 = arith.constant 0 : i32
          %dma_start3A_93 = tpu.memref_slice %arg13[%dma_start3A_91, %dma_start3A_92] : memref<10240x128xf32, #tpu.memory_space<vmem_shared>> -> memref<10240x128xf32, #tpu.memory_space<vmem_shared>>
          tpu.enqueue_indirect_dma source(%arg10 : memref<80x128xf32, #tpu.memory_space<vmem>>) target(%dma_start3A_93 : memref<10240x128xf32, #tpu.memory_space<vmem_shared>>) offsets(%dma_start3A_90 : memref<80xi32, #tpu.memory_space<vmem>>) semaphore(%arg19 : memref<!tpu.dma_semaphore, #tpu.memory_space<semaphore_mem>>) {add = true}
          %add3A_94 = arith.constant 2 : i32
          %add3A_95 = arith.addi %mul3A_62, %add3A_94 : i32
          %dma_wait3A_96 = arith.constant 0 : i32
          %dma_wait3A_97 = tpu.memref_slice %arg7[%add3A_95, %dma_wait3A_96] : memref<32x80xi32, #tpu.memory_space<vmem>> -> memref<1x80xi32, #tpu.memory_space<vmem>>
          %dma_wait3A_98 = tpu.memref_squeeze %dma_wait3A_97 : memref<1x80xi32, #tpu.memory_space<vmem>> -> memref<80xi32, #tpu.memory_space<vmem>>
          %dma_wait3A_99 = arith.constant 0 : i32
          %dma_wait3A_100 = arith.constant 0 : i32
          %dma_wait3A_101 = tpu.memref_slice %arg2[%dma_wait3A_99, %dma_wait3A_100] : memref<10240x128xf32, #tpu.memory_space<hbm>> -> memref<10240x128xf32, #tpu.memory_space<hbm>>
          tpu.wait_indirect_dma semaphore(%arg16 : memref<!tpu.dma_semaphore, #tpu.memory_space<semaphore_mem>>) src(%dma_wait3A_101 : memref<10240x128xf32, #tpu.memory_space<hbm>>) dst(%arg11 : memref<80x128xf32, #tpu.memory_space<vmem>>)
          %add3A_102 = arith.constant 2 : i32
          %add3A_103 = arith.addi %mul3A_62, %add3A_102 : i32
          %dma_start3A_104 = arith.constant 0 : i32
          %dma_start3A_105 = tpu.memref_slice %arg8[%add3A_103, %dma_start3A_104] : memref<32x80xi32, #tpu.memory_space<vmem>> -> memref<1x80xi32, #tpu.memory_space<vmem>>
          %dma_start3A_106 = tpu.memref_squeeze %dma_start3A_105 : memref<1x80xi32, #tpu.memory_space<vmem>> -> memref<80xi32, #tpu.memory_space<vmem>>
          %dma_start3A_107 = arith.constant 0 : i32
          %dma_start3A_108 = arith.constant 0 : i32
          %dma_start3A_109 = tpu.memref_slice %arg13[%dma_start3A_107, %dma_start3A_108] : memref<10240x128xf32, #tpu.memory_space<vmem_shared>> -> memref<10240x128xf32, #tpu.memory_space<vmem_shared>>
          tpu.enqueue_indirect_dma source(%arg11 : memref<80x128xf32, #tpu.memory_space<vmem>>) target(%dma_start3A_109 : memref<10240x128xf32, #tpu.memory_space<vmem_shared>>) offsets(%dma_start3A_106 : memref<80xi32, #tpu.memory_space<vmem>>) semaphore(%arg20 : memref<!tpu.dma_semaphore, #tpu.memory_space<semaphore_mem>>) {add = true}
          %add3A_110 = arith.constant 3 : i32
          %add3A_111 = arith.addi %mul3A_62, %add3A_110 : i32
          %dma_wait3A_112 = arith.constant 0 : i32
          %dma_wait3A_113 = tpu.memref_slice %arg7[%add3A_111, %dma_wait3A_112] : memref<32x80xi32, #tpu.memory_space<vmem>> -> memref<1x80xi32, #tpu.memory_space<vmem>>
          %dma_wait3A_114 = tpu.memref_squeeze %dma_wait3A_113 : memref<1x80xi32, #tpu.memory_space<vmem>> -> memref<80xi32, #tpu.memory_space<vmem>>
          %dma_wait3A_115 = arith.constant 0 : i32
          %dma_wait3A_116 = arith.constant 0 : i32
          %dma_wait3A_117 = tpu.memref_slice %arg2[%dma_wait3A_115, %dma_wait3A_116] : memref<10240x128xf32, #tpu.memory_space<hbm>> -> memref<10240x128xf32, #tpu.memory_space<hbm>>
          tpu.wait_indirect_dma semaphore(%arg17 : memref<!tpu.dma_semaphore, #tpu.memory_space<semaphore_mem>>) src(%dma_wait3A_117 : memref<10240x128xf32, #tpu.memory_space<hbm>>) dst(%arg12 : memref<80x128xf32, #tpu.memory_space<vmem>>)
          %add3A_118 = arith.constant 3 : i32
          %add3A_119 = arith.addi %mul3A_62, %add3A_118 : i32
          %dma_start3A_120 = arith.constant 0 : i32
          %dma_start3A_121 = tpu.memref_slice %arg8[%add3A_119, %dma_start3A_120] : memref<32x80xi32, #tpu.memory_space<vmem>> -> memref<1x80xi32, #tpu.memory_space<vmem>>
          %dma_start3A_122 = tpu.memref_squeeze %dma_start3A_121 : memref<1x80xi32, #tpu.memory_space<vmem>> -> memref<80xi32, #tpu.memory_space<vmem>>
          %dma_start3A_123 = arith.constant 0 : i32
          %dma_start3A_124 = arith.constant 0 : i32
          %dma_start3A_125 = tpu.memref_slice %arg13[%dma_start3A_123, %dma_start3A_124] : memref<10240x128xf32, #tpu.memory_space<vmem_shared>> -> memref<10240x128xf32, #tpu.memory_space<vmem_shared>>
          tpu.enqueue_indirect_dma source(%arg12 : memref<80x128xf32, #tpu.memory_space<vmem>>) target(%dma_start3A_125 : memref<10240x128xf32, #tpu.memory_space<vmem_shared>>) offsets(%dma_start3A_122 : memref<80xi32, #tpu.memory_space<vmem>>) semaphore(%arg21 : memref<!tpu.dma_semaphore, #tpu.memory_space<semaphore_mem>>) {add = true}
          %dma_wait3A_126 = arith.constant 0 : i32
          %dma_wait3A_127 = tpu.memref_slice %arg8[%add3A_71, %dma_wait3A_126] : memref<32x80xi32, #tpu.memory_space<vmem>> -> memref<1x80xi32, #tpu.memory_space<vmem>>
          %dma_wait3A_128 = tpu.memref_squeeze %dma_wait3A_127 : memref<1x80xi32, #tpu.memory_space<vmem>> -> memref<80xi32, #tpu.memory_space<vmem>>
          %dma_wait3A_129 = arith.constant 0 : i32
          %dma_wait3A_130 = arith.constant 0 : i32
          %dma_wait3A_131 = tpu.memref_slice %arg13[%dma_wait3A_129, %dma_wait3A_130] : memref<10240x128xf32, #tpu.memory_space<vmem_shared>> -> memref<10240x128xf32, #tpu.memory_space<vmem_shared>>
          tpu.wait_indirect_dma semaphore(%arg18 : memref<!tpu.dma_semaphore, #tpu.memory_space<semaphore_mem>>) src(%arg9 : memref<80x128xf32, #tpu.memory_space<vmem>>) dst(%dma_wait3A_131 : memref<10240x128xf32, #tpu.memory_space<vmem_shared>>)
          %lt3A = arith.constant 7 : i32
          %lt3A_132 = arith.cmpi slt, %scan3A_60, %lt3A : i32
          %convert_element_type3A_133 = arith.extui %lt3A_132 : i1 to i32
          %cond3A_134 = arith.constant 0 : i32
          %cond3A_135 = arith.cmpi ne, %convert_element_type3A_133, %cond3A_134 : i32
          scf.if %cond3A_135 {
            %add3A_169 = arith.constant 4 : i32
            %add3A_170 = arith.addi %mul3A_62, %add3A_169 : i32
            %add3A_171 = arith.constant 0 : i32
            %add3A_172 = arith.addi %add3A_170, %add3A_171 : i32
            %dma_start3A_173 = arith.constant 0 : i32
            %dma_start3A_174 = tpu.memref_slice %arg7[%add3A_172, %dma_start3A_173] : memref<32x80xi32, #tpu.memory_space<vmem>> -> memref<1x80xi32, #tpu.memory_space<vmem>>
            %dma_start3A_175 = tpu.memref_squeeze %dma_start3A_174 : memref<1x80xi32, #tpu.memory_space<vmem>> -> memref<80xi32, #tpu.memory_space<vmem>>
            %dma_start3A_176 = arith.constant 0 : i32
            %dma_start3A_177 = arith.constant 0 : i32
            %dma_start3A_178 = tpu.memref_slice %arg2[%dma_start3A_176, %dma_start3A_177] : memref<10240x128xf32, #tpu.memory_space<hbm>> -> memref<10240x128xf32, #tpu.memory_space<hbm>>
            tpu.enqueue_indirect_dma source(%dma_start3A_178 : memref<10240x128xf32, #tpu.memory_space<hbm>>) target(%arg9 : memref<80x128xf32, #tpu.memory_space<vmem>>) offsets(%dma_start3A_175 : memref<80xi32, #tpu.memory_space<vmem>>) semaphore(%arg14 : memref<!tpu.dma_semaphore, #tpu.memory_space<semaphore_mem>>)
          } else {
          }
          %dma_wait3A_136 = arith.constant 0 : i32
          %dma_wait3A_137 = tpu.memref_slice %arg8[%add3A_87, %dma_wait3A_136] : memref<32x80xi32, #tpu.memory_space<vmem>> -> memref<1x80xi32, #tpu.memory_space<vmem>>
          %dma_wait3A_138 = tpu.memref_squeeze %dma_wait3A_137 : memref<1x80xi32, #tpu.memory_space<vmem>> -> memref<80xi32, #tpu.memory_space<vmem>>
          %dma_wait3A_139 = arith.constant 0 : i32
          %dma_wait3A_140 = arith.constant 0 : i32
          %dma_wait3A_141 = tpu.memref_slice %arg13[%dma_wait3A_139, %dma_wait3A_140] : memref<10240x128xf32, #tpu.memory_space<vmem_shared>> -> memref<10240x128xf32, #tpu.memory_space<vmem_shared>>
          tpu.wait_indirect_dma semaphore(%arg19 : memref<!tpu.dma_semaphore, #tpu.memory_space<semaphore_mem>>) src(%arg10 : memref<80x128xf32, #tpu.memory_space<vmem>>) dst(%dma_wait3A_141 : memref<10240x128xf32, #tpu.memory_space<vmem_shared>>)
          %lt3A_142 = arith.constant 7 : i32
          %lt3A_143 = arith.cmpi slt, %scan3A_60, %lt3A_142 : i32
          %convert_element_type3A_144 = arith.extui %lt3A_143 : i1 to i32
          %cond3A_145 = arith.constant 0 : i32
          %cond3A_146 = arith.cmpi ne, %convert_element_type3A_144, %cond3A_145 : i32
          scf.if %cond3A_146 {
            %add3A_169 = arith.constant 4 : i32
            %add3A_170 = arith.addi %mul3A_62, %add3A_169 : i32
            %add3A_171 = arith.constant 1 : i32
            %add3A_172 = arith.addi %add3A_170, %add3A_171 : i32
            %dma_start3A_173 = arith.constant 0 : i32
            %dma_start3A_174 = tpu.memref_slice %arg7[%add3A_172, %dma_start3A_173] : memref<32x80xi32, #tpu.memory_space<vmem>> -> memref<1x80xi32, #tpu.memory_space<vmem>>
            %dma_start3A_175 = tpu.memref_squeeze %dma_start3A_174 : memref<1x80xi32, #tpu.memory_space<vmem>> -> memref<80xi32, #tpu.memory_space<vmem>>
            %dma_start3A_176 = arith.constant 0 : i32
            %dma_start3A_177 = arith.constant 0 : i32
            %dma_start3A_178 = tpu.memref_slice %arg2[%dma_start3A_176, %dma_start3A_177] : memref<10240x128xf32, #tpu.memory_space<hbm>> -> memref<10240x128xf32, #tpu.memory_space<hbm>>
            tpu.enqueue_indirect_dma source(%dma_start3A_178 : memref<10240x128xf32, #tpu.memory_space<hbm>>) target(%arg10 : memref<80x128xf32, #tpu.memory_space<vmem>>) offsets(%dma_start3A_175 : memref<80xi32, #tpu.memory_space<vmem>>) semaphore(%arg15 : memref<!tpu.dma_semaphore, #tpu.memory_space<semaphore_mem>>)
          } else {
          }
          %dma_wait3A_147 = arith.constant 0 : i32
          %dma_wait3A_148 = tpu.memref_slice %arg8[%add3A_103, %dma_wait3A_147] : memref<32x80xi32, #tpu.memory_space<vmem>> -> memref<1x80xi32, #tpu.memory_space<vmem>>
          %dma_wait3A_149 = tpu.memref_squeeze %dma_wait3A_148 : memref<1x80xi32, #tpu.memory_space<vmem>> -> memref<80xi32, #tpu.memory_space<vmem>>
          %dma_wait3A_150 = arith.constant 0 : i32
          %dma_wait3A_151 = arith.constant 0 : i32
          %dma_wait3A_152 = tpu.memref_slice %arg13[%dma_wait3A_150, %dma_wait3A_151] : memref<10240x128xf32, #tpu.memory_space<vmem_shared>> -> memref<10240x128xf32, #tpu.memory_space<vmem_shared>>
          tpu.wait_indirect_dma semaphore(%arg20 : memref<!tpu.dma_semaphore, #tpu.memory_space<semaphore_mem>>) src(%arg11 : memref<80x128xf32, #tpu.memory_space<vmem>>) dst(%dma_wait3A_152 : memref<10240x128xf32, #tpu.memory_space<vmem_shared>>)
          %lt3A_153 = arith.constant 7 : i32
          %lt3A_154 = arith.cmpi slt, %scan3A_60, %lt3A_153 : i32
          %convert_element_type3A_155 = arith.extui %lt3A_154 : i1 to i32
          %cond3A_156 = arith.constant 0 : i32
          %cond3A_157 = arith.cmpi ne, %convert_element_type3A_155, %cond3A_156 : i32
          scf.if %cond3A_157 {
            %add3A_169 = arith.constant 4 : i32
            %add3A_170 = arith.addi %mul3A_62, %add3A_169 : i32
            %add3A_171 = arith.constant 2 : i32
            %add3A_172 = arith.addi %add3A_170, %add3A_171 : i32
            %dma_start3A_173 = arith.constant 0 : i32
            %dma_start3A_174 = tpu.memref_slice %arg7[%add3A_172, %dma_start3A_173] : memref<32x80xi32, #tpu.memory_space<vmem>> -> memref<1x80xi32, #tpu.memory_space<vmem>>
            %dma_start3A_175 = tpu.memref_squeeze %dma_start3A_174 : memref<1x80xi32, #tpu.memory_space<vmem>> -> memref<80xi32, #tpu.memory_space<vmem>>
            %dma_start3A_176 = arith.constant 0 : i32
            %dma_start3A_177 = arith.constant 0 : i32
            %dma_start3A_178 = tpu.memref_slice %arg2[%dma_start3A_176, %dma_start3A_177] : memref<10240x128xf32, #tpu.memory_space<hbm>> -> memref<10240x128xf32, #tpu.memory_space<hbm>>
            tpu.enqueue_indirect_dma source(%dma_start3A_178 : memref<10240x128xf32, #tpu.memory_space<hbm>>) target(%arg11 : memref<80x128xf32, #tpu.memory_space<vmem>>) offsets(%dma_start3A_175 : memref<80xi32, #tpu.memory_space<vmem>>) semaphore(%arg16 : memref<!tpu.dma_semaphore, #tpu.memory_space<semaphore_mem>>)
          } else {
          }
          %dma_wait3A_158 = arith.constant 0 : i32
          %dma_wait3A_159 = tpu.memref_slice %arg8[%add3A_119, %dma_wait3A_158] : memref<32x80xi32, #tpu.memory_space<vmem>> -> memref<1x80xi32, #tpu.memory_space<vmem>>
          %dma_wait3A_160 = tpu.memref_squeeze %dma_wait3A_159 : memref<1x80xi32, #tpu.memory_space<vmem>> -> memref<80xi32, #tpu.memory_space<vmem>>
          %dma_wait3A_161 = arith.constant 0 : i32
          %dma_wait3A_162 = arith.constant 0 : i32
          %dma_wait3A_163 = tpu.memref_slice %arg13[%dma_wait3A_161, %dma_wait3A_162] : memref<10240x128xf32, #tpu.memory_space<vmem_shared>> -> memref<10240x128xf32, #tpu.memory_space<vmem_shared>>
          tpu.wait_indirect_dma semaphore(%arg21 : memref<!tpu.dma_semaphore, #tpu.memory_space<semaphore_mem>>) src(%arg12 : memref<80x128xf32, #tpu.memory_space<vmem>>) dst(%dma_wait3A_163 : memref<10240x128xf32, #tpu.memory_space<vmem_shared>>)
          %lt3A_164 = arith.constant 7 : i32
          %lt3A_165 = arith.cmpi slt, %scan3A_60, %lt3A_164 : i32
          %convert_element_type3A_166 = arith.extui %lt3A_165 : i1 to i32
          %cond3A_167 = arith.constant 0 : i32
          %cond3A_168 = arith.cmpi ne, %convert_element_type3A_166, %cond3A_167 : i32
          scf.if %cond3A_168 {
            %add3A_169 = arith.constant 4 : i32
            %add3A_170 = arith.addi %mul3A_62, %add3A_169 : i32
            %add3A_171 = arith.constant 3 : i32
            %add3A_172 = arith.addi %add3A_170, %add3A_171 : i32
            %dma_start3A_173 = arith.constant 0 : i32
            %dma_start3A_174 = tpu.memref_slice %arg7[%add3A_172, %dma_start3A_173] : memref<32x80xi32, #tpu.memory_space<vmem>> -> memref<1x80xi32, #tpu.memory_space<vmem>>
            %dma_start3A_175 = tpu.memref_squeeze %dma_start3A_174 : memref<1x80xi32, #tpu.memory_space<vmem>> -> memref<80xi32, #tpu.memory_space<vmem>>
            %dma_start3A_176 = arith.constant 0 : i32
            %dma_start3A_177 = arith.constant 0 : i32
            %dma_start3A_178 = tpu.memref_slice %arg2[%dma_start3A_176, %dma_start3A_177] : memref<10240x128xf32, #tpu.memory_space<hbm>> -> memref<10240x128xf32, #tpu.memory_space<hbm>>
            tpu.enqueue_indirect_dma source(%dma_start3A_178 : memref<10240x128xf32, #tpu.memory_space<hbm>>) target(%arg12 : memref<80x128xf32, #tpu.memory_space<vmem>>) offsets(%dma_start3A_175 : memref<80xi32, #tpu.memory_space<vmem>>) semaphore(%arg17 : memref<!tpu.dma_semaphore, #tpu.memory_space<semaphore_mem>>)
          } else {
          }
        }
        %scan3A_59 = arith.constant 8 : i32
      }
      %scan3A_22 = arith.constant 8 : i32
    } else {
    }
    %eq3A_13 = arith.constant 1 : i32
    %eq3A_14 = arith.cmpi eq, %arg0, %eq3A_13 : i32
    %convert_element_type3A_15 = arith.extui %eq3A_14 : i1 to i32
    %cond3A_16 = arith.constant 0 : i32
    %cond3A_17 = arith.cmpi ne, %convert_element_type3A_15, %cond3A_16 : i32
    scf.if %cond3A_17 {
      %scan3A = arith.constant 0 : i32
      %scan3A_19 = arith.constant 8 : i32
      %scan3A_20 = arith.addi %scan3A, %scan3A_19 : i32
      %scan3A_21 = arith.constant 1 : i32
      scf.for %scan3A_23 = %scan3A to %scan3A_20 step %scan3A_21  : i32 {
        %mul3A_24 = arith.constant 256 : i32
        %mul3A_25 = arith.muli %arg1, %mul3A_24 : i32
        %mul3A_26 = arith.constant 32 : i32
        %mul3A_27 = arith.muli %scan3A_23, %mul3A_26 : i32
        %add3A = arith.addi %mul3A_25, %mul3A_27 : i32
        "tpu.region"() ({
          %run_scoped3A = tpu.sem_alloc : memref<!tpu.dma_semaphore, #tpu.memory_space<semaphore_mem>>
          %dma_start3A_60 = arith.constant 0 : i32
          %dma_start3A_61 = tpu.memref_slice %arg4[%add3A, %dma_start3A_60] : memref<4096x80xi32, #tpu.memory_space<hbm>> -> memref<32x80xi32, #tpu.memory_space<hbm>>
          %dma_start3A_62 = arith.constant 0 : i32
          %dma_start3A_63 = tpu.memref_slice %arg4[%add3A, %dma_start3A_62] : memref<4096x80xi32, #tpu.memory_space<hbm>> -> memref<32x80xi32, #tpu.memory_space<hbm>>
          tpu.enqueue_dma source(%dma_start3A_63 : memref<32x80xi32, #tpu.memory_space<hbm>>) target(%arg7 : memref<32x80xi32, #tpu.memory_space<vmem>>) target_semaphore(%run_scoped3A : memref<!tpu.dma_semaphore, #tpu.memory_space<semaphore_mem>>)
          %dma_wait3A = arith.constant 0 : i32
          %dma_wait3A_64 = tpu.memref_slice %arg4[%add3A, %dma_wait3A] : memref<4096x80xi32, #tpu.memory_space<hbm>> -> memref<32x80xi32, #tpu.memory_space<hbm>>
          %dma_wait3A_65 = arith.constant 0 : i32
          %dma_wait3A_66 = tpu.memref_slice %arg4[%add3A, %dma_wait3A_65] : memref<4096x80xi32, #tpu.memory_space<hbm>> -> memref<32x80xi32, #tpu.memory_space<hbm>>
          tpu.wait_dma2 semaphore(%run_scoped3A : memref<!tpu.dma_semaphore, #tpu.memory_space<semaphore_mem>>) src(%dma_wait3A_66 : memref<32x80xi32, #tpu.memory_space<hbm>>) dst(%arg7 : memref<32x80xi32, #tpu.memory_space<vmem>>)
          tpu.yield
        }) : () -> ()
        "tpu.region"() ({
          %run_scoped3A = tpu.sem_alloc : memref<!tpu.dma_semaphore, #tpu.memory_space<semaphore_mem>>
          %dma_start3A_60 = arith.constant 0 : i32
          %dma_start3A_61 = tpu.memref_slice %arg5[%add3A, %dma_start3A_60] : memref<4096x80xi32, #tpu.memory_space<hbm>> -> memref<32x80xi32, #tpu.memory_space<hbm>>
          %dma_start3A_62 = arith.constant 0 : i32
          %dma_start3A_63 = tpu.memref_slice %arg5[%add3A, %dma_start3A_62] : memref<4096x80xi32, #tpu.memory_space<hbm>> -> memref<32x80xi32, #tpu.memory_space<hbm>>
          tpu.enqueue_dma source(%dma_start3A_63 : memref<32x80xi32, #tpu.memory_space<hbm>>) target(%arg8 : memref<32x80xi32, #tpu.memory_space<vmem>>) target_semaphore(%run_scoped3A : memref<!tpu.dma_semaphore, #tpu.memory_space<semaphore_mem>>)
          %dma_wait3A = arith.constant 0 : i32
          %dma_wait3A_64 = tpu.memref_slice %arg5[%add3A, %dma_wait3A] : memref<4096x80xi32, #tpu.memory_space<hbm>> -> memref<32x80xi32, #tpu.memory_space<hbm>>
          %dma_wait3A_65 = arith.constant 0 : i32
          %dma_wait3A_66 = tpu.memref_slice %arg5[%add3A, %dma_wait3A_65] : memref<4096x80xi32, #tpu.memory_space<hbm>> -> memref<32x80xi32, #tpu.memory_space<hbm>>
          tpu.wait_dma2 semaphore(%run_scoped3A : memref<!tpu.dma_semaphore, #tpu.memory_space<semaphore_mem>>) src(%dma_wait3A_66 : memref<32x80xi32, #tpu.memory_space<hbm>>) dst(%arg8 : memref<32x80xi32, #tpu.memory_space<vmem>>)
          tpu.yield
        }) : () -> ()
        %dma_start3A = arith.constant 0 : i32
        %dma_start3A_28 = arith.constant 0 : i32
        %dma_start3A_29 = tpu.memref_slice %arg7[%dma_start3A, %dma_start3A_28] : memref<32x80xi32, #tpu.memory_space<vmem>> -> memref<1x80xi32, #tpu.memory_space<vmem>>
        %dma_start3A_30 = tpu.memref_squeeze %dma_start3A_29 : memref<1x80xi32, #tpu.memory_space<vmem>> -> memref<80xi32, #tpu.memory_space<vmem>>
        %dma_start3A_31 = arith.constant 0 : i32
        %dma_start3A_32 = arith.constant 0 : i32
        %dma_start3A_33 = tpu.memref_slice %arg3[%dma_start3A_31, %dma_start3A_32] : memref<10240x128xf32, #tpu.memory_space<hbm>> -> memref<10240x128xf32, #tpu.memory_space<hbm>>
        tpu.enqueue_indirect_dma source(%dma_start3A_33 : memref<10240x128xf32, #tpu.memory_space<hbm>>) target(%arg9 : memref<80x128xf32, #tpu.memory_space<vmem>>) offsets(%dma_start3A_30 : memref<80xi32, #tpu.memory_space<vmem>>) semaphore(%arg14 : memref<!tpu.dma_semaphore, #tpu.memory_space<semaphore_mem>>)
        %dma_start3A_34 = arith.constant 1 : i32
        %dma_start3A_35 = arith.constant 0 : i32
        %dma_start3A_36 = tpu.memref_slice %arg7[%dma_start3A_34, %dma_start3A_35] : memref<32x80xi32, #tpu.memory_space<vmem>> -> memref<1x80xi32, #tpu.memory_space<vmem>>
        %dma_start3A_37 = tpu.memref_squeeze %dma_start3A_36 : memref<1x80xi32, #tpu.memory_space<vmem>> -> memref<80xi32, #tpu.memory_space<vmem>>
        %dma_start3A_38 = arith.constant 0 : i32
        %dma_start3A_39 = arith.constant 0 : i32
        %dma_start3A_40 = tpu.memref_slice %arg3[%dma_start3A_38, %dma_start3A_39] : memref<10240x128xf32, #tpu.memory_space<hbm>> -> memref<10240x128xf32, #tpu.memory_space<hbm>>
        tpu.enqueue_indirect_dma source(%dma_start3A_40 : memref<10240x128xf32, #tpu.memory_space<hbm>>) target(%arg10 : memref<80x128xf32, #tpu.memory_space<vmem>>) offsets(%dma_start3A_37 : memref<80xi32, #tpu.memory_space<vmem>>) semaphore(%arg15 : memref<!tpu.dma_semaphore, #tpu.memory_space<semaphore_mem>>)
        %dma_start3A_41 = arith.constant 2 : i32
        %dma_start3A_42 = arith.constant 0 : i32
        %dma_start3A_43 = tpu.memref_slice %arg7[%dma_start3A_41, %dma_start3A_42] : memref<32x80xi32, #tpu.memory_space<vmem>> -> memref<1x80xi32, #tpu.memory_space<vmem>>
        %dma_start3A_44 = tpu.memref_squeeze %dma_start3A_43 : memref<1x80xi32, #tpu.memory_space<vmem>> -> memref<80xi32, #tpu.memory_space<vmem>>
        %dma_start3A_45 = arith.constant 0 : i32
        %dma_start3A_46 = arith.constant 0 : i32
        %dma_start3A_47 = tpu.memref_slice %arg3[%dma_start3A_45, %dma_start3A_46] : memref<10240x128xf32, #tpu.memory_space<hbm>> -> memref<10240x128xf32, #tpu.memory_space<hbm>>
        tpu.enqueue_indirect_dma source(%dma_start3A_47 : memref<10240x128xf32, #tpu.memory_space<hbm>>) target(%arg11 : memref<80x128xf32, #tpu.memory_space<vmem>>) offsets(%dma_start3A_44 : memref<80xi32, #tpu.memory_space<vmem>>) semaphore(%arg16 : memref<!tpu.dma_semaphore, #tpu.memory_space<semaphore_mem>>)
        %dma_start3A_48 = arith.constant 3 : i32
        %dma_start3A_49 = arith.constant 0 : i32
        %dma_start3A_50 = tpu.memref_slice %arg7[%dma_start3A_48, %dma_start3A_49] : memref<32x80xi32, #tpu.memory_space<vmem>> -> memref<1x80xi32, #tpu.memory_space<vmem>>
        %dma_start3A_51 = tpu.memref_squeeze %dma_start3A_50 : memref<1x80xi32, #tpu.memory_space<vmem>> -> memref<80xi32, #tpu.memory_space<vmem>>
        %dma_start3A_52 = arith.constant 0 : i32
        %dma_start3A_53 = arith.constant 0 : i32
        %dma_start3A_54 = tpu.memref_slice %arg3[%dma_start3A_52, %dma_start3A_53] : memref<10240x128xf32, #tpu.memory_space<hbm>> -> memref<10240x128xf32, #tpu.memory_space<hbm>>
        tpu.enqueue_indirect_dma source(%dma_start3A_54 : memref<10240x128xf32, #tpu.memory_space<hbm>>) target(%arg12 : memref<80x128xf32, #tpu.memory_space<vmem>>) offsets(%dma_start3A_51 : memref<80xi32, #tpu.memory_space<vmem>>) semaphore(%arg17 : memref<!tpu.dma_semaphore, #tpu.memory_space<semaphore_mem>>)
        %scan3A_55 = arith.constant 0 : i32
        %scan3A_56 = arith.constant 8 : i32
        %scan3A_57 = arith.addi %scan3A_55, %scan3A_56 : i32
        %scan3A_58 = arith.constant 1 : i32
        scf.for %scan3A_60 = %scan3A_55 to %scan3A_57 step %scan3A_58  : i32 {
          %mul3A_61 = arith.constant 4 : i32
          %mul3A_62 = arith.muli %mul3A_61, %scan3A_60 : i32
          %add3A_63 = arith.constant 0 : i32
          %add3A_64 = arith.addi %mul3A_62, %add3A_63 : i32
          %dma_wait3A = arith.constant 0 : i32
          %dma_wait3A_65 = tpu.memref_slice %arg7[%add3A_64, %dma_wait3A] : memref<32x80xi32, #tpu.memory_space<vmem>> -> memref<1x80xi32, #tpu.memory_space<vmem>>
          %dma_wait3A_66 = tpu.memref_squeeze %dma_wait3A_65 : memref<1x80xi32, #tpu.memory_space<vmem>> -> memref<80xi32, #tpu.memory_space<vmem>>
          %dma_wait3A_67 = arith.constant 0 : i32
          %dma_wait3A_68 = arith.constant 0 : i32
          %dma_wait3A_69 = tpu.memref_slice %arg3[%dma_wait3A_67, %dma_wait3A_68] : memref<10240x128xf32, #tpu.memory_space<hbm>> -> memref<10240x128xf32, #tpu.memory_space<hbm>>
          tpu.wait_indirect_dma semaphore(%arg14 : memref<!tpu.dma_semaphore, #tpu.memory_space<semaphore_mem>>) src(%dma_wait3A_69 : memref<10240x128xf32, #tpu.memory_space<hbm>>) dst(%arg9 : memref<80x128xf32, #tpu.memory_space<vmem>>)
          %add3A_70 = arith.constant 0 : i32
          %add3A_71 = arith.addi %mul3A_62, %add3A_70 : i32
          %dma_start3A_72 = arith.constant 0 : i32
          %dma_start3A_73 = tpu.memref_slice %arg8[%add3A_71, %dma_start3A_72] : memref<32x80xi32, #tpu.memory_space<vmem>> -> memref<1x80xi32, #tpu.memory_space<vmem>>
          %dma_start3A_74 = tpu.memref_squeeze %dma_start3A_73 : memref<1x80xi32, #tpu.memory_space<vmem>> -> memref<80xi32, #tpu.memory_space<vmem>>
          %dma_start3A_75 = arith.constant 0 : i32
          %dma_start3A_76 = arith.constant 0 : i32
          %dma_start3A_77 = tpu.memref_slice %arg13[%dma_start3A_75, %dma_start3A_76] : memref<10240x128xf32, #tpu.memory_space<vmem_shared>> -> memref<10240x128xf32, #tpu.memory_space<vmem_shared>>
          tpu.enqueue_indirect_dma source(%arg9 : memref<80x128xf32, #tpu.memory_space<vmem>>) target(%dma_start3A_77 : memref<10240x128xf32, #tpu.memory_space<vmem_shared>>) offsets(%dma_start3A_74 : memref<80xi32, #tpu.memory_space<vmem>>) semaphore(%arg18 : memref<!tpu.dma_semaphore, #tpu.memory_space<semaphore_mem>>) {add = true}
          %add3A_78 = arith.constant 1 : i32
          %add3A_79 = arith.addi %mul3A_62, %add3A_78 : i32
          %dma_wait3A_80 = arith.constant 0 : i32
          %dma_wait3A_81 = tpu.memref_slice %arg7[%add3A_79, %dma_wait3A_80] : memref<32x80xi32, #tpu.memory_space<vmem>> -> memref<1x80xi32, #tpu.memory_space<vmem>>
          %dma_wait3A_82 = tpu.memref_squeeze %dma_wait3A_81 : memref<1x80xi32, #tpu.memory_space<vmem>> -> memref<80xi32, #tpu.memory_space<vmem>>
          %dma_wait3A_83 = arith.constant 0 : i32
          %dma_wait3A_84 = arith.constant 0 : i32
          %dma_wait3A_85 = tpu.memref_slice %arg3[%dma_wait3A_83, %dma_wait3A_84] : memref<10240x128xf32, #tpu.memory_space<hbm>> -> memref<10240x128xf32, #tpu.memory_space<hbm>>
          tpu.wait_indirect_dma semaphore(%arg15 : memref<!tpu.dma_semaphore, #tpu.memory_space<semaphore_mem>>) src(%dma_wait3A_85 : memref<10240x128xf32, #tpu.memory_space<hbm>>) dst(%arg10 : memref<80x128xf32, #tpu.memory_space<vmem>>)
          %add3A_86 = arith.constant 1 : i32
          %add3A_87 = arith.addi %mul3A_62, %add3A_86 : i32
          %dma_start3A_88 = arith.constant 0 : i32
          %dma_start3A_89 = tpu.memref_slice %arg8[%add3A_87, %dma_start3A_88] : memref<32x80xi32, #tpu.memory_space<vmem>> -> memref<1x80xi32, #tpu.memory_space<vmem>>
          %dma_start3A_90 = tpu.memref_squeeze %dma_start3A_89 : memref<1x80xi32, #tpu.memory_space<vmem>> -> memref<80xi32, #tpu.memory_space<vmem>>
          %dma_start3A_91 = arith.constant 0 : i32
          %dma_start3A_92 = arith.constant 0 : i32
          %dma_start3A_93 = tpu.memref_slice %arg13[%dma_start3A_91, %dma_start3A_92] : memref<10240x128xf32, #tpu.memory_space<vmem_shared>> -> memref<10240x128xf32, #tpu.memory_space<vmem_shared>>
          tpu.enqueue_indirect_dma source(%arg10 : memref<80x128xf32, #tpu.memory_space<vmem>>) target(%dma_start3A_93 : memref<10240x128xf32, #tpu.memory_space<vmem_shared>>) offsets(%dma_start3A_90 : memref<80xi32, #tpu.memory_space<vmem>>) semaphore(%arg19 : memref<!tpu.dma_semaphore, #tpu.memory_space<semaphore_mem>>) {add = true}
          %add3A_94 = arith.constant 2 : i32
          %add3A_95 = arith.addi %mul3A_62, %add3A_94 : i32
          %dma_wait3A_96 = arith.constant 0 : i32
          %dma_wait3A_97 = tpu.memref_slice %arg7[%add3A_95, %dma_wait3A_96] : memref<32x80xi32, #tpu.memory_space<vmem>> -> memref<1x80xi32, #tpu.memory_space<vmem>>
          %dma_wait3A_98 = tpu.memref_squeeze %dma_wait3A_97 : memref<1x80xi32, #tpu.memory_space<vmem>> -> memref<80xi32, #tpu.memory_space<vmem>>
          %dma_wait3A_99 = arith.constant 0 : i32
          %dma_wait3A_100 = arith.constant 0 : i32
          %dma_wait3A_101 = tpu.memref_slice %arg3[%dma_wait3A_99, %dma_wait3A_100] : memref<10240x128xf32, #tpu.memory_space<hbm>> -> memref<10240x128xf32, #tpu.memory_space<hbm>>
          tpu.wait_indirect_dma semaphore(%arg16 : memref<!tpu.dma_semaphore, #tpu.memory_space<semaphore_mem>>) src(%dma_wait3A_101 : memref<10240x128xf32, #tpu.memory_space<hbm>>) dst(%arg11 : memref<80x128xf32, #tpu.memory_space<vmem>>)
          %add3A_102 = arith.constant 2 : i32
          %add3A_103 = arith.addi %mul3A_62, %add3A_102 : i32
          %dma_start3A_104 = arith.constant 0 : i32
          %dma_start3A_105 = tpu.memref_slice %arg8[%add3A_103, %dma_start3A_104] : memref<32x80xi32, #tpu.memory_space<vmem>> -> memref<1x80xi32, #tpu.memory_space<vmem>>
          %dma_start3A_106 = tpu.memref_squeeze %dma_start3A_105 : memref<1x80xi32, #tpu.memory_space<vmem>> -> memref<80xi32, #tpu.memory_space<vmem>>
          %dma_start3A_107 = arith.constant 0 : i32
          %dma_start3A_108 = arith.constant 0 : i32
          %dma_start3A_109 = tpu.memref_slice %arg13[%dma_start3A_107, %dma_start3A_108] : memref<10240x128xf32, #tpu.memory_space<vmem_shared>> -> memref<10240x128xf32, #tpu.memory_space<vmem_shared>>
          tpu.enqueue_indirect_dma source(%arg11 : memref<80x128xf32, #tpu.memory_space<vmem>>) target(%dma_start3A_109 : memref<10240x128xf32, #tpu.memory_space<vmem_shared>>) offsets(%dma_start3A_106 : memref<80xi32, #tpu.memory_space<vmem>>) semaphore(%arg20 : memref<!tpu.dma_semaphore, #tpu.memory_space<semaphore_mem>>) {add = true}
          %add3A_110 = arith.constant 3 : i32
          %add3A_111 = arith.addi %mul3A_62, %add3A_110 : i32
          %dma_wait3A_112 = arith.constant 0 : i32
          %dma_wait3A_113 = tpu.memref_slice %arg7[%add3A_111, %dma_wait3A_112] : memref<32x80xi32, #tpu.memory_space<vmem>> -> memref<1x80xi32, #tpu.memory_space<vmem>>
          %dma_wait3A_114 = tpu.memref_squeeze %dma_wait3A_113 : memref<1x80xi32, #tpu.memory_space<vmem>> -> memref<80xi32, #tpu.memory_space<vmem>>
          %dma_wait3A_115 = arith.constant 0 : i32
          %dma_wait3A_116 = arith.constant 0 : i32
          %dma_wait3A_117 = tpu.memref_slice %arg3[%dma_wait3A_115, %dma_wait3A_116] : memref<10240x128xf32, #tpu.memory_space<hbm>> -> memref<10240x128xf32, #tpu.memory_space<hbm>>
          tpu.wait_indirect_dma semaphore(%arg17 : memref<!tpu.dma_semaphore, #tpu.memory_space<semaphore_mem>>) src(%dma_wait3A_117 : memref<10240x128xf32, #tpu.memory_space<hbm>>) dst(%arg12 : memref<80x128xf32, #tpu.memory_space<vmem>>)
          %add3A_118 = arith.constant 3 : i32
          %add3A_119 = arith.addi %mul3A_62, %add3A_118 : i32
          %dma_start3A_120 = arith.constant 0 : i32
          %dma_start3A_121 = tpu.memref_slice %arg8[%add3A_119, %dma_start3A_120] : memref<32x80xi32, #tpu.memory_space<vmem>> -> memref<1x80xi32, #tpu.memory_space<vmem>>
          %dma_start3A_122 = tpu.memref_squeeze %dma_start3A_121 : memref<1x80xi32, #tpu.memory_space<vmem>> -> memref<80xi32, #tpu.memory_space<vmem>>
          %dma_start3A_123 = arith.constant 0 : i32
          %dma_start3A_124 = arith.constant 0 : i32
          %dma_start3A_125 = tpu.memref_slice %arg13[%dma_start3A_123, %dma_start3A_124] : memref<10240x128xf32, #tpu.memory_space<vmem_shared>> -> memref<10240x128xf32, #tpu.memory_space<vmem_shared>>
          tpu.enqueue_indirect_dma source(%arg12 : memref<80x128xf32, #tpu.memory_space<vmem>>) target(%dma_start3A_125 : memref<10240x128xf32, #tpu.memory_space<vmem_shared>>) offsets(%dma_start3A_122 : memref<80xi32, #tpu.memory_space<vmem>>) semaphore(%arg21 : memref<!tpu.dma_semaphore, #tpu.memory_space<semaphore_mem>>) {add = true}
          %dma_wait3A_126 = arith.constant 0 : i32
          %dma_wait3A_127 = tpu.memref_slice %arg8[%add3A_71, %dma_wait3A_126] : memref<32x80xi32, #tpu.memory_space<vmem>> -> memref<1x80xi32, #tpu.memory_space<vmem>>
          %dma_wait3A_128 = tpu.memref_squeeze %dma_wait3A_127 : memref<1x80xi32, #tpu.memory_space<vmem>> -> memref<80xi32, #tpu.memory_space<vmem>>
          %dma_wait3A_129 = arith.constant 0 : i32
          %dma_wait3A_130 = arith.constant 0 : i32
          %dma_wait3A_131 = tpu.memref_slice %arg13[%dma_wait3A_129, %dma_wait3A_130] : memref<10240x128xf32, #tpu.memory_space<vmem_shared>> -> memref<10240x128xf32, #tpu.memory_space<vmem_shared>>
          tpu.wait_indirect_dma semaphore(%arg18 : memref<!tpu.dma_semaphore, #tpu.memory_space<semaphore_mem>>) src(%arg9 : memref<80x128xf32, #tpu.memory_space<vmem>>) dst(%dma_wait3A_131 : memref<10240x128xf32, #tpu.memory_space<vmem_shared>>)
          %lt3A = arith.constant 7 : i32
          %lt3A_132 = arith.cmpi slt, %scan3A_60, %lt3A : i32
          %convert_element_type3A_133 = arith.extui %lt3A_132 : i1 to i32
          %cond3A_134 = arith.constant 0 : i32
          %cond3A_135 = arith.cmpi ne, %convert_element_type3A_133, %cond3A_134 : i32
          scf.if %cond3A_135 {
            %add3A_169 = arith.constant 4 : i32
            %add3A_170 = arith.addi %mul3A_62, %add3A_169 : i32
            %add3A_171 = arith.constant 0 : i32
            %add3A_172 = arith.addi %add3A_170, %add3A_171 : i32
            %dma_start3A_173 = arith.constant 0 : i32
            %dma_start3A_174 = tpu.memref_slice %arg7[%add3A_172, %dma_start3A_173] : memref<32x80xi32, #tpu.memory_space<vmem>> -> memref<1x80xi32, #tpu.memory_space<vmem>>
            %dma_start3A_175 = tpu.memref_squeeze %dma_start3A_174 : memref<1x80xi32, #tpu.memory_space<vmem>> -> memref<80xi32, #tpu.memory_space<vmem>>
            %dma_start3A_176 = arith.constant 0 : i32
            %dma_start3A_177 = arith.constant 0 : i32
            %dma_start3A_178 = tpu.memref_slice %arg3[%dma_start3A_176, %dma_start3A_177] : memref<10240x128xf32, #tpu.memory_space<hbm>> -> memref<10240x128xf32, #tpu.memory_space<hbm>>
            tpu.enqueue_indirect_dma source(%dma_start3A_178 : memref<10240x128xf32, #tpu.memory_space<hbm>>) target(%arg9 : memref<80x128xf32, #tpu.memory_space<vmem>>) offsets(%dma_start3A_175 : memref<80xi32, #tpu.memory_space<vmem>>) semaphore(%arg14 : memref<!tpu.dma_semaphore, #tpu.memory_space<semaphore_mem>>)
          } else {
          }
          %dma_wait3A_136 = arith.constant 0 : i32
          %dma_wait3A_137 = tpu.memref_slice %arg8[%add3A_87, %dma_wait3A_136] : memref<32x80xi32, #tpu.memory_space<vmem>> -> memref<1x80xi32, #tpu.memory_space<vmem>>
          %dma_wait3A_138 = tpu.memref_squeeze %dma_wait3A_137 : memref<1x80xi32, #tpu.memory_space<vmem>> -> memref<80xi32, #tpu.memory_space<vmem>>
          %dma_wait3A_139 = arith.constant 0 : i32
          %dma_wait3A_140 = arith.constant 0 : i32
          %dma_wait3A_141 = tpu.memref_slice %arg13[%dma_wait3A_139, %dma_wait3A_140] : memref<10240x128xf32, #tpu.memory_space<vmem_shared>> -> memref<10240x128xf32, #tpu.memory_space<vmem_shared>>
          tpu.wait_indirect_dma semaphore(%arg19 : memref<!tpu.dma_semaphore, #tpu.memory_space<semaphore_mem>>) src(%arg10 : memref<80x128xf32, #tpu.memory_space<vmem>>) dst(%dma_wait3A_141 : memref<10240x128xf32, #tpu.memory_space<vmem_shared>>)
          %lt3A_142 = arith.constant 7 : i32
          %lt3A_143 = arith.cmpi slt, %scan3A_60, %lt3A_142 : i32
          %convert_element_type3A_144 = arith.extui %lt3A_143 : i1 to i32
          %cond3A_145 = arith.constant 0 : i32
          %cond3A_146 = arith.cmpi ne, %convert_element_type3A_144, %cond3A_145 : i32
          scf.if %cond3A_146 {
            %add3A_169 = arith.constant 4 : i32
            %add3A_170 = arith.addi %mul3A_62, %add3A_169 : i32
            %add3A_171 = arith.constant 1 : i32
            %add3A_172 = arith.addi %add3A_170, %add3A_171 : i32
            %dma_start3A_173 = arith.constant 0 : i32
            %dma_start3A_174 = tpu.memref_slice %arg7[%add3A_172, %dma_start3A_173] : memref<32x80xi32, #tpu.memory_space<vmem>> -> memref<1x80xi32, #tpu.memory_space<vmem>>
            %dma_start3A_175 = tpu.memref_squeeze %dma_start3A_174 : memref<1x80xi32, #tpu.memory_space<vmem>> -> memref<80xi32, #tpu.memory_space<vmem>>
            %dma_start3A_176 = arith.constant 0 : i32
            %dma_start3A_177 = arith.constant 0 : i32
            %dma_start3A_178 = tpu.memref_slice %arg3[%dma_start3A_176, %dma_start3A_177] : memref<10240x128xf32, #tpu.memory_space<hbm>> -> memref<10240x128xf32, #tpu.memory_space<hbm>>
            tpu.enqueue_indirect_dma source(%dma_start3A_178 : memref<10240x128xf32, #tpu.memory_space<hbm>>) target(%arg10 : memref<80x128xf32, #tpu.memory_space<vmem>>) offsets(%dma_start3A_175 : memref<80xi32, #tpu.memory_space<vmem>>) semaphore(%arg15 : memref<!tpu.dma_semaphore, #tpu.memory_space<semaphore_mem>>)
          } else {
          }
          %dma_wait3A_147 = arith.constant 0 : i32
          %dma_wait3A_148 = tpu.memref_slice %arg8[%add3A_103, %dma_wait3A_147] : memref<32x80xi32, #tpu.memory_space<vmem>> -> memref<1x80xi32, #tpu.memory_space<vmem>>
          %dma_wait3A_149 = tpu.memref_squeeze %dma_wait3A_148 : memref<1x80xi32, #tpu.memory_space<vmem>> -> memref<80xi32, #tpu.memory_space<vmem>>
          %dma_wait3A_150 = arith.constant 0 : i32
          %dma_wait3A_151 = arith.constant 0 : i32
          %dma_wait3A_152 = tpu.memref_slice %arg13[%dma_wait3A_150, %dma_wait3A_151] : memref<10240x128xf32, #tpu.memory_space<vmem_shared>> -> memref<10240x128xf32, #tpu.memory_space<vmem_shared>>
          tpu.wait_indirect_dma semaphore(%arg20 : memref<!tpu.dma_semaphore, #tpu.memory_space<semaphore_mem>>) src(%arg11 : memref<80x128xf32, #tpu.memory_space<vmem>>) dst(%dma_wait3A_152 : memref<10240x128xf32, #tpu.memory_space<vmem_shared>>)
          %lt3A_153 = arith.constant 7 : i32
          %lt3A_154 = arith.cmpi slt, %scan3A_60, %lt3A_153 : i32
          %convert_element_type3A_155 = arith.extui %lt3A_154 : i1 to i32
          %cond3A_156 = arith.constant 0 : i32
          %cond3A_157 = arith.cmpi ne, %convert_element_type3A_155, %cond3A_156 : i32
          scf.if %cond3A_157 {
            %add3A_169 = arith.constant 4 : i32
            %add3A_170 = arith.addi %mul3A_62, %add3A_169 : i32
            %add3A_171 = arith.constant 2 : i32
            %add3A_172 = arith.addi %add3A_170, %add3A_171 : i32
            %dma_start3A_173 = arith.constant 0 : i32
            %dma_start3A_174 = tpu.memref_slice %arg7[%add3A_172, %dma_start3A_173] : memref<32x80xi32, #tpu.memory_space<vmem>> -> memref<1x80xi32, #tpu.memory_space<vmem>>
            %dma_start3A_175 = tpu.memref_squeeze %dma_start3A_174 : memref<1x80xi32, #tpu.memory_space<vmem>> -> memref<80xi32, #tpu.memory_space<vmem>>
            %dma_start3A_176 = arith.constant 0 : i32
            %dma_start3A_177 = arith.constant 0 : i32
            %dma_start3A_178 = tpu.memref_slice %arg3[%dma_start3A_176, %dma_start3A_177] : memref<10240x128xf32, #tpu.memory_space<hbm>> -> memref<10240x128xf32, #tpu.memory_space<hbm>>
            tpu.enqueue_indirect_dma source(%dma_start3A_178 : memref<10240x128xf32, #tpu.memory_space<hbm>>) target(%arg11 : memref<80x128xf32, #tpu.memory_space<vmem>>) offsets(%dma_start3A_175 : memref<80xi32, #tpu.memory_space<vmem>>) semaphore(%arg16 : memref<!tpu.dma_semaphore, #tpu.memory_space<semaphore_mem>>)
          } else {
          }
          %dma_wait3A_158 = arith.constant 0 : i32
          %dma_wait3A_159 = tpu.memref_slice %arg8[%add3A_119, %dma_wait3A_158] : memref<32x80xi32, #tpu.memory_space<vmem>> -> memref<1x80xi32, #tpu.memory_space<vmem>>
          %dma_wait3A_160 = tpu.memref_squeeze %dma_wait3A_159 : memref<1x80xi32, #tpu.memory_space<vmem>> -> memref<80xi32, #tpu.memory_space<vmem>>
          %dma_wait3A_161 = arith.constant 0 : i32
          %dma_wait3A_162 = arith.constant 0 : i32
          %dma_wait3A_163 = tpu.memref_slice %arg13[%dma_wait3A_161, %dma_wait3A_162] : memref<10240x128xf32, #tpu.memory_space<vmem_shared>> -> memref<10240x128xf32, #tpu.memory_space<vmem_shared>>
          tpu.wait_indirect_dma semaphore(%arg21 : memref<!tpu.dma_semaphore, #tpu.memory_space<semaphore_mem>>) src(%arg12 : memref<80x128xf32, #tpu.memory_space<vmem>>) dst(%dma_wait3A_163 : memref<10240x128xf32, #tpu.memory_space<vmem_shared>>)
          %lt3A_164 = arith.constant 7 : i32
          %lt3A_165 = arith.cmpi slt, %scan3A_60, %lt3A_164 : i32
          %convert_element_type3A_166 = arith.extui %lt3A_165 : i1 to i32
          %cond3A_167 = arith.constant 0 : i32
          %cond3A_168 = arith.cmpi ne, %convert_element_type3A_166, %cond3A_167 : i32
          scf.if %cond3A_168 {
            %add3A_169 = arith.constant 4 : i32
            %add3A_170 = arith.addi %mul3A_62, %add3A_169 : i32
            %add3A_171 = arith.constant 3 : i32
            %add3A_172 = arith.addi %add3A_170, %add3A_171 : i32
            %dma_start3A_173 = arith.constant 0 : i32
            %dma_start3A_174 = tpu.memref_slice %arg7[%add3A_172, %dma_start3A_173] : memref<32x80xi32, #tpu.memory_space<vmem>> -> memref<1x80xi32, #tpu.memory_space<vmem>>
            %dma_start3A_175 = tpu.memref_squeeze %dma_start3A_174 : memref<1x80xi32, #tpu.memory_space<vmem>> -> memref<80xi32, #tpu.memory_space<vmem>>
            %dma_start3A_176 = arith.constant 0 : i32
            %dma_start3A_177 = arith.constant 0 : i32
            %dma_start3A_178 = tpu.memref_slice %arg3[%dma_start3A_176, %dma_start3A_177] : memref<10240x128xf32, #tpu.memory_space<hbm>> -> memref<10240x128xf32, #tpu.memory_space<hbm>>
            tpu.enqueue_indirect_dma source(%dma_start3A_178 : memref<10240x128xf32, #tpu.memory_space<hbm>>) target(%arg12 : memref<80x128xf32, #tpu.memory_space<vmem>>) offsets(%dma_start3A_175 : memref<80xi32, #tpu.memory_space<vmem>>) semaphore(%arg17 : memref<!tpu.dma_semaphore, #tpu.memory_space<semaphore_mem>>)
          } else {
          }
        }
        %scan3A_59 = arith.constant 8 : i32
      }
      %scan3A_22 = arith.constant 8 : i32
    } else {
    }
    %barrier3A_18 = arith.constant 0 : index
    tpu.barrier barrier_id(%barrier3A_18)
    "tpu.region"() ({
      %run_scoped3A = tpu.sem_alloc : memref<!tpu.dma_semaphore, #tpu.memory_space<semaphore_mem>>
      %dma_start3A = arith.constant 0 : i32
      %dma_start3A_19 = tpu.memref_slice %arg6[%arg0, %mul3A_0, %dma_start3A] : memref<2x10240x128xf32, #tpu.memory_space<hbm>> -> memref<1x640x128xf32, #tpu.memory_space<hbm>>
      %dma_start3A_20 = tpu.memref_squeeze %dma_start3A_19 : memref<1x640x128xf32, #tpu.memory_space<hbm>> -> memref<640x128xf32, #tpu.memory_space<hbm>>
      %dma_start3A_21 = arith.constant 0 : i32
      %dma_start3A_22 = tpu.memref_slice %arg13[%mul3A_0, %dma_start3A_21] : memref<10240x128xf32, #tpu.memory_space<vmem_shared>> -> memref<640x128xf32, #tpu.memory_space<vmem_shared>>
      tpu.enqueue_dma source(%dma_start3A_22 : memref<640x128xf32, #tpu.memory_space<vmem_shared>>) target(%dma_start3A_20 : memref<640x128xf32, #tpu.memory_space<hbm>>) target_semaphore(%run_scoped3A : memref<!tpu.dma_semaphore, #tpu.memory_space<semaphore_mem>>)
      %dma_wait3A = arith.constant 0 : i32
      %dma_wait3A_23 = tpu.memref_slice %arg6[%arg0, %mul3A_0, %dma_wait3A] : memref<2x10240x128xf32, #tpu.memory_space<hbm>> -> memref<1x640x128xf32, #tpu.memory_space<hbm>>
      %dma_wait3A_24 = tpu.memref_squeeze %dma_wait3A_23 : memref<1x640x128xf32, #tpu.memory_space<hbm>> -> memref<640x128xf32, #tpu.memory_space<hbm>>
      %dma_wait3A_25 = arith.constant 0 : i32
      %dma_wait3A_26 = tpu.memref_slice %arg13[%mul3A_0, %dma_wait3A_25] : memref<10240x128xf32, #tpu.memory_space<vmem_shared>> -> memref<640x128xf32, #tpu.memory_space<vmem_shared>>
      tpu.wait_dma2 semaphore(%run_scoped3A : memref<!tpu.dma_semaphore, #tpu.memory_space<semaphore_mem>>) src(%dma_wait3A_26 : memref<640x128xf32, #tpu.memory_space<vmem_shared>>) dst(%dma_wait3A_24 : memref<640x128xf32, #tpu.memory_space<hbm>>)
      tpu.yield
    }) : () -> ()
    return
  }
}

#map = affine_map<(d0, d1) -> (0, 0)>
#map1 = affine_map<(d0, d1) -> (0, 0, 0)>
module attributes {stable_mosaic.version = 14 : i64} {
  func.func @_deg_kernel(%arg0: i32, %arg1: i32, %arg2: memref<2560x128xi32, #tpu.memory_space<hbm>>, %arg3: memref<128x128xf32, #tpu.memory_space<hbm>>, %arg4: memref<640x128xf32, #tpu.memory_space<hbm>>, %arg5: memref<2x10240x128xf32, #tpu.memory_space<hbm>>, %arg6: memref<80x128xi32, #tpu.memory_space<vmem>>, %arg7: memref<128x128xf32, #tpu.memory_space<vmem>>, %arg8: memref<10240x128xf32, #tpu.memory_space<vmem_shared>>, %arg9: memref<!tpu.dma_semaphore, #tpu.memory_space<semaphore_mem>>) attributes {dimension_semantics = [#tpu.dimension_semantics<core_parallel>, #tpu.dimension_semantics<subcore_parallel>], iteration_bounds = array<i64: 2, 16>, scalar_prefetch = 0 : i64, scratch_operands = 4 : i64, tpu.core_type = #tpu.core_type<sc_vector_subcore>, window_params = [{transform_indices = #map}, {transform_indices = #map}, {transform_indices = #map}, {transform_indices = #map1}]} {
    %mul3A = arith.constant 640 : i32
    %mul3A_0 = arith.muli %arg1, %mul3A : i32
    "tpu.region"() ({
      %run_scoped3A = tpu.sem_alloc : memref<!tpu.dma_semaphore, #tpu.memory_space<semaphore_mem>>
      %dma_start3A = arith.constant 0 : i32
      %dma_start3A_10 = tpu.memref_slice %arg8[%mul3A_0, %dma_start3A] : memref<10240x128xf32, #tpu.memory_space<vmem_shared>> -> memref<640x128xf32, #tpu.memory_space<vmem_shared>>
      tpu.enqueue_dma source(%arg4 : memref<640x128xf32, #tpu.memory_space<hbm>>) target(%dma_start3A_10 : memref<640x128xf32, #tpu.memory_space<vmem_shared>>) target_semaphore(%run_scoped3A : memref<!tpu.dma_semaphore, #tpu.memory_space<semaphore_mem>>)
      %dma_wait3A = arith.constant 0 : i32
      %dma_wait3A_11 = tpu.memref_slice %arg8[%mul3A_0, %dma_wait3A] : memref<10240x128xf32, #tpu.memory_space<vmem_shared>> -> memref<640x128xf32, #tpu.memory_space<vmem_shared>>
      tpu.wait_dma2 semaphore(%run_scoped3A : memref<!tpu.dma_semaphore, #tpu.memory_space<semaphore_mem>>) src(%arg4 : memref<640x128xf32, #tpu.memory_space<hbm>>) dst(%dma_wait3A_11 : memref<640x128xf32, #tpu.memory_space<vmem_shared>>)
      tpu.yield
    }) : () -> ()
    "tpu.region"() ({
      %run_scoped3A = tpu.sem_alloc : memref<!tpu.dma_semaphore, #tpu.memory_space<semaphore_mem>>
      tpu.enqueue_dma source(%arg3 : memref<128x128xf32, #tpu.memory_space<hbm>>) target(%arg7 : memref<128x128xf32, #tpu.memory_space<vmem>>) target_semaphore(%run_scoped3A : memref<!tpu.dma_semaphore, #tpu.memory_space<semaphore_mem>>)
      tpu.wait_dma2 semaphore(%run_scoped3A : memref<!tpu.dma_semaphore, #tpu.memory_space<semaphore_mem>>) src(%arg3 : memref<128x128xf32, #tpu.memory_space<hbm>>) dst(%arg7 : memref<128x128xf32, #tpu.memory_space<vmem>>)
      tpu.yield
    }) : () -> ()
    %mul3A_1 = arith.constant 1280 : i32
    %mul3A_2 = arith.muli %arg0, %mul3A_1 : i32
    %mul3A_3 = arith.constant 80 : i32
    %mul3A_4 = arith.muli %arg1, %mul3A_3 : i32
    %add3A = arith.addi %mul3A_2, %mul3A_4 : i32
    "tpu.region"() ({
      %run_scoped3A = tpu.sem_alloc : memref<!tpu.dma_semaphore, #tpu.memory_space<semaphore_mem>>
      %dma_start3A = arith.constant 0 : i32
      %dma_start3A_10 = tpu.memref_slice %arg2[%add3A, %dma_start3A] : memref<2560x128xi32, #tpu.memory_space<hbm>> -> memref<80x128xi32, #tpu.memory_space<hbm>>
      %dma_start3A_11 = arith.constant 0 : i32
      %dma_start3A_12 = tpu.memref_slice %arg2[%add3A, %dma_start3A_11] : memref<2560x128xi32, #tpu.memory_space<hbm>> -> memref<80x128xi32, #tpu.memory_space<hbm>>
      tpu.enqueue_dma source(%dma_start3A_12 : memref<80x128xi32, #tpu.memory_space<hbm>>) target(%arg6 : memref<80x128xi32, #tpu.memory_space<vmem>>) target_semaphore(%run_scoped3A : memref<!tpu.dma_semaphore, #tpu.memory_space<semaphore_mem>>)
      %dma_wait3A = arith.constant 0 : i32
      %dma_wait3A_13 = tpu.memref_slice %arg2[%add3A, %dma_wait3A] : memref<2560x128xi32, #tpu.memory_space<hbm>> -> memref<80x128xi32, #tpu.memory_space<hbm>>
      %dma_wait3A_14 = arith.constant 0 : i32
      %dma_wait3A_15 = tpu.memref_slice %arg2[%add3A, %dma_wait3A_14] : memref<2560x128xi32, #tpu.memory_space<hbm>> -> memref<80x128xi32, #tpu.memory_space<hbm>>
      tpu.wait_dma2 semaphore(%run_scoped3A : memref<!tpu.dma_semaphore, #tpu.memory_space<semaphore_mem>>) src(%dma_wait3A_15 : memref<80x128xi32, #tpu.memory_space<hbm>>) dst(%arg6 : memref<80x128xi32, #tpu.memory_space<vmem>>)
      tpu.yield
    }) : () -> ()
    %barrier3A = arith.constant 0 : index
    tpu.barrier barrier_id(%barrier3A)
    %scan3A = arith.constant 0 : i32
    %scan3A_5 = arith.constant 20 : i32
    %scan3A_6 = arith.addi %scan3A, %scan3A_5 : i32
    %scan3A_7 = arith.constant 1 : i32
    scf.for %scan3A_10 = %scan3A to %scan3A_6 step %scan3A_7  : i32 {
      %mul3A_11 = arith.constant 4 : i32
      %mul3A_12 = arith.muli %mul3A_11, %scan3A_10 : i32
      %add3A_13 = arith.constant 0 : i32
      %add3A_14 = arith.addi %mul3A_12, %add3A_13 : i32
      %dma_start3A = arith.constant 0 : i32
      %dma_start3A_15 = tpu.memref_slice %arg6[%add3A_14, %dma_start3A] : memref<80x128xi32, #tpu.memory_space<vmem>> -> memref<1x128xi32, #tpu.memory_space<vmem>>
      %dma_start3A_16 = tpu.memref_squeeze %dma_start3A_15 : memref<1x128xi32, #tpu.memory_space<vmem>> -> memref<128xi32, #tpu.memory_space<vmem>>
      %dma_start3A_17 = arith.constant 0 : i32
      %dma_start3A_18 = arith.constant 0 : i32
      %dma_start3A_19 = tpu.memref_slice %arg8[%dma_start3A_17, %dma_start3A_18] : memref<10240x128xf32, #tpu.memory_space<vmem_shared>> -> memref<10240x128xf32, #tpu.memory_space<vmem_shared>>
      tpu.enqueue_indirect_dma source(%arg7 : memref<128x128xf32, #tpu.memory_space<vmem>>) target(%dma_start3A_19 : memref<10240x128xf32, #tpu.memory_space<vmem_shared>>) offsets(%dma_start3A_16 : memref<128xi32, #tpu.memory_space<vmem>>) semaphore(%arg9 : memref<!tpu.dma_semaphore, #tpu.memory_space<semaphore_mem>>) {add = true}
      %mul3A_20 = arith.constant 4 : i32
      %mul3A_21 = arith.muli %mul3A_20, %scan3A_10 : i32
      %add3A_22 = arith.constant 1 : i32
      %add3A_23 = arith.addi %mul3A_21, %add3A_22 : i32
      %dma_start3A_24 = arith.constant 0 : i32
      %dma_start3A_25 = tpu.memref_slice %arg6[%add3A_23, %dma_start3A_24] : memref<80x128xi32, #tpu.memory_space<vmem>> -> memref<1x128xi32, #tpu.memory_space<vmem>>
      %dma_start3A_26 = tpu.memref_squeeze %dma_start3A_25 : memref<1x128xi32, #tpu.memory_space<vmem>> -> memref<128xi32, #tpu.memory_space<vmem>>
      %dma_start3A_27 = arith.constant 0 : i32
      %dma_start3A_28 = arith.constant 0 : i32
      %dma_start3A_29 = tpu.memref_slice %arg8[%dma_start3A_27, %dma_start3A_28] : memref<10240x128xf32, #tpu.memory_space<vmem_shared>> -> memref<10240x128xf32, #tpu.memory_space<vmem_shared>>
      tpu.enqueue_indirect_dma source(%arg7 : memref<128x128xf32, #tpu.memory_space<vmem>>) target(%dma_start3A_29 : memref<10240x128xf32, #tpu.memory_space<vmem_shared>>) offsets(%dma_start3A_26 : memref<128xi32, #tpu.memory_space<vmem>>) semaphore(%arg9 : memref<!tpu.dma_semaphore, #tpu.memory_space<semaphore_mem>>) {add = true}
      %mul3A_30 = arith.constant 4 : i32
      %mul3A_31 = arith.muli %mul3A_30, %scan3A_10 : i32
      %add3A_32 = arith.constant 2 : i32
      %add3A_33 = arith.addi %mul3A_31, %add3A_32 : i32
      %dma_start3A_34 = arith.constant 0 : i32
      %dma_start3A_35 = tpu.memref_slice %arg6[%add3A_33, %dma_start3A_34] : memref<80x128xi32, #tpu.memory_space<vmem>> -> memref<1x128xi32, #tpu.memory_space<vmem>>
      %dma_start3A_36 = tpu.memref_squeeze %dma_start3A_35 : memref<1x128xi32, #tpu.memory_space<vmem>> -> memref<128xi32, #tpu.memory_space<vmem>>
      %dma_start3A_37 = arith.constant 0 : i32
      %dma_start3A_38 = arith.constant 0 : i32
      %dma_start3A_39 = tpu.memref_slice %arg8[%dma_start3A_37, %dma_start3A_38] : memref<10240x128xf32, #tpu.memory_space<vmem_shared>> -> memref<10240x128xf32, #tpu.memory_space<vmem_shared>>
      tpu.enqueue_indirect_dma source(%arg7 : memref<128x128xf32, #tpu.memory_space<vmem>>) target(%dma_start3A_39 : memref<10240x128xf32, #tpu.memory_space<vmem_shared>>) offsets(%dma_start3A_36 : memref<128xi32, #tpu.memory_space<vmem>>) semaphore(%arg9 : memref<!tpu.dma_semaphore, #tpu.memory_space<semaphore_mem>>) {add = true}
      %mul3A_40 = arith.constant 4 : i32
      %mul3A_41 = arith.muli %mul3A_40, %scan3A_10 : i32
      %add3A_42 = arith.constant 3 : i32
      %add3A_43 = arith.addi %mul3A_41, %add3A_42 : i32
      %dma_start3A_44 = arith.constant 0 : i32
      %dma_start3A_45 = tpu.memref_slice %arg6[%add3A_43, %dma_start3A_44] : memref<80x128xi32, #tpu.memory_space<vmem>> -> memref<1x128xi32, #tpu.memory_space<vmem>>
      %dma_start3A_46 = tpu.memref_squeeze %dma_start3A_45 : memref<1x128xi32, #tpu.memory_space<vmem>> -> memref<128xi32, #tpu.memory_space<vmem>>
      %dma_start3A_47 = arith.constant 0 : i32
      %dma_start3A_48 = arith.constant 0 : i32
      %dma_start3A_49 = tpu.memref_slice %arg8[%dma_start3A_47, %dma_start3A_48] : memref<10240x128xf32, #tpu.memory_space<vmem_shared>> -> memref<10240x128xf32, #tpu.memory_space<vmem_shared>>
      tpu.enqueue_indirect_dma source(%arg7 : memref<128x128xf32, #tpu.memory_space<vmem>>) target(%dma_start3A_49 : memref<10240x128xf32, #tpu.memory_space<vmem_shared>>) offsets(%dma_start3A_46 : memref<128xi32, #tpu.memory_space<vmem>>) semaphore(%arg9 : memref<!tpu.dma_semaphore, #tpu.memory_space<semaphore_mem>>) {add = true}
      %dma_wait3A = arith.constant 0 : i32
      %dma_wait3A_50 = tpu.memref_slice %arg6[%add3A_14, %dma_wait3A] : memref<80x128xi32, #tpu.memory_space<vmem>> -> memref<1x128xi32, #tpu.memory_space<vmem>>
      %dma_wait3A_51 = tpu.memref_squeeze %dma_wait3A_50 : memref<1x128xi32, #tpu.memory_space<vmem>> -> memref<128xi32, #tpu.memory_space<vmem>>
      %dma_wait3A_52 = arith.constant 0 : i32
      %dma_wait3A_53 = arith.constant 0 : i32
      %dma_wait3A_54 = tpu.memref_slice %arg8[%dma_wait3A_52, %dma_wait3A_53] : memref<10240x128xf32, #tpu.memory_space<vmem_shared>> -> memref<10240x128xf32, #tpu.memory_space<vmem_shared>>
      tpu.wait_indirect_dma semaphore(%arg9 : memref<!tpu.dma_semaphore, #tpu.memory_space<semaphore_mem>>) src(%arg7 : memref<128x128xf32, #tpu.memory_space<vmem>>) dst(%dma_wait3A_54 : memref<10240x128xf32, #tpu.memory_space<vmem_shared>>)
      %dma_wait3A_55 = arith.constant 0 : i32
      %dma_wait3A_56 = tpu.memref_slice %arg6[%add3A_23, %dma_wait3A_55] : memref<80x128xi32, #tpu.memory_space<vmem>> -> memref<1x128xi32, #tpu.memory_space<vmem>>
      %dma_wait3A_57 = tpu.memref_squeeze %dma_wait3A_56 : memref<1x128xi32, #tpu.memory_space<vmem>> -> memref<128xi32, #tpu.memory_space<vmem>>
      %dma_wait3A_58 = arith.constant 0 : i32
      %dma_wait3A_59 = arith.constant 0 : i32
      %dma_wait3A_60 = tpu.memref_slice %arg8[%dma_wait3A_58, %dma_wait3A_59] : memref<10240x128xf32, #tpu.memory_space<vmem_shared>> -> memref<10240x128xf32, #tpu.memory_space<vmem_shared>>
      tpu.wait_indirect_dma semaphore(%arg9 : memref<!tpu.dma_semaphore, #tpu.memory_space<semaphore_mem>>) src(%arg7 : memref<128x128xf32, #tpu.memory_space<vmem>>) dst(%dma_wait3A_60 : memref<10240x128xf32, #tpu.memory_space<vmem_shared>>)
      %dma_wait3A_61 = arith.constant 0 : i32
      %dma_wait3A_62 = tpu.memref_slice %arg6[%add3A_33, %dma_wait3A_61] : memref<80x128xi32, #tpu.memory_space<vmem>> -> memref<1x128xi32, #tpu.memory_space<vmem>>
      %dma_wait3A_63 = tpu.memref_squeeze %dma_wait3A_62 : memref<1x128xi32, #tpu.memory_space<vmem>> -> memref<128xi32, #tpu.memory_space<vmem>>
      %dma_wait3A_64 = arith.constant 0 : i32
      %dma_wait3A_65 = arith.constant 0 : i32
      %dma_wait3A_66 = tpu.memref_slice %arg8[%dma_wait3A_64, %dma_wait3A_65] : memref<10240x128xf32, #tpu.memory_space<vmem_shared>> -> memref<10240x128xf32, #tpu.memory_space<vmem_shared>>
      tpu.wait_indirect_dma semaphore(%arg9 : memref<!tpu.dma_semaphore, #tpu.memory_space<semaphore_mem>>) src(%arg7 : memref<128x128xf32, #tpu.memory_space<vmem>>) dst(%dma_wait3A_66 : memref<10240x128xf32, #tpu.memory_space<vmem_shared>>)
      %dma_wait3A_67 = arith.constant 0 : i32
      %dma_wait3A_68 = tpu.memref_slice %arg6[%add3A_43, %dma_wait3A_67] : memref<80x128xi32, #tpu.memory_space<vmem>> -> memref<1x128xi32, #tpu.memory_space<vmem>>
      %dma_wait3A_69 = tpu.memref_squeeze %dma_wait3A_68 : memref<1x128xi32, #tpu.memory_space<vmem>> -> memref<128xi32, #tpu.memory_space<vmem>>
      %dma_wait3A_70 = arith.constant 0 : i32
      %dma_wait3A_71 = arith.constant 0 : i32
      %dma_wait3A_72 = tpu.memref_slice %arg8[%dma_wait3A_70, %dma_wait3A_71] : memref<10240x128xf32, #tpu.memory_space<vmem_shared>> -> memref<10240x128xf32, #tpu.memory_space<vmem_shared>>
      tpu.wait_indirect_dma semaphore(%arg9 : memref<!tpu.dma_semaphore, #tpu.memory_space<semaphore_mem>>) src(%arg7 : memref<128x128xf32, #tpu.memory_space<vmem>>) dst(%dma_wait3A_72 : memref<10240x128xf32, #tpu.memory_space<vmem_shared>>)
    }
    %scan3A_8 = arith.constant 20 : i32
    %barrier3A_9 = arith.constant 0 : index
    tpu.barrier barrier_id(%barrier3A_9)
    "tpu.region"() ({
      %run_scoped3A = tpu.sem_alloc : memref<!tpu.dma_semaphore, #tpu.memory_space<semaphore_mem>>
      %dma_start3A = arith.constant 0 : i32
      %dma_start3A_10 = tpu.memref_slice %arg5[%arg0, %mul3A_0, %dma_start3A] : memref<2x10240x128xf32, #tpu.memory_space<hbm>> -> memref<1x640x128xf32, #tpu.memory_space<hbm>>
      %dma_start3A_11 = tpu.memref_squeeze %dma_start3A_10 : memref<1x640x128xf32, #tpu.memory_space<hbm>> -> memref<640x128xf32, #tpu.memory_space<hbm>>
      %dma_start3A_12 = arith.constant 0 : i32
      %dma_start3A_13 = tpu.memref_slice %arg8[%mul3A_0, %dma_start3A_12] : memref<10240x128xf32, #tpu.memory_space<vmem_shared>> -> memref<640x128xf32, #tpu.memory_space<vmem_shared>>
      tpu.enqueue_dma source(%dma_start3A_13 : memref<640x128xf32, #tpu.memory_space<vmem_shared>>) target(%dma_start3A_11 : memref<640x128xf32, #tpu.memory_space<hbm>>) target_semaphore(%run_scoped3A : memref<!tpu.dma_semaphore, #tpu.memory_space<semaphore_mem>>)
      %dma_wait3A = arith.constant 0 : i32
      %dma_wait3A_14 = tpu.memref_slice %arg5[%arg0, %mul3A_0, %dma_wait3A] : memref<2x10240x128xf32, #tpu.memory_space<hbm>> -> memref<1x640x128xf32, #tpu.memory_space<hbm>>
      %dma_wait3A_15 = tpu.memref_squeeze %dma_wait3A_14 : memref<1x640x128xf32, #tpu.memory_space<hbm>> -> memref<640x128xf32, #tpu.memory_space<hbm>>
      %dma_wait3A_16 = arith.constant 0 : i32
      %dma_wait3A_17 = tpu.memref_slice %arg8[%mul3A_0, %dma_wait3A_16] : memref<10240x128xf32, #tpu.memory_space<vmem_shared>> -> memref<640x128xf32, #tpu.memory_space<vmem_shared>>
      tpu.wait_dma2 semaphore(%run_scoped3A : memref<!tpu.dma_semaphore, #tpu.memory_space<semaphore_mem>>) src(%dma_wait3A_17 : memref<640x128xf32, #tpu.memory_space<vmem_shared>>) dst(%dma_wait3A_15 : memref<640x128xf32, #tpu.memory_space<hbm>>)
      tpu.yield
    }) : () -> ()
    return
  }
}

#map = affine_map<(d0, d1) -> (0, 0)>
#map1 = affine_map<(d0, d1) -> (0, 0, 0)>
module attributes {stable_mosaic.version = 14 : i64} {
  func.func @_scatter2(%arg0: i32, %arg1: i32, %arg2: memref<10240x128xf32, #tpu.memory_space<hbm>>, %arg3: memref<4096x80xi32, #tpu.memory_space<hbm>>, %arg4: memref<4096x80xi32, #tpu.memory_space<hbm>>, %arg5: memref<2x10240x128xf32, #tpu.memory_space<hbm>>, %arg6: memref<32x80xi32, #tpu.memory_space<vmem>>, %arg7: memref<32x80xi32, #tpu.memory_space<vmem>>, %arg8: memref<80x128xf32, #tpu.memory_space<vmem>>, %arg9: memref<80x128xf32, #tpu.memory_space<vmem>>, %arg10: memref<80x128xf32, #tpu.memory_space<vmem>>, %arg11: memref<80x128xf32, #tpu.memory_space<vmem>>, %arg12: memref<10240x128xf32, #tpu.memory_space<vmem_shared>>, %arg13: memref<!tpu.dma_semaphore, #tpu.memory_space<semaphore_mem>>, %arg14: memref<!tpu.dma_semaphore, #tpu.memory_space<semaphore_mem>>, %arg15: memref<!tpu.dma_semaphore, #tpu.memory_space<semaphore_mem>>, %arg16: memref<!tpu.dma_semaphore, #tpu.memory_space<semaphore_mem>>, %arg17: memref<!tpu.dma_semaphore, #tpu.memory_space<semaphore_mem>>, %arg18: memref<!tpu.dma_semaphore, #tpu.memory_space<semaphore_mem>>, %arg19: memref<!tpu.dma_semaphore, #tpu.memory_space<semaphore_mem>>, %arg20: memref<!tpu.dma_semaphore, #tpu.memory_space<semaphore_mem>>) attributes {dimension_semantics = [#tpu.dimension_semantics<core_parallel>, #tpu.dimension_semantics<subcore_parallel>], iteration_bounds = array<i64: 2, 16>, scalar_prefetch = 0 : i64, scratch_operands = 15 : i64, tpu.core_type = #tpu.core_type<sc_vector_subcore>, window_params = [{transform_indices = #map}, {transform_indices = #map}, {transform_indices = #map}, {transform_indices = #map1}]} {
    %mul3A = arith.constant 640 : i32
    %mul3A_0 = arith.muli %arg1, %mul3A : i32
    "tpu.region"() ({
      %run_scoped3A = tpu.sem_alloc : memref<!tpu.dma_semaphore, #tpu.memory_space<semaphore_mem>>
      %dma_start3A = arith.constant 0 : i32
      %dma_start3A_6 = tpu.memref_slice %arg12[%mul3A_0, %dma_start3A] : memref<10240x128xf32, #tpu.memory_space<vmem_shared>> -> memref<640x128xf32, #tpu.memory_space<vmem_shared>>
      %dma_start3A_7 = arith.constant 0 : i32
      %dma_start3A_8 = tpu.memref_slice %arg2[%mul3A_0, %dma_start3A_7] : memref<10240x128xf32, #tpu.memory_space<hbm>> -> memref<640x128xf32, #tpu.memory_space<hbm>>
      tpu.enqueue_dma source(%dma_start3A_8 : memref<640x128xf32, #tpu.memory_space<hbm>>) target(%dma_start3A_6 : memref<640x128xf32, #tpu.memory_space<vmem_shared>>) target_semaphore(%run_scoped3A : memref<!tpu.dma_semaphore, #tpu.memory_space<semaphore_mem>>)
      %dma_wait3A = arith.constant 0 : i32
      %dma_wait3A_9 = tpu.memref_slice %arg12[%mul3A_0, %dma_wait3A] : memref<10240x128xf32, #tpu.memory_space<vmem_shared>> -> memref<640x128xf32, #tpu.memory_space<vmem_shared>>
      %dma_wait3A_10 = arith.constant 0 : i32
      %dma_wait3A_11 = tpu.memref_slice %arg2[%mul3A_0, %dma_wait3A_10] : memref<10240x128xf32, #tpu.memory_space<hbm>> -> memref<640x128xf32, #tpu.memory_space<hbm>>
      tpu.wait_dma2 semaphore(%run_scoped3A : memref<!tpu.dma_semaphore, #tpu.memory_space<semaphore_mem>>) src(%dma_wait3A_11 : memref<640x128xf32, #tpu.memory_space<hbm>>) dst(%dma_wait3A_9 : memref<640x128xf32, #tpu.memory_space<vmem_shared>>)
      tpu.yield
    }) : () -> ()
    %barrier3A = arith.constant 0 : index
    tpu.barrier barrier_id(%barrier3A)
    %scan3A = arith.constant 0 : i32
    %scan3A_1 = arith.constant 4 : i32
    %scan3A_2 = arith.addi %scan3A, %scan3A_1 : i32
    %scan3A_3 = arith.constant 1 : i32
    scf.for %scan3A_6 = %scan3A to %scan3A_2 step %scan3A_3  : i32 {
      %mul3A_7 = arith.constant 2048 : i32
      %mul3A_8 = arith.muli %arg0, %mul3A_7 : i32
      %mul3A_9 = arith.constant 128 : i32
      %mul3A_10 = arith.muli %arg1, %mul3A_9 : i32
      %add3A = arith.addi %mul3A_8, %mul3A_10 : i32
      %mul3A_11 = arith.constant 32 : i32
      %mul3A_12 = arith.muli %scan3A_6, %mul3A_11 : i32
      %add3A_13 = arith.addi %add3A, %mul3A_12 : i32
      "tpu.region"() ({
        %run_scoped3A = tpu.sem_alloc : memref<!tpu.dma_semaphore, #tpu.memory_space<semaphore_mem>>
        %dma_start3A_46 = arith.constant 0 : i32
        %dma_start3A_47 = tpu.memref_slice %arg3[%add3A_13, %dma_start3A_46] : memref<4096x80xi32, #tpu.memory_space<hbm>> -> memref<32x80xi32, #tpu.memory_space<hbm>>
        %dma_start3A_48 = arith.constant 0 : i32
        %dma_start3A_49 = tpu.memref_slice %arg3[%add3A_13, %dma_start3A_48] : memref<4096x80xi32, #tpu.memory_space<hbm>> -> memref<32x80xi32, #tpu.memory_space<hbm>>
        tpu.enqueue_dma source(%dma_start3A_49 : memref<32x80xi32, #tpu.memory_space<hbm>>) target(%arg6 : memref<32x80xi32, #tpu.memory_space<vmem>>) target_semaphore(%run_scoped3A : memref<!tpu.dma_semaphore, #tpu.memory_space<semaphore_mem>>)
        %dma_wait3A = arith.constant 0 : i32
        %dma_wait3A_50 = tpu.memref_slice %arg3[%add3A_13, %dma_wait3A] : memref<4096x80xi32, #tpu.memory_space<hbm>> -> memref<32x80xi32, #tpu.memory_space<hbm>>
        %dma_wait3A_51 = arith.constant 0 : i32
        %dma_wait3A_52 = tpu.memref_slice %arg3[%add3A_13, %dma_wait3A_51] : memref<4096x80xi32, #tpu.memory_space<hbm>> -> memref<32x80xi32, #tpu.memory_space<hbm>>
        tpu.wait_dma2 semaphore(%run_scoped3A : memref<!tpu.dma_semaphore, #tpu.memory_space<semaphore_mem>>) src(%dma_wait3A_52 : memref<32x80xi32, #tpu.memory_space<hbm>>) dst(%arg6 : memref<32x80xi32, #tpu.memory_space<vmem>>)
        tpu.yield
      }) : () -> ()
      "tpu.region"() ({
        %run_scoped3A = tpu.sem_alloc : memref<!tpu.dma_semaphore, #tpu.memory_space<semaphore_mem>>
        %dma_start3A_46 = arith.constant 0 : i32
        %dma_start3A_47 = tpu.memref_slice %arg4[%add3A_13, %dma_start3A_46] : memref<4096x80xi32, #tpu.memory_space<hbm>> -> memref<32x80xi32, #tpu.memory_space<hbm>>
        %dma_start3A_48 = arith.constant 0 : i32
        %dma_start3A_49 = tpu.memref_slice %arg4[%add3A_13, %dma_start3A_48] : memref<4096x80xi32, #tpu.memory_space<hbm>> -> memref<32x80xi32, #tpu.memory_space<hbm>>
        tpu.enqueue_dma source(%dma_start3A_49 : memref<32x80xi32, #tpu.memory_space<hbm>>) target(%arg7 : memref<32x80xi32, #tpu.memory_space<vmem>>) target_semaphore(%run_scoped3A : memref<!tpu.dma_semaphore, #tpu.memory_space<semaphore_mem>>)
        %dma_wait3A = arith.constant 0 : i32
        %dma_wait3A_50 = tpu.memref_slice %arg4[%add3A_13, %dma_wait3A] : memref<4096x80xi32, #tpu.memory_space<hbm>> -> memref<32x80xi32, #tpu.memory_space<hbm>>
        %dma_wait3A_51 = arith.constant 0 : i32
        %dma_wait3A_52 = tpu.memref_slice %arg4[%add3A_13, %dma_wait3A_51] : memref<4096x80xi32, #tpu.memory_space<hbm>> -> memref<32x80xi32, #tpu.memory_space<hbm>>
        tpu.wait_dma2 semaphore(%run_scoped3A : memref<!tpu.dma_semaphore, #tpu.memory_space<semaphore_mem>>) src(%dma_wait3A_52 : memref<32x80xi32, #tpu.memory_space<hbm>>) dst(%arg7 : memref<32x80xi32, #tpu.memory_space<vmem>>)
        tpu.yield
      }) : () -> ()
      %dma_start3A = arith.constant 0 : i32
      %dma_start3A_14 = arith.constant 0 : i32
      %dma_start3A_15 = tpu.memref_slice %arg6[%dma_start3A, %dma_start3A_14] : memref<32x80xi32, #tpu.memory_space<vmem>> -> memref<1x80xi32, #tpu.memory_space<vmem>>
      %dma_start3A_16 = tpu.memref_squeeze %dma_start3A_15 : memref<1x80xi32, #tpu.memory_space<vmem>> -> memref<80xi32, #tpu.memory_space<vmem>>
      %dma_start3A_17 = arith.constant 0 : i32
      %dma_start3A_18 = arith.constant 0 : i32
      %dma_start3A_19 = tpu.memref_slice %arg2[%dma_start3A_17, %dma_start3A_18] : memref<10240x128xf32, #tpu.memory_space<hbm>> -> memref<10240x128xf32, #tpu.memory_space<hbm>>
      tpu.enqueue_indirect_dma source(%dma_start3A_19 : memref<10240x128xf32, #tpu.memory_space<hbm>>) target(%arg8 : memref<80x128xf32, #tpu.memory_space<vmem>>) offsets(%dma_start3A_16 : memref<80xi32, #tpu.memory_space<vmem>>) semaphore(%arg13 : memref<!tpu.dma_semaphore, #tpu.memory_space<semaphore_mem>>)
      %dma_start3A_20 = arith.constant 1 : i32
      %dma_start3A_21 = arith.constant 0 : i32
      %dma_start3A_22 = tpu.memref_slice %arg6[%dma_start3A_20, %dma_start3A_21] : memref<32x80xi32, #tpu.memory_space<vmem>> -> memref<1x80xi32, #tpu.memory_space<vmem>>
      %dma_start3A_23 = tpu.memref_squeeze %dma_start3A_22 : memref<1x80xi32, #tpu.memory_space<vmem>> -> memref<80xi32, #tpu.memory_space<vmem>>
      %dma_start3A_24 = arith.constant 0 : i32
      %dma_start3A_25 = arith.constant 0 : i32
      %dma_start3A_26 = tpu.memref_slice %arg2[%dma_start3A_24, %dma_start3A_25] : memref<10240x128xf32, #tpu.memory_space<hbm>> -> memref<10240x128xf32, #tpu.memory_space<hbm>>
      tpu.enqueue_indirect_dma source(%dma_start3A_26 : memref<10240x128xf32, #tpu.memory_space<hbm>>) target(%arg9 : memref<80x128xf32, #tpu.memory_space<vmem>>) offsets(%dma_start3A_23 : memref<80xi32, #tpu.memory_space<vmem>>) semaphore(%arg14 : memref<!tpu.dma_semaphore, #tpu.memory_space<semaphore_mem>>)
      %dma_start3A_27 = arith.constant 2 : i32
      %dma_start3A_28 = arith.constant 0 : i32
      %dma_start3A_29 = tpu.memref_slice %arg6[%dma_start3A_27, %dma_start3A_28] : memref<32x80xi32, #tpu.memory_space<vmem>> -> memref<1x80xi32, #tpu.memory_space<vmem>>
      %dma_start3A_30 = tpu.memref_squeeze %dma_start3A_29 : memref<1x80xi32, #tpu.memory_space<vmem>> -> memref<80xi32, #tpu.memory_space<vmem>>
      %dma_start3A_31 = arith.constant 0 : i32
      %dma_start3A_32 = arith.constant 0 : i32
      %dma_start3A_33 = tpu.memref_slice %arg2[%dma_start3A_31, %dma_start3A_32] : memref<10240x128xf32, #tpu.memory_space<hbm>> -> memref<10240x128xf32, #tpu.memory_space<hbm>>
      tpu.enqueue_indirect_dma source(%dma_start3A_33 : memref<10240x128xf32, #tpu.memory_space<hbm>>) target(%arg10 : memref<80x128xf32, #tpu.memory_space<vmem>>) offsets(%dma_start3A_30 : memref<80xi32, #tpu.memory_space<vmem>>) semaphore(%arg15 : memref<!tpu.dma_semaphore, #tpu.memory_space<semaphore_mem>>)
      %dma_start3A_34 = arith.constant 3 : i32
      %dma_start3A_35 = arith.constant 0 : i32
      %dma_start3A_36 = tpu.memref_slice %arg6[%dma_start3A_34, %dma_start3A_35] : memref<32x80xi32, #tpu.memory_space<vmem>> -> memref<1x80xi32, #tpu.memory_space<vmem>>
      %dma_start3A_37 = tpu.memref_squeeze %dma_start3A_36 : memref<1x80xi32, #tpu.memory_space<vmem>> -> memref<80xi32, #tpu.memory_space<vmem>>
      %dma_start3A_38 = arith.constant 0 : i32
      %dma_start3A_39 = arith.constant 0 : i32
      %dma_start3A_40 = tpu.memref_slice %arg2[%dma_start3A_38, %dma_start3A_39] : memref<10240x128xf32, #tpu.memory_space<hbm>> -> memref<10240x128xf32, #tpu.memory_space<hbm>>
      tpu.enqueue_indirect_dma source(%dma_start3A_40 : memref<10240x128xf32, #tpu.memory_space<hbm>>) target(%arg11 : memref<80x128xf32, #tpu.memory_space<vmem>>) offsets(%dma_start3A_37 : memref<80xi32, #tpu.memory_space<vmem>>) semaphore(%arg16 : memref<!tpu.dma_semaphore, #tpu.memory_space<semaphore_mem>>)
      %scan3A_41 = arith.constant 0 : i32
      %scan3A_42 = arith.constant 8 : i32
      %scan3A_43 = arith.addi %scan3A_41, %scan3A_42 : i32
      %scan3A_44 = arith.constant 1 : i32
      scf.for %scan3A_46 = %scan3A_41 to %scan3A_43 step %scan3A_44  : i32 {
        %mul3A_47 = arith.constant 4 : i32
        %mul3A_48 = arith.muli %mul3A_47, %scan3A_46 : i32
        %add3A_49 = arith.constant 0 : i32
        %add3A_50 = arith.addi %mul3A_48, %add3A_49 : i32
        %dma_wait3A = arith.constant 0 : i32
        %dma_wait3A_51 = tpu.memref_slice %arg6[%add3A_50, %dma_wait3A] : memref<32x80xi32, #tpu.memory_space<vmem>> -> memref<1x80xi32, #tpu.memory_space<vmem>>
        %dma_wait3A_52 = tpu.memref_squeeze %dma_wait3A_51 : memref<1x80xi32, #tpu.memory_space<vmem>> -> memref<80xi32, #tpu.memory_space<vmem>>
        %dma_wait3A_53 = arith.constant 0 : i32
        %dma_wait3A_54 = arith.constant 0 : i32
        %dma_wait3A_55 = tpu.memref_slice %arg2[%dma_wait3A_53, %dma_wait3A_54] : memref<10240x128xf32, #tpu.memory_space<hbm>> -> memref<10240x128xf32, #tpu.memory_space<hbm>>
        tpu.wait_indirect_dma semaphore(%arg13 : memref<!tpu.dma_semaphore, #tpu.memory_space<semaphore_mem>>) src(%dma_wait3A_55 : memref<10240x128xf32, #tpu.memory_space<hbm>>) dst(%arg8 : memref<80x128xf32, #tpu.memory_space<vmem>>)
        %add3A_56 = arith.constant 0 : i32
        %add3A_57 = arith.addi %mul3A_48, %add3A_56 : i32
        %dma_start3A_58 = arith.constant 0 : i32
        %dma_start3A_59 = tpu.memref_slice %arg7[%add3A_57, %dma_start3A_58] : memref<32x80xi32, #tpu.memory_space<vmem>> -> memref<1x80xi32, #tpu.memory_space<vmem>>
        %dma_start3A_60 = tpu.memref_squeeze %dma_start3A_59 : memref<1x80xi32, #tpu.memory_space<vmem>> -> memref<80xi32, #tpu.memory_space<vmem>>
        %dma_start3A_61 = arith.constant 0 : i32
        %dma_start3A_62 = arith.constant 0 : i32
        %dma_start3A_63 = tpu.memref_slice %arg12[%dma_start3A_61, %dma_start3A_62] : memref<10240x128xf32, #tpu.memory_space<vmem_shared>> -> memref<10240x128xf32, #tpu.memory_space<vmem_shared>>
        tpu.enqueue_indirect_dma source(%arg8 : memref<80x128xf32, #tpu.memory_space<vmem>>) target(%dma_start3A_63 : memref<10240x128xf32, #tpu.memory_space<vmem_shared>>) offsets(%dma_start3A_60 : memref<80xi32, #tpu.memory_space<vmem>>) semaphore(%arg17 : memref<!tpu.dma_semaphore, #tpu.memory_space<semaphore_mem>>) {add = true}
        %add3A_64 = arith.constant 1 : i32
        %add3A_65 = arith.addi %mul3A_48, %add3A_64 : i32
        %dma_wait3A_66 = arith.constant 0 : i32
        %dma_wait3A_67 = tpu.memref_slice %arg6[%add3A_65, %dma_wait3A_66] : memref<32x80xi32, #tpu.memory_space<vmem>> -> memref<1x80xi32, #tpu.memory_space<vmem>>
        %dma_wait3A_68 = tpu.memref_squeeze %dma_wait3A_67 : memref<1x80xi32, #tpu.memory_space<vmem>> -> memref<80xi32, #tpu.memory_space<vmem>>
        %dma_wait3A_69 = arith.constant 0 : i32
        %dma_wait3A_70 = arith.constant 0 : i32
        %dma_wait3A_71 = tpu.memref_slice %arg2[%dma_wait3A_69, %dma_wait3A_70] : memref<10240x128xf32, #tpu.memory_space<hbm>> -> memref<10240x128xf32, #tpu.memory_space<hbm>>
        tpu.wait_indirect_dma semaphore(%arg14 : memref<!tpu.dma_semaphore, #tpu.memory_space<semaphore_mem>>) src(%dma_wait3A_71 : memref<10240x128xf32, #tpu.memory_space<hbm>>) dst(%arg9 : memref<80x128xf32, #tpu.memory_space<vmem>>)
        %add3A_72 = arith.constant 1 : i32
        %add3A_73 = arith.addi %mul3A_48, %add3A_72 : i32
        %dma_start3A_74 = arith.constant 0 : i32
        %dma_start3A_75 = tpu.memref_slice %arg7[%add3A_73, %dma_start3A_74] : memref<32x80xi32, #tpu.memory_space<vmem>> -> memref<1x80xi32, #tpu.memory_space<vmem>>
        %dma_start3A_76 = tpu.memref_squeeze %dma_start3A_75 : memref<1x80xi32, #tpu.memory_space<vmem>> -> memref<80xi32, #tpu.memory_space<vmem>>
        %dma_start3A_77 = arith.constant 0 : i32
        %dma_start3A_78 = arith.constant 0 : i32
        %dma_start3A_79 = tpu.memref_slice %arg12[%dma_start3A_77, %dma_start3A_78] : memref<10240x128xf32, #tpu.memory_space<vmem_shared>> -> memref<10240x128xf32, #tpu.memory_space<vmem_shared>>
        tpu.enqueue_indirect_dma source(%arg9 : memref<80x128xf32, #tpu.memory_space<vmem>>) target(%dma_start3A_79 : memref<10240x128xf32, #tpu.memory_space<vmem_shared>>) offsets(%dma_start3A_76 : memref<80xi32, #tpu.memory_space<vmem>>) semaphore(%arg18 : memref<!tpu.dma_semaphore, #tpu.memory_space<semaphore_mem>>) {add = true}
        %add3A_80 = arith.constant 2 : i32
        %add3A_81 = arith.addi %mul3A_48, %add3A_80 : i32
        %dma_wait3A_82 = arith.constant 0 : i32
        %dma_wait3A_83 = tpu.memref_slice %arg6[%add3A_81, %dma_wait3A_82] : memref<32x80xi32, #tpu.memory_space<vmem>> -> memref<1x80xi32, #tpu.memory_space<vmem>>
        %dma_wait3A_84 = tpu.memref_squeeze %dma_wait3A_83 : memref<1x80xi32, #tpu.memory_space<vmem>> -> memref<80xi32, #tpu.memory_space<vmem>>
        %dma_wait3A_85 = arith.constant 0 : i32
        %dma_wait3A_86 = arith.constant 0 : i32
        %dma_wait3A_87 = tpu.memref_slice %arg2[%dma_wait3A_85, %dma_wait3A_86] : memref<10240x128xf32, #tpu.memory_space<hbm>> -> memref<10240x128xf32, #tpu.memory_space<hbm>>
        tpu.wait_indirect_dma semaphore(%arg15 : memref<!tpu.dma_semaphore, #tpu.memory_space<semaphore_mem>>) src(%dma_wait3A_87 : memref<10240x128xf32, #tpu.memory_space<hbm>>) dst(%arg10 : memref<80x128xf32, #tpu.memory_space<vmem>>)
        %add3A_88 = arith.constant 2 : i32
        %add3A_89 = arith.addi %mul3A_48, %add3A_88 : i32
        %dma_start3A_90 = arith.constant 0 : i32
        %dma_start3A_91 = tpu.memref_slice %arg7[%add3A_89, %dma_start3A_90] : memref<32x80xi32, #tpu.memory_space<vmem>> -> memref<1x80xi32, #tpu.memory_space<vmem>>
        %dma_start3A_92 = tpu.memref_squeeze %dma_start3A_91 : memref<1x80xi32, #tpu.memory_space<vmem>> -> memref<80xi32, #tpu.memory_space<vmem>>
        %dma_start3A_93 = arith.constant 0 : i32
        %dma_start3A_94 = arith.constant 0 : i32
        %dma_start3A_95 = tpu.memref_slice %arg12[%dma_start3A_93, %dma_start3A_94] : memref<10240x128xf32, #tpu.memory_space<vmem_shared>> -> memref<10240x128xf32, #tpu.memory_space<vmem_shared>>
        tpu.enqueue_indirect_dma source(%arg10 : memref<80x128xf32, #tpu.memory_space<vmem>>) target(%dma_start3A_95 : memref<10240x128xf32, #tpu.memory_space<vmem_shared>>) offsets(%dma_start3A_92 : memref<80xi32, #tpu.memory_space<vmem>>) semaphore(%arg19 : memref<!tpu.dma_semaphore, #tpu.memory_space<semaphore_mem>>) {add = true}
        %add3A_96 = arith.constant 3 : i32
        %add3A_97 = arith.addi %mul3A_48, %add3A_96 : i32
        %dma_wait3A_98 = arith.constant 0 : i32
        %dma_wait3A_99 = tpu.memref_slice %arg6[%add3A_97, %dma_wait3A_98] : memref<32x80xi32, #tpu.memory_space<vmem>> -> memref<1x80xi32, #tpu.memory_space<vmem>>
        %dma_wait3A_100 = tpu.memref_squeeze %dma_wait3A_99 : memref<1x80xi32, #tpu.memory_space<vmem>> -> memref<80xi32, #tpu.memory_space<vmem>>
        %dma_wait3A_101 = arith.constant 0 : i32
        %dma_wait3A_102 = arith.constant 0 : i32
        %dma_wait3A_103 = tpu.memref_slice %arg2[%dma_wait3A_101, %dma_wait3A_102] : memref<10240x128xf32, #tpu.memory_space<hbm>> -> memref<10240x128xf32, #tpu.memory_space<hbm>>
        tpu.wait_indirect_dma semaphore(%arg16 : memref<!tpu.dma_semaphore, #tpu.memory_space<semaphore_mem>>) src(%dma_wait3A_103 : memref<10240x128xf32, #tpu.memory_space<hbm>>) dst(%arg11 : memref<80x128xf32, #tpu.memory_space<vmem>>)
        %add3A_104 = arith.constant 3 : i32
        %add3A_105 = arith.addi %mul3A_48, %add3A_104 : i32
        %dma_start3A_106 = arith.constant 0 : i32
        %dma_start3A_107 = tpu.memref_slice %arg7[%add3A_105, %dma_start3A_106] : memref<32x80xi32, #tpu.memory_space<vmem>> -> memref<1x80xi32, #tpu.memory_space<vmem>>
        %dma_start3A_108 = tpu.memref_squeeze %dma_start3A_107 : memref<1x80xi32, #tpu.memory_space<vmem>> -> memref<80xi32, #tpu.memory_space<vmem>>
        %dma_start3A_109 = arith.constant 0 : i32
        %dma_start3A_110 = arith.constant 0 : i32
        %dma_start3A_111 = tpu.memref_slice %arg12[%dma_start3A_109, %dma_start3A_110] : memref<10240x128xf32, #tpu.memory_space<vmem_shared>> -> memref<10240x128xf32, #tpu.memory_space<vmem_shared>>
        tpu.enqueue_indirect_dma source(%arg11 : memref<80x128xf32, #tpu.memory_space<vmem>>) target(%dma_start3A_111 : memref<10240x128xf32, #tpu.memory_space<vmem_shared>>) offsets(%dma_start3A_108 : memref<80xi32, #tpu.memory_space<vmem>>) semaphore(%arg20 : memref<!tpu.dma_semaphore, #tpu.memory_space<semaphore_mem>>) {add = true}
        %dma_wait3A_112 = arith.constant 0 : i32
        %dma_wait3A_113 = tpu.memref_slice %arg7[%add3A_57, %dma_wait3A_112] : memref<32x80xi32, #tpu.memory_space<vmem>> -> memref<1x80xi32, #tpu.memory_space<vmem>>
        %dma_wait3A_114 = tpu.memref_squeeze %dma_wait3A_113 : memref<1x80xi32, #tpu.memory_space<vmem>> -> memref<80xi32, #tpu.memory_space<vmem>>
        %dma_wait3A_115 = arith.constant 0 : i32
        %dma_wait3A_116 = arith.constant 0 : i32
        %dma_wait3A_117 = tpu.memref_slice %arg12[%dma_wait3A_115, %dma_wait3A_116] : memref<10240x128xf32, #tpu.memory_space<vmem_shared>> -> memref<10240x128xf32, #tpu.memory_space<vmem_shared>>
        tpu.wait_indirect_dma semaphore(%arg17 : memref<!tpu.dma_semaphore, #tpu.memory_space<semaphore_mem>>) src(%arg8 : memref<80x128xf32, #tpu.memory_space<vmem>>) dst(%dma_wait3A_117 : memref<10240x128xf32, #tpu.memory_space<vmem_shared>>)
        %lt3A = arith.constant 7 : i32
        %lt3A_118 = arith.cmpi slt, %scan3A_46, %lt3A : i32
        %convert_element_type3A = arith.extui %lt3A_118 : i1 to i32
        %cond3A = arith.constant 0 : i32
        %cond3A_119 = arith.cmpi ne, %convert_element_type3A, %cond3A : i32
        scf.if %cond3A_119 {
          %add3A_153 = arith.constant 4 : i32
          %add3A_154 = arith.addi %mul3A_48, %add3A_153 : i32
          %add3A_155 = arith.constant 0 : i32
          %add3A_156 = arith.addi %add3A_154, %add3A_155 : i32
          %dma_start3A_157 = arith.constant 0 : i32
          %dma_start3A_158 = tpu.memref_slice %arg6[%add3A_156, %dma_start3A_157] : memref<32x80xi32, #tpu.memory_space<vmem>> -> memref<1x80xi32, #tpu.memory_space<vmem>>
          %dma_start3A_159 = tpu.memref_squeeze %dma_start3A_158 : memref<1x80xi32, #tpu.memory_space<vmem>> -> memref<80xi32, #tpu.memory_space<vmem>>
          %dma_start3A_160 = arith.constant 0 : i32
          %dma_start3A_161 = arith.constant 0 : i32
          %dma_start3A_162 = tpu.memref_slice %arg2[%dma_start3A_160, %dma_start3A_161] : memref<10240x128xf32, #tpu.memory_space<hbm>> -> memref<10240x128xf32, #tpu.memory_space<hbm>>
          tpu.enqueue_indirect_dma source(%dma_start3A_162 : memref<10240x128xf32, #tpu.memory_space<hbm>>) target(%arg8 : memref<80x128xf32, #tpu.memory_space<vmem>>) offsets(%dma_start3A_159 : memref<80xi32, #tpu.memory_space<vmem>>) semaphore(%arg13 : memref<!tpu.dma_semaphore, #tpu.memory_space<semaphore_mem>>)
        } else {
        }
        %dma_wait3A_120 = arith.constant 0 : i32
        %dma_wait3A_121 = tpu.memref_slice %arg7[%add3A_73, %dma_wait3A_120] : memref<32x80xi32, #tpu.memory_space<vmem>> -> memref<1x80xi32, #tpu.memory_space<vmem>>
        %dma_wait3A_122 = tpu.memref_squeeze %dma_wait3A_121 : memref<1x80xi32, #tpu.memory_space<vmem>> -> memref<80xi32, #tpu.memory_space<vmem>>
        %dma_wait3A_123 = arith.constant 0 : i32
        %dma_wait3A_124 = arith.constant 0 : i32
        %dma_wait3A_125 = tpu.memref_slice %arg12[%dma_wait3A_123, %dma_wait3A_124] : memref<10240x128xf32, #tpu.memory_space<vmem_shared>> -> memref<10240x128xf32, #tpu.memory_space<vmem_shared>>
        tpu.wait_indirect_dma semaphore(%arg18 : memref<!tpu.dma_semaphore, #tpu.memory_space<semaphore_mem>>) src(%arg9 : memref<80x128xf32, #tpu.memory_space<vmem>>) dst(%dma_wait3A_125 : memref<10240x128xf32, #tpu.memory_space<vmem_shared>>)
        %lt3A_126 = arith.constant 7 : i32
        %lt3A_127 = arith.cmpi slt, %scan3A_46, %lt3A_126 : i32
        %convert_element_type3A_128 = arith.extui %lt3A_127 : i1 to i32
        %cond3A_129 = arith.constant 0 : i32
        %cond3A_130 = arith.cmpi ne, %convert_element_type3A_128, %cond3A_129 : i32
        scf.if %cond3A_130 {
          %add3A_153 = arith.constant 4 : i32
          %add3A_154 = arith.addi %mul3A_48, %add3A_153 : i32
          %add3A_155 = arith.constant 1 : i32
          %add3A_156 = arith.addi %add3A_154, %add3A_155 : i32
          %dma_start3A_157 = arith.constant 0 : i32
          %dma_start3A_158 = tpu.memref_slice %arg6[%add3A_156, %dma_start3A_157] : memref<32x80xi32, #tpu.memory_space<vmem>> -> memref<1x80xi32, #tpu.memory_space<vmem>>
          %dma_start3A_159 = tpu.memref_squeeze %dma_start3A_158 : memref<1x80xi32, #tpu.memory_space<vmem>> -> memref<80xi32, #tpu.memory_space<vmem>>
          %dma_start3A_160 = arith.constant 0 : i32
          %dma_start3A_161 = arith.constant 0 : i32
          %dma_start3A_162 = tpu.memref_slice %arg2[%dma_start3A_160, %dma_start3A_161] : memref<10240x128xf32, #tpu.memory_space<hbm>> -> memref<10240x128xf32, #tpu.memory_space<hbm>>
          tpu.enqueue_indirect_dma source(%dma_start3A_162 : memref<10240x128xf32, #tpu.memory_space<hbm>>) target(%arg9 : memref<80x128xf32, #tpu.memory_space<vmem>>) offsets(%dma_start3A_159 : memref<80xi32, #tpu.memory_space<vmem>>) semaphore(%arg14 : memref<!tpu.dma_semaphore, #tpu.memory_space<semaphore_mem>>)
        } else {
        }
        %dma_wait3A_131 = arith.constant 0 : i32
        %dma_wait3A_132 = tpu.memref_slice %arg7[%add3A_89, %dma_wait3A_131] : memref<32x80xi32, #tpu.memory_space<vmem>> -> memref<1x80xi32, #tpu.memory_space<vmem>>
        %dma_wait3A_133 = tpu.memref_squeeze %dma_wait3A_132 : memref<1x80xi32, #tpu.memory_space<vmem>> -> memref<80xi32, #tpu.memory_space<vmem>>
        %dma_wait3A_134 = arith.constant 0 : i32
        %dma_wait3A_135 = arith.constant 0 : i32
        %dma_wait3A_136 = tpu.memref_slice %arg12[%dma_wait3A_134, %dma_wait3A_135] : memref<10240x128xf32, #tpu.memory_space<vmem_shared>> -> memref<10240x128xf32, #tpu.memory_space<vmem_shared>>
        tpu.wait_indirect_dma semaphore(%arg19 : memref<!tpu.dma_semaphore, #tpu.memory_space<semaphore_mem>>) src(%arg10 : memref<80x128xf32, #tpu.memory_space<vmem>>) dst(%dma_wait3A_136 : memref<10240x128xf32, #tpu.memory_space<vmem_shared>>)
        %lt3A_137 = arith.constant 7 : i32
        %lt3A_138 = arith.cmpi slt, %scan3A_46, %lt3A_137 : i32
        %convert_element_type3A_139 = arith.extui %lt3A_138 : i1 to i32
        %cond3A_140 = arith.constant 0 : i32
        %cond3A_141 = arith.cmpi ne, %convert_element_type3A_139, %cond3A_140 : i32
        scf.if %cond3A_141 {
          %add3A_153 = arith.constant 4 : i32
          %add3A_154 = arith.addi %mul3A_48, %add3A_153 : i32
          %add3A_155 = arith.constant 2 : i32
          %add3A_156 = arith.addi %add3A_154, %add3A_155 : i32
          %dma_start3A_157 = arith.constant 0 : i32
          %dma_start3A_158 = tpu.memref_slice %arg6[%add3A_156, %dma_start3A_157] : memref<32x80xi32, #tpu.memory_space<vmem>> -> memref<1x80xi32, #tpu.memory_space<vmem>>
          %dma_start3A_159 = tpu.memref_squeeze %dma_start3A_158 : memref<1x80xi32, #tpu.memory_space<vmem>> -> memref<80xi32, #tpu.memory_space<vmem>>
          %dma_start3A_160 = arith.constant 0 : i32
          %dma_start3A_161 = arith.constant 0 : i32
          %dma_start3A_162 = tpu.memref_slice %arg2[%dma_start3A_160, %dma_start3A_161] : memref<10240x128xf32, #tpu.memory_space<hbm>> -> memref<10240x128xf32, #tpu.memory_space<hbm>>
          tpu.enqueue_indirect_dma source(%dma_start3A_162 : memref<10240x128xf32, #tpu.memory_space<hbm>>) target(%arg10 : memref<80x128xf32, #tpu.memory_space<vmem>>) offsets(%dma_start3A_159 : memref<80xi32, #tpu.memory_space<vmem>>) semaphore(%arg15 : memref<!tpu.dma_semaphore, #tpu.memory_space<semaphore_mem>>)
        } else {
        }
        %dma_wait3A_142 = arith.constant 0 : i32
        %dma_wait3A_143 = tpu.memref_slice %arg7[%add3A_105, %dma_wait3A_142] : memref<32x80xi32, #tpu.memory_space<vmem>> -> memref<1x80xi32, #tpu.memory_space<vmem>>
        %dma_wait3A_144 = tpu.memref_squeeze %dma_wait3A_143 : memref<1x80xi32, #tpu.memory_space<vmem>> -> memref<80xi32, #tpu.memory_space<vmem>>
        %dma_wait3A_145 = arith.constant 0 : i32
        %dma_wait3A_146 = arith.constant 0 : i32
        %dma_wait3A_147 = tpu.memref_slice %arg12[%dma_wait3A_145, %dma_wait3A_146] : memref<10240x128xf32, #tpu.memory_space<vmem_shared>> -> memref<10240x128xf32, #tpu.memory_space<vmem_shared>>
        tpu.wait_indirect_dma semaphore(%arg20 : memref<!tpu.dma_semaphore, #tpu.memory_space<semaphore_mem>>) src(%arg11 : memref<80x128xf32, #tpu.memory_space<vmem>>) dst(%dma_wait3A_147 : memref<10240x128xf32, #tpu.memory_space<vmem_shared>>)
        %lt3A_148 = arith.constant 7 : i32
        %lt3A_149 = arith.cmpi slt, %scan3A_46, %lt3A_148 : i32
        %convert_element_type3A_150 = arith.extui %lt3A_149 : i1 to i32
        %cond3A_151 = arith.constant 0 : i32
        %cond3A_152 = arith.cmpi ne, %convert_element_type3A_150, %cond3A_151 : i32
        scf.if %cond3A_152 {
          %add3A_153 = arith.constant 4 : i32
          %add3A_154 = arith.addi %mul3A_48, %add3A_153 : i32
          %add3A_155 = arith.constant 3 : i32
          %add3A_156 = arith.addi %add3A_154, %add3A_155 : i32
          %dma_start3A_157 = arith.constant 0 : i32
          %dma_start3A_158 = tpu.memref_slice %arg6[%add3A_156, %dma_start3A_157] : memref<32x80xi32, #tpu.memory_space<vmem>> -> memref<1x80xi32, #tpu.memory_space<vmem>>
          %dma_start3A_159 = tpu.memref_squeeze %dma_start3A_158 : memref<1x80xi32, #tpu.memory_space<vmem>> -> memref<80xi32, #tpu.memory_space<vmem>>
          %dma_start3A_160 = arith.constant 0 : i32
          %dma_start3A_161 = arith.constant 0 : i32
          %dma_start3A_162 = tpu.memref_slice %arg2[%dma_start3A_160, %dma_start3A_161] : memref<10240x128xf32, #tpu.memory_space<hbm>> -> memref<10240x128xf32, #tpu.memory_space<hbm>>
          tpu.enqueue_indirect_dma source(%dma_start3A_162 : memref<10240x128xf32, #tpu.memory_space<hbm>>) target(%arg11 : memref<80x128xf32, #tpu.memory_space<vmem>>) offsets(%dma_start3A_159 : memref<80xi32, #tpu.memory_space<vmem>>) semaphore(%arg16 : memref<!tpu.dma_semaphore, #tpu.memory_space<semaphore_mem>>)
        } else {
        }
      }
      %scan3A_45 = arith.constant 8 : i32
    }
    %scan3A_4 = arith.constant 4 : i32
    %barrier3A_5 = arith.constant 0 : index
    tpu.barrier barrier_id(%barrier3A_5)
    "tpu.region"() ({
      %run_scoped3A = tpu.sem_alloc : memref<!tpu.dma_semaphore, #tpu.memory_space<semaphore_mem>>
      %dma_start3A = arith.constant 0 : i32
      %dma_start3A_6 = tpu.memref_slice %arg5[%arg0, %mul3A_0, %dma_start3A] : memref<2x10240x128xf32, #tpu.memory_space<hbm>> -> memref<1x640x128xf32, #tpu.memory_space<hbm>>
      %dma_start3A_7 = tpu.memref_squeeze %dma_start3A_6 : memref<1x640x128xf32, #tpu.memory_space<hbm>> -> memref<640x128xf32, #tpu.memory_space<hbm>>
      %dma_start3A_8 = arith.constant 0 : i32
      %dma_start3A_9 = tpu.memref_slice %arg12[%mul3A_0, %dma_start3A_8] : memref<10240x128xf32, #tpu.memory_space<vmem_shared>> -> memref<640x128xf32, #tpu.memory_space<vmem_shared>>
      tpu.enqueue_dma source(%dma_start3A_9 : memref<640x128xf32, #tpu.memory_space<vmem_shared>>) target(%dma_start3A_7 : memref<640x128xf32, #tpu.memory_space<hbm>>) target_semaphore(%run_scoped3A : memref<!tpu.dma_semaphore, #tpu.memory_space<semaphore_mem>>)
      %dma_wait3A = arith.constant 0 : i32
      %dma_wait3A_10 = tpu.memref_slice %arg5[%arg0, %mul3A_0, %dma_wait3A] : memref<2x10240x128xf32, #tpu.memory_space<hbm>> -> memref<1x640x128xf32, #tpu.memory_space<hbm>>
      %dma_wait3A_11 = tpu.memref_squeeze %dma_wait3A_10 : memref<1x640x128xf32, #tpu.memory_space<hbm>> -> memref<640x128xf32, #tpu.memory_space<hbm>>
      %dma_wait3A_12 = arith.constant 0 : i32
      %dma_wait3A_13 = tpu.memref_slice %arg12[%mul3A_0, %dma_wait3A_12] : memref<10240x128xf32, #tpu.memory_space<vmem_shared>> -> memref<640x128xf32, #tpu.memory_space<vmem_shared>>
      tpu.wait_dma2 semaphore(%run_scoped3A : memref<!tpu.dma_semaphore, #tpu.memory_space<semaphore_mem>>) src(%dma_wait3A_13 : memref<640x128xf32, #tpu.memory_space<vmem_shared>>) dst(%dma_wait3A_11 : memref<640x128xf32, #tpu.memory_space<hbm>>)
      tpu.yield
    }) : () -> ()
    return
  }
}

module attributes {stable_mosaic.version = 14 : i64} {
  func.func @_tc1_body(%arg0: i32, %arg1: memref<512x128xf32, #tpu.memory_space<vmem>>, %arg2: memref<128x256xf32, #tpu.memory_space<vmem>>, %arg3: memref<2x512x128xf32, #tpu.memory_space<vmem>>, %arg4: memref<512x128xf32, #tpu.memory_space<vmem>>, %arg5: memref<512x128xf32, #tpu.memory_space<vmem>>, %arg6: memref<512x1xf32, #tpu.memory_space<vmem>>) attributes {dimension_semantics = [#tpu.dimension_semantics<arbitrary>], iteration_bounds = array<i64: 20>, scalar_prefetch = 0 : i64, scratch_operands = 0 : i64, tpu.core_type = #tpu.core_type<tc>, window_params = [{transform_indices = @transform_0, window_bounds = array<i64: 512, 128>}, {pipeline_mode = #tpu.pipeline_mode<synchronous>, transform_indices = @transform_1, window_bounds = array<i64: 128, 256>}, {transform_indices = @transform_2, window_bounds = array<i64: 2, 512, 128>}, {transform_indices = @transform_3, window_bounds = array<i64: 512, 128>}, {transform_indices = @transform_4, window_bounds = array<i64: 512, 128>}, {transform_indices = @transform_5, window_bounds = array<i64: 512, 1>}]} {
    %get3A = arith.constant 0 : index
    %get3A_0 = arith.constant 0 : index
    %get3A_1 = arith.constant 0 : index
    %get3A_2 = vector.load %arg3[%get3A, %get3A_0, %get3A_1] : memref<2x512x128xf32, #tpu.memory_space<vmem>>, vector<1x512x1xf32>
    %get3A_3 = vector.shape_cast %get3A_2 : vector<1x512x1xf32> to vector<512x1xf32>
    %get3A_4 = arith.constant 1 : index
    %get3A_5 = arith.constant 0 : index
    %get3A_6 = arith.constant 0 : index
    %get3A_7 = vector.load %arg3[%get3A_4, %get3A_5, %get3A_6] : memref<2x512x128xf32, #tpu.memory_space<vmem>>, vector<1x512x1xf32>
    %get3A_8 = vector.shape_cast %get3A_7 : vector<1x512x1xf32> to vector<512x1xf32>
    %add3A = arith.addf %get3A_3, %get3A_8 : vector<512x1xf32>
    %add3A_9 = arith.constant 1.000000e+00 : f32
    %add3A_10 = vector.broadcast %add3A_9 : f32 to vector<512x1xf32>
    %add3A_11 = arith.addf %add3A, %add3A_10 : vector<512x1xf32>
    %max3A = arith.constant 9.99999996E-13 : f32
    %max3A_12 = vector.broadcast %max3A : f32 to vector<512x1xf32>
    %max3A_13 = arith.maximumf %add3A_11, %max3A_12 : vector<512x1xf32>
    %rsqrt3A = math.rsqrt %max3A_13 : vector<512x1xf32>
    %get3A_14 = arith.constant 0 : index
    %get3A_15 = arith.constant 0 : index
    %get3A_16 = vector.load %arg1[%get3A_14, %get3A_15] : memref<512x128xf32, #tpu.memory_space<vmem>>, vector<512x128xf32>
    %mul3A = vector.broadcast %rsqrt3A : vector<512x1xf32> to vector<512x128xf32>
    %mul3A_17 = arith.mulf %get3A_16, %mul3A : vector<512x128xf32>
    %get3A_18 = arith.constant 0 : index
    %get3A_19 = arith.constant 0 : index
    %get3A_20 = vector.load %arg2[%get3A_18, %get3A_19] : memref<128x256xf32, #tpu.memory_space<vmem>>, vector<128x256xf32>
    %dot_general3A = arith.constant dense<0.000000e+00> : vector<512x256xf32>
    %dot_general3A_21 = tpu.matmul %mul3A_17, %get3A_20, %dot_general3A {dimension_numbers = #tpu.dot_dimension_numbers<[1], [0], [0], [1], [0, 0, 1, 1], [], []>, precision = #tpu.contract_precision<fp32>, transpose_lhs_hint = false} : vector<512x128xf32>, vector<128x256xf32>, vector<512x256xf32> -> vector<512x256xf32>
    %slice3A = vector.extract_strided_slice %dot_general3A_21 {offsets = [0, 0], sizes = [512, 128], strides = [1, 1]} : vector<512x256xf32> to vector<512x128xf32>
    %swap3A = arith.constant 0 : index
    %swap3A_22 = arith.constant 0 : index
    %swap3A_23 = vector.load %arg4[%swap3A, %swap3A_22] : memref<512x128xf32, #tpu.memory_space<vmem>>, vector<512x128xf32>
    tpu.vector_store %arg4[%swap3A, %swap3A_22], %slice3A {strides = array<i32>} : memref<512x128xf32, #tpu.memory_space<vmem>>, vector<512x128xf32>,
    %slice3A_24 = vector.extract_strided_slice %dot_general3A_21 {offsets = [0, 128], sizes = [512, 128], strides = [1, 1]} : vector<512x256xf32> to vector<512x128xf32>
    %swap3A_25 = arith.constant 0 : index
    %swap3A_26 = arith.constant 0 : index
    %swap3A_27 = vector.load %arg5[%swap3A_25, %swap3A_26] : memref<512x128xf32, #tpu.memory_space<vmem>>, vector<512x128xf32>
    tpu.vector_store %arg5[%swap3A_25, %swap3A_26], %slice3A_24 {strides = array<i32>} : memref<512x128xf32, #tpu.memory_space<vmem>>, vector<512x128xf32>,
    %swap3A_28 = arith.constant 0 : index
    %swap3A_29 = arith.constant 0 : index
    %swap3A_30 = vector.load %arg6[%swap3A_28, %swap3A_29] : memref<512x1xf32, #tpu.memory_space<vmem>>, vector<512x1xf32>
    tpu.vector_store %arg6[%swap3A_28, %swap3A_29], %rsqrt3A {strides = array<i32>} : memref<512x1xf32, #tpu.memory_space<vmem>>, vector<512x1xf32>,
    return
  }
  func.func @transform_0(%arg0: i32) -> (i32, i32) {
    %c0_i32 = arith.constant 0 : i32
    %c0_i32_0 = arith.constant 0 : i32
    return %arg0, %c0_i32 : i32, i32
  }
  func.func @transform_1(%arg0: i32) -> (i32, i32) {
    %c0_i32 = arith.constant 0 : i32
    %c0_i32_0 = arith.constant 0 : i32
    %c0_i32_1 = arith.constant 0 : i32
    return %c0_i32, %c0_i32_0 : i32, i32
  }
  func.func @transform_2(%arg0: i32) -> (i32, i32, i32) {
    %c0_i32 = arith.constant 0 : i32
    %c0_i32_0 = arith.constant 0 : i32
    %c0_i32_1 = arith.constant 0 : i32
    return %c0_i32, %arg0, %c0_i32_0 : i32, i32, i32
  }
  func.func @transform_3(%arg0: i32) -> (i32, i32) {
    %c0_i32 = arith.constant 0 : i32
    %c0_i32_0 = arith.constant 0 : i32
    return %arg0, %c0_i32 : i32, i32
  }
  func.func @transform_4(%arg0: i32) -> (i32, i32) {
    %c0_i32 = arith.constant 0 : i32
    %c0_i32_0 = arith.constant 0 : i32
    return %arg0, %c0_i32 : i32, i32
  }
  func.func @transform_5(%arg0: i32) -> (i32, i32) {
    %c0_i32 = arith.constant 0 : i32
    %c0_i32_0 = arith.constant 0 : i32
    return %arg0, %c0_i32 : i32, i32
  }
}

module attributes {stable_mosaic.version = 14 : i64} {
  func.func @_tc2_body(%arg0: i32, %arg1: memref<2x512x128xf32, #tpu.memory_space<vmem>>, %arg2: memref<512x1xf32, #tpu.memory_space<vmem>>, %arg3: memref<2x128x128xf32, #tpu.memory_space<vmem>>, %arg4: memref<1x256xf32, #tpu.memory_space<vmem>>, %arg5: memref<512x128xf32, #tpu.memory_space<vmem>>) attributes {dimension_semantics = [#tpu.dimension_semantics<arbitrary>], iteration_bounds = array<i64: 20>, scalar_prefetch = 0 : i64, scratch_operands = 0 : i64, tpu.core_type = #tpu.core_type<tc>, window_params = [{transform_indices = @transform_0, window_bounds = array<i64: 2, 512, 128>}, {transform_indices = @transform_1, window_bounds = array<i64: 512, 1>}, {pipeline_mode = #tpu.pipeline_mode<synchronous>, transform_indices = @transform_2, window_bounds = array<i64: 2, 128, 128>}, {pipeline_mode = #tpu.pipeline_mode<synchronous>, transform_indices = @transform_3, window_bounds = array<i64: 1, 256>}, {transform_indices = @transform_4, window_bounds = array<i64: 512, 128>}]} {
    %get3A = arith.constant 0 : index
    %get3A_0 = arith.constant 0 : index
    %get3A_1 = vector.load %arg2[%get3A, %get3A_0] : memref<512x1xf32, #tpu.memory_space<vmem>>, vector<512x1xf32>
    %get3A_2 = arith.constant 0 : index
    %get3A_3 = arith.constant 0 : index
    %get3A_4 = arith.constant 0 : index
    %get3A_5 = vector.load %arg1[%get3A_2, %get3A_3, %get3A_4] : memref<2x512x128xf32, #tpu.memory_space<vmem>>, vector<1x512x128xf32>
    %get3A_6 = vector.shape_cast %get3A_5 : vector<1x512x128xf32> to vector<512x128xf32>
    %mul3A = vector.broadcast %get3A_1 : vector<512x1xf32> to vector<512x128xf32>
    %mul3A_7 = arith.mulf %get3A_6, %mul3A : vector<512x128xf32>
    %get3A_8 = arith.constant 0 : index
    %get3A_9 = arith.constant 0 : index
    %get3A_10 = vector.load %arg4[%get3A_8, %get3A_9] : memref<1x256xf32, #tpu.memory_space<vmem>>, vector<1x128xf32>
    %get3A_11 = vector.shape_cast %get3A_10 : vector<1x128xf32> to vector<128xf32>
    %broadcast_in_dim3A = vector.shape_cast %get3A_11 : vector<128xf32> to vector<1x128xf32>
    %add3A = vector.broadcast %broadcast_in_dim3A : vector<1x128xf32> to vector<512x128xf32>
    %add3A_12 = arith.addf %mul3A_7, %add3A : vector<512x128xf32>
    %max3A = arith.constant 0.000000e+00 : f32
    %max3A_13 = vector.broadcast %max3A : f32 to vector<512x128xf32>
    %max3A_14 = arith.maximumf %add3A_12, %max3A_13 : vector<512x128xf32>
    %get3A_15 = arith.constant 1 : index
    %get3A_16 = arith.constant 0 : index
    %get3A_17 = arith.constant 0 : index
    %get3A_18 = vector.load %arg1[%get3A_15, %get3A_16, %get3A_17] : memref<2x512x128xf32, #tpu.memory_space<vmem>>, vector<1x512x128xf32>
    %get3A_19 = vector.shape_cast %get3A_18 : vector<1x512x128xf32> to vector<512x128xf32>
    %mul3A_20 = vector.broadcast %get3A_1 : vector<512x1xf32> to vector<512x128xf32>
    %mul3A_21 = arith.mulf %get3A_19, %mul3A_20 : vector<512x128xf32>
    %get3A_22 = arith.constant 0 : index
    %get3A_23 = arith.constant 128 : index
    %get3A_24 = vector.load %arg4[%get3A_22, %get3A_23] : memref<1x256xf32, #tpu.memory_space<vmem>>, vector<1x128xf32>
    %get3A_25 = vector.shape_cast %get3A_24 : vector<1x128xf32> to vector<128xf32>
    %broadcast_in_dim3A_26 = vector.shape_cast %get3A_25 : vector<128xf32> to vector<1x128xf32>
    %add3A_27 = vector.broadcast %broadcast_in_dim3A_26 : vector<1x128xf32> to vector<512x128xf32>
    %add3A_28 = arith.addf %mul3A_21, %add3A_27 : vector<512x128xf32>
    %max3A_29 = arith.constant 0.000000e+00 : f32
    %max3A_30 = vector.broadcast %max3A_29 : f32 to vector<512x128xf32>
    %max3A_31 = arith.maximumf %add3A_28, %max3A_30 : vector<512x128xf32>
    %get3A_32 = arith.constant 0 : index
    %get3A_33 = arith.constant 0 : index
    %get3A_34 = arith.constant 0 : index
    %get3A_35 = vector.load %arg3[%get3A_32, %get3A_33, %get3A_34] : memref<2x128x128xf32, #tpu.memory_space<vmem>>, vector<1x128x128xf32>
    %get3A_36 = vector.shape_cast %get3A_35 : vector<1x128x128xf32> to vector<128x128xf32>
    %dot_general3A = arith.constant dense<0.000000e+00> : vector<512x128xf32>
    %dot_general3A_37 = tpu.matmul %max3A_14, %get3A_36, %dot_general3A {dimension_numbers = #tpu.dot_dimension_numbers<[1], [0], [0], [1], [0, 0, 1, 1], [], []>, precision = #tpu.contract_precision<fp32>, transpose_lhs_hint = false} : vector<512x128xf32>, vector<128x128xf32>, vector<512x128xf32> -> vector<512x128xf32>
    %get3A_38 = arith.constant 1 : index
    %get3A_39 = arith.constant 0 : index
    %get3A_40 = arith.constant 0 : index
    %get3A_41 = vector.load %arg3[%get3A_38, %get3A_39, %get3A_40] : memref<2x128x128xf32, #tpu.memory_space<vmem>>, vector<1x128x128xf32>
    %get3A_42 = vector.shape_cast %get3A_41 : vector<1x128x128xf32> to vector<128x128xf32>
    %dot_general3A_43 = arith.constant dense<0.000000e+00> : vector<512x128xf32>
    %dot_general3A_44 = tpu.matmul %max3A_31, %get3A_42, %dot_general3A_43 {dimension_numbers = #tpu.dot_dimension_numbers<[1], [0], [0], [1], [0, 0, 1, 1], [], []>, precision = #tpu.contract_precision<fp32>, transpose_lhs_hint = false} : vector<512x128xf32>, vector<128x128xf32>, vector<512x128xf32> -> vector<512x128xf32>
    %add3A_45 = arith.addf %dot_general3A_37, %dot_general3A_44 : vector<512x128xf32>
    %mul3A_46 = vector.broadcast %get3A_1 : vector<512x1xf32> to vector<512x128xf32>
    %mul3A_47 = arith.mulf %add3A_45, %mul3A_46 : vector<512x128xf32>
    %swap3A = arith.constant 0 : index
    %swap3A_48 = arith.constant 0 : index
    %swap3A_49 = vector.load %arg5[%swap3A, %swap3A_48] : memref<512x128xf32, #tpu.memory_space<vmem>>, vector<512x128xf32>
    tpu.vector_store %arg5[%swap3A, %swap3A_48], %mul3A_47 {strides = array<i32>} : memref<512x128xf32, #tpu.memory_space<vmem>>, vector<512x128xf32>,
    return
  }
  func.func @transform_0(%arg0: i32) -> (i32, i32, i32) {
    %c0_i32 = arith.constant 0 : i32
    %c0_i32_0 = arith.constant 0 : i32
    %c0_i32_1 = arith.constant 0 : i32
    return %c0_i32, %arg0, %c0_i32_0 : i32, i32, i32
  }
  func.func @transform_1(%arg0: i32) -> (i32, i32) {
    %c0_i32 = arith.constant 0 : i32
    %c0_i32_0 = arith.constant 0 : i32
    return %arg0, %c0_i32 : i32, i32
  }
  func.func @transform_2(%arg0: i32) -> (i32, i32, i32) {
    %c0_i32 = arith.constant 0 : i32
    %c0_i32_0 = arith.constant 0 : i32
    %c0_i32_1 = arith.constant 0 : i32
    %c0_i32_2 = arith.constant 0 : i32
    return %c0_i32, %c0_i32_0, %c0_i32_1 : i32, i32, i32
  }
  func.func @transform_3(%arg0: i32) -> (i32, i32) {
    %c0_i32 = arith.constant 0 : i32
    %c0_i32_0 = arith.constant 0 : i32
    %c0_i32_1 = arith.constant 0 : i32
    return %c0_i32, %c0_i32_0 : i32, i32
  }
  func.func @transform_4(%arg0: i32) -> (i32, i32) {
    %c0_i32 = arith.constant 0 : i32
    %c0_i32_0 = arith.constant 0 : i32
    return %arg0, %c0_i32 : i32, i32
  }
}

module attributes {stable_mosaic.version = 14 : i64} {
  func.func @_tc3_body(%arg0: i32, %arg1: memref<2x512x128xf32, #tpu.memory_space<vmem>>, %arg2: memref<512x128xf32, #tpu.memory_space<vmem>>, %arg3: memref<512x1xf32, #tpu.memory_space<vmem>>, %arg4: memref<1x128xf32, #tpu.memory_space<vmem>>, %arg5: memref<512x128xf32, #tpu.memory_space<vmem>>) attributes {dimension_semantics = [#tpu.dimension_semantics<arbitrary>], iteration_bounds = array<i64: 20>, scalar_prefetch = 0 : i64, scratch_operands = 0 : i64, tpu.core_type = #tpu.core_type<tc>, window_params = [{transform_indices = @transform_0, window_bounds = array<i64: 2, 512, 128>}, {transform_indices = @transform_1, window_bounds = array<i64: 512, 128>}, {transform_indices = @transform_2, window_bounds = array<i64: 512, 1>}, {pipeline_mode = #tpu.pipeline_mode<synchronous>, transform_indices = @transform_3, window_bounds = array<i64: 1, 128>}, {transform_indices = @transform_4, window_bounds = array<i64: 512, 128>}]} {
    %get3A = arith.constant 0 : index
    %get3A_0 = arith.constant 0 : index
    %get3A_1 = arith.constant 0 : index
    %get3A_2 = vector.load %arg1[%get3A, %get3A_0, %get3A_1] : memref<2x512x128xf32, #tpu.memory_space<vmem>>, vector<1x512x128xf32>
    %get3A_3 = vector.shape_cast %get3A_2 : vector<1x512x128xf32> to vector<512x128xf32>
    %get3A_4 = arith.constant 1 : index
    %get3A_5 = arith.constant 0 : index
    %get3A_6 = arith.constant 0 : index
    %get3A_7 = vector.load %arg1[%get3A_4, %get3A_5, %get3A_6] : memref<2x512x128xf32, #tpu.memory_space<vmem>>, vector<1x512x128xf32>
    %get3A_8 = vector.shape_cast %get3A_7 : vector<1x512x128xf32> to vector<512x128xf32>
    %add3A = arith.addf %get3A_3, %get3A_8 : vector<512x128xf32>
    %get3A_9 = arith.constant 0 : index
    %get3A_10 = arith.constant 0 : index
    %get3A_11 = vector.load %arg2[%get3A_9, %get3A_10] : memref<512x128xf32, #tpu.memory_space<vmem>>, vector<512x128xf32>
    %sub3A = arith.subf %add3A, %get3A_11 : vector<512x128xf32>
    %get3A_12 = arith.constant 0 : index
    %get3A_13 = arith.constant 0 : index
    %get3A_14 = vector.load %arg3[%get3A_12, %get3A_13] : memref<512x1xf32, #tpu.memory_space<vmem>>, vector<512x1xf32>
    %mul3A = vector.broadcast %get3A_14 : vector<512x1xf32> to vector<512x128xf32>
    %mul3A_15 = arith.mulf %sub3A, %mul3A : vector<512x128xf32>
    %get3A_16 = arith.constant 0 : index
    %get3A_17 = arith.constant 0 : index
    %get3A_18 = vector.load %arg4[%get3A_16, %get3A_17] : memref<1x128xf32, #tpu.memory_space<vmem>>, vector<1x128xf32>
    %add3A_19 = vector.broadcast %get3A_18 : vector<1x128xf32> to vector<512x128xf32>
    %add3A_20 = arith.addf %mul3A_15, %add3A_19 : vector<512x128xf32>
    %swap3A = arith.constant 0 : index
    %swap3A_21 = arith.constant 0 : index
    %swap3A_22 = vector.load %arg5[%swap3A, %swap3A_21] : memref<512x128xf32, #tpu.memory_space<vmem>>, vector<512x128xf32>
    tpu.vector_store %arg5[%swap3A, %swap3A_21], %add3A_20 {strides = array<i32>} : memref<512x128xf32, #tpu.memory_space<vmem>>, vector<512x128xf32>,
    return
  }
  func.func @transform_0(%arg0: i32) -> (i32, i32, i32) {
    %c0_i32 = arith.constant 0 : i32
    %c0_i32_0 = arith.constant 0 : i32
    %c0_i32_1 = arith.constant 0 : i32
    return %c0_i32, %arg0, %c0_i32_0 : i32, i32, i32
  }
  func.func @transform_1(%arg0: i32) -> (i32, i32) {
    %c0_i32 = arith.constant 0 : i32
    %c0_i32_0 = arith.constant 0 : i32
    return %arg0, %c0_i32 : i32, i32
  }
  func.func @transform_2(%arg0: i32) -> (i32, i32) {
    %c0_i32 = arith.constant 0 : i32
    %c0_i32_0 = arith.constant 0 : i32
    return %arg0, %c0_i32 : i32, i32
  }
  func.func @transform_3(%arg0: i32) -> (i32, i32) {
    %c0_i32 = arith.constant 0 : i32
    %c0_i32_0 = arith.constant 0 : i32
    %c0_i32_1 = arith.constant 0 : i32
    return %c0_i32, %c0_i32_0 : i32, i32
  }
  func.func @transform_4(%arg0: i32) -> (i32, i32) {
    %c0_i32 = arith.constant 0 : i32
    %c0_i32_0 = arith.constant 0 : i32
    return %arg0, %c0_i32 : i32, i32
  }
}

</mosaic_0001>

<sc_bundles>
// kernel: kernel.11.cloned.1.call-start
scs
__scs_entry_jumppad:
0x0: {  	(pc) =	sbr.rel $0x88, $3  }
0x1: {  	(tag) =	ssettag $0x0;
	lr =	simm.s32 $0x1  }
0x2: {  	[smem:$0x3F9B] =	sst lr;
	_ =	strace $0xD0000000  }
0x3: {  	_ = 	snop  }
0x4: {  	_ = 	snop  }
0x5: {  	_ = 	snop  }
0x6: {  	_ = 	snop  }
0x7: {  	_ = 	snop  }
__scs_overlays_trampoline_lowered:
0x8: {  	[smem:$0x3FAA] =	sst s0  }
0x9: {  	[smem:$0x3FAB] =	sst s1  }
0xa: {  	[smem:$0x3FAC] =	sst s2  }
0xb: {  	[smem:$0x3FAD] =	sst s3  }
0xc: {  	[smem:$0x3FAE] =	sst s4  }
0xd: {  	[smem:$0x3FAF] =	sst s5  }
0xe: {  	[smem:$0x3FB0] =	sst s6  }
0xf: {  	[smem:$0x3FB1] =	sst s7  }
0x10: {  	[smem:$0x3FB2] =	sst s8  }
0x11: {  	[smem:$0x3FB3] =	sst s9;
	s0 =	simm.s32 @!p0 $0x0  }
0x12: {  	s1 =	sld [smem:$0x3F99];
	s0 =	simm.s32 @p0 $0x1  }
0x13: {  	[smem:$0x3FB4] =	sst s0;
	s0 =	simm.s32 @!p1 $0x0  }
0x14: {  	s2 =	sld [smem:$0x3F98];
	s0 =	simm.s32 @p1 $0x1  }
0x15: {  	[smem:$0x3FB5] =	sst s0;
	s0 =	simm.s32 @!p2 $0x0  }
0x16: {  	s3 =	sld [smem:$0x3FDB];
	s0 =	simm.s32 @p2 $0x1  }
0x17: {  	s4 =	simm.s32 $0x1BF5;
	[smem:$0x3FB7] =	sst s0  }
0x18: {  	s0 =	sld [smem:$0x3F9A];
	_ =	swait.ge [sflag:s4], $0x0  }
0x19: {  	s7 =	sld [smem:$0x3F9B]  }
0x1a: {  	s8 =	sadd.s32 $0xFFFFE003, lr  }
0x1b: {  	s9 =	sadd.s32 $0xFFFFFEF7, lr;
	s5 =	simm.s32 $0xFFFFFFFF;
	p2 =	slt.u32 s8, $0xFFFFF086  }
0x1c: {  	p1 =	slt.u32 s9, $0xF7A;
	s5 =	simm.s32 @!p2 $0x0  }
0x1d: {  	s5 =	simm.s32 @p1 $0x1;
	p0 =	seq.s32 s7, s2  }
0x1e: {  	s7 =	smul.u32 @!p0 $0xF7A, s2;
	p2 =	seq.s32 @!p0 s5, $0x0  }
0x1f: {  	s9 =	smul.u32 $0xF7A, s1;
	s8 =	simm.s32 @!p0 $0x1BF5;
	p2 =	por !p2, p0  }
0x20: {  	[sflag:s8] =	ssyncset.s32 @!p0 $0xFFFFF086;
	s6 =	sadd.s32 @!p0 s3, s7;
	s7 =	simm.s32 @!p0 $0x108  }
0x21: {  	s3 =	sadd.s32 s3, s9;
	s6 =	sadd.s32 @!p0 $0x88, s6;
	s7 =	simm.s32 @p2 $0x1082  }
0x22: {  	[simem:s7], [sflag:s8] =	dma.local @!p0 [hbm:s6], $0xF7A  }
0x23: {  	s9 =	sor.u32 $0xD0000000, s2;
	s6 =	simm.s32 $0x108;
	_ =	swait.ge @!p0 [sflag:s8], $0x0  }
0x24: {  	s3 =	sadd.s32 $0x88, s3;
	s6 =	simm.s32 @!p1 $0x1082;
	[sflag:s4] =	ssyncset.s32 $0xFFFFF086  }
0x25: {  	[simem:s6], [sflag:s4] =	dma.local [hbm:s3], $0xF7A  }
0x26: {  	[smem:$0x3F9B] =	sst s1;
	(tag) =	ssettag s2;
	_ =	strace s9  }
0x27: {  	s1 =	sld [smem:$0x3FAB]  }
0x28: {  	s2 =	sld [smem:$0x3FAC]  }
0x29: {  	s4 =	sld [smem:$0x3FAE]  }
0x2a: {  	p0 =	seq.s32 s5, $0x0;
	s5 =	sld [smem:$0x3FAF]  }
0x2b: {  	s6 =	sld [smem:$0x3FB0]  }
0x2c: {  	s7 =	sld [smem:$0x3FB1]  }
0x2d: {  	s3 =	simm.s32 $0x108;
	s8 =	sld [smem:$0x3FB2]  }
0x2e: {  	s3 =	simm.s32 @!p0 $0x1082;
	s9 =	sld [smem:$0x3FB3]  }
0x2f: {  	lr =	sadd.s32 s0, s3;
	s0 =	sld [smem:$0x3FAA]  }
0x30: {  	s3 =	sld [smem:$0x3FAD]  }
0x31: {  	[smem:$0x3FB6] =	sst s10  }
0x32: {  	s10 =	sld [smem:$0x3FB4];
	_ =	sdelay $0x3  }
0x33: {  	p0 =	seq.s32 s10, $0x1;
	s10 =	sld [smem:$0x3FB6];
	_ =	sdelay $0x3  }
0x34: {  	[smem:$0x3FB6] =	sst s10  }
0x35: {  	s10 =	sld [smem:$0x3FB5];
	_ =	sdelay $0x3  }
0x36: {  	p1 =	seq.s32 s10, $0x1;
	s10 =	sld [smem:$0x3FB6];
	_ =	sdelay $0x3  }
0x37: {  	[smem:$0x3FB6] =	sst s10  }
0x38: {  	s10 =	sld [smem:$0x3FB7]  }
0x39: {  	_ = 	snop;
	(pc) =	sbr.ind lr, $3  }
0x3a: {  	_ = 	snop  }
0x3b: {  	_ = 	snop  }
0x3c: {  	p2 =	seq.s32 s10, $0x1;
	s10 =	sld [smem:$0x3FB6]  }
0x3d: {  	_ =	shalt  }
0x3e: {  	_ =	shalt  }
0x3f: {  	_ =	shalt  }
0x40: {  	_ =	shalt  }
0x41: {  	_ =	shalt  }
0x42: {  	_ =	shalt  }
0x43: {  	_ =	shalt  }
0x44: {  	_ =	shalt  }
0x45: {  	_ =	shalt  }
0x46: {  	_ =	shalt  }
0x47: {  	_ =	shalt  }
0x48: {  	_ =	shalt  }
0x49: {  	_ =	shalt  }
0x4a: {  	_ =	shalt  }
0x4b: {  	_ =	shalt  }
0x4c: {  	_ =	shalt  }
0x4d: {  	_ =	shalt  }
0x4e: {  	_ =	shalt  }
0x4f: {  	_ =	shalt  }
0x50: {  	_ =	shalt  }
0x51: {  	_ =	shalt  }
0x52: {  	_ =	shalt  }
0x53: {  	_ =	shalt  }
0x54: {  	_ =	shalt  }
0x55: {  	_ =	shalt  }
0x56: {  	_ =	shalt  }
0x57: {  	_ =	shalt  }
0x58: {  	_ =	shalt  }
0x59: {  	_ =	shalt  }
0x5a: {  	_ =	shalt  }
0x5b: {  	_ =	shalt  }
0x5c: {  	_ =	shalt  }
0x5d: {  	_ =	shalt  }
0x5e: {  	_ =	shalt  }
0x5f: {  	_ =	shalt  }
0x60: {  	_ =	shalt  }
0x61: {  	_ =	shalt  }
0x62: {  	_ =	shalt  }
0x63: {  	_ =	shalt  }
0x64: {  	_ =	shalt  }
0x65: {  	_ =	shalt  }
0x66: {  	_ =	shalt  }
0x67: {  	_ =	shalt  }
0x68: {  	_ =	shalt  }
0x69: {  	_ =	shalt  }
0x6a: {  	_ =	shalt  }
0x6b: {  	_ =	shalt  }
0x6c: {  	_ =	shalt  }
0x6d: {  	_ =	shalt  }
0x6e: {  	_ =	shalt  }
0x6f: {  	_ =	shalt  }
0x70: {  	_ =	shalt  }
0x71: {  	_ =	shalt  }
0x72: {  	_ =	shalt  }
0x73: {  	_ =	shalt  }
0x74: {  	_ =	shalt  }
0x75: {  	_ =	shalt  }
0x76: {  	_ =	shalt  }
0x77: {  	_ =	shalt  }
0x78: {  	_ =	shalt  }
0x79: {  	_ =	shalt  }
0x7a: {  	_ =	shalt  }
0x7b: {  	_ =	shalt  }
0x7c: {  	_ =	shalt  }
0x7d: {  	_ =	shalt  }
0x7e: {  	_ =	shalt  }
0x7f: {  	_ =	shalt  }
0x80: {  	_ =	shalt  }
0x81: {  	_ =	shalt  }
0x82: {  	_ =	shalt  }
0x83: {  	_ =	shalt  }
0x84: {  	_ =	shalt  }
0x85: {  	_ =	shalt  }
0x86: {  	_ =	shalt  }
0x87: {  	_ =	shalt  }
.Lfunc_end0:
.L_simem_size_0:
called_computation.1_lowered:
.L_overlay_start_0:
0x88: {  	s2 =	sld [smem:$0x3FD9]  }
0x89: {  	s3 =	sld [smem:$0x3FFE];
	_ =	sdelay $0x1  }
0x8a: {  	s1 =	srdreg.scid  }
0x8b: {  	s0 =	sand.u32 $0x1, s1  }
0x8c: {  	s17 =	sshll.u32 s0, $0xA;
	s2 =	sadd.s32 s3, s2  }
0x8d: {  	s2 =	sadd.s32 s2, s17  }
0x8e: {  	[smem:$0x3FC2] =	sst s2  }
0x8f: {  	_ = 	snop  }
0x90: {  	s2 =	sld [smem:$0x3FD0];
	(tm) =	ssettm $0x1  }
0x91: {  	s18 =	sld [smem:$0x3FFB];
	_ =	sdelay $0x3  }
0x92: {  	_ =	strace s18  }
0x93: {  	s3 =	sld [smem:$0x3FFC];
	_ =	sdelay $0x3  }
0x94: {  	_ =	strace s3  }
0x95: {  	s3 =	sld [smem:$0x3FFD];
	_ =	sdelay $0x3  }
0x96: {  	_ =	strace s3  }
0x97: {  	_ =	strace $0x8FFFFFFF  }
0x98: {  	s19 =	sld [smem:$0x3FDB];
	_ =	sdelay $0x1  }
0x99: {  	s4 =	simm.s32 $_scs_section_size  }
0x9a: {  	s5 =	simm.s32 $_size__tile_overlayer_lowered;
	s6 =	simm.s32 $_tile_overlayer_lowered  }
0x9b: {  	s22 =	simm.s32 $0x1BFF;
	s21 =	sshll.u32 s6, $0x1;
	s3 =	sadd.s32 s4, s19  }
0x9c: {  	s7 =	simm.s32 $0x0;
	s20 =	sshll.u32 s5, $0x1;
	s5 =	sadd.s32 s21, s3  }
0x9d: {  	[timem:s7], [sflag:s22] =	dma.local [hbm:s5], s20  }
0x9e: {  	_ =	swait.ge [sflag:s22], s20  }
0x9f: {  	s4 =	ssub.s32 $0x0, s20;
	[sflag:s22] =	ssyncset.done $0x0  }
0xa0: {  	[sflag:s22] =	ssyncadd.s32 s4;
	_ =	sdelay $0x1  }
0xa1: {  	s23 =	simm.s32 $0x1B8B  }
0xa2: {  	_ =	swait.ge [sflag:s23], $0x1  }
0xa3: {  	[sflag:s23] =	ssyncset.done $0x0  }
0xa4: {  	s25 =	simm.s32 $0x1B8E;
	s24 =	sld [smem:$0x3FFE];
	[sflag:s23] =	ssyncadd.s32 $0xFFFFFFFF  }
0xa5: {  	s26 =	simm.s32 $execute0_lowered;
	[smem:$0x3FD2] =	sst s25  }
0xa6: {  	s5 =	sshll.u32 s26, $0x1;
	_ =	strace $0x80000049;
	[dreg:$0x1] =	wrdreg $0xFFFFFFFF  }
0xa7: {  	s28 =	simm.s32 $_size_execute0_lowered;
	s3 =	sadd.s32 s3, s5;
	[dreg:$0x0] =	wrdreg $0x0  }
0xa8: {  	s5 =	sshll.u32 s28, $0x1;
	[dreg:$0x2] =	wrdreg s3  }
0xa9: {  	[dreg:$0x3] =	wrdreg s5  }
0xaa: {  	[dreg:$0x4] =	wrdreg $0xC0  }
0xab: {  	_ =	task [dreg:s7], $0x5FFFF  }
0xac: {  	[dreg:$0x1] =	wrdreg $0xFFFFFFFF  }
0xad: {  	[dreg:$0x0] =	wrdreg $0x60  }
0xae: {  	[dreg:$0x2] =	wrdreg s24  }
0xaf: {  	[dreg:$0x3] =	wrdreg s2  }
0xb0: {  	[dreg:$0x4] =	wrdreg $0xC0000  }
0xb1: {  	[dreg:$0x5] =	wrdreg $0x9  }
0xb2: {  	_ =	task.clear_ibuf [dreg:s7], $0x6FFFF;
	_ =	strace $0x90000049  }
0xb3: {  	s29 =	simm.s32 $0x9;
	_ =	strace $0x8000004B  }
0xb4: {  	_ =	swait.ge [sflag:s29], $0x1  }
0xb5: {  	[sflag:s29] =	ssyncadd.s32 $0xFFFFFFFF  }
0xb6: {  	_ =	strace $0x9000004B  }
0xb7: {  	_ =	sfence  }
0xb8: {  	s30 =	sld [smem:$0x0];
	_ =	sdelay $0x2  }
0xb9: {  	s31 =	sshll.u32 s1, $0xD;
	s1 =	sshrl.u32 s1, $0x2  }
0xba: {  	s3 =	sand.u32 $0x4000, s31;
	s1 =	sadd.s32 s1, s30  }
0xbb: {  	s0 =	sor.u32 s3, s0;
	s1 =	sshll.u32 s1, $0x11  }
0xbc: {  	s0 =	sor.u32 s1, s0  }
0xbd: {  	s0 =	sadd.s32 $0x8F2B, s0  }
0xbe: {  	[sflag:s0] =	ssyncadd.remote.s32 $0x1  }
0xbf: {  	_ =	sfence.sel $0xFFFF  }
0xc0: {  	[dreg:$0x0] =	wrdreg $0xFFFFFFFF;
	(pc) =	sbr.abs _section_cstart, $3  }
0xc1: {  	[dreg:$0x1] =	wrdreg $0xFFFFFFFF  }
0xc2: {  	_ =	task.clear_ibuf [dreg:s7], $0x2FFFF;
	_ =	strace $0x9FFFFFFF  }
0xc3: {  	(tm) =	ssettm $0x7FFFFFFF  }
tec
execute0_lowered:
.L_overlay_start_1:
0x0: {  	(tag) =	ssettag $0x1  }
0x1: {  	s0 =	rddreg [dreg:$0x0]  }
0x2: {  	s2 =	rddreg [dreg:$0x2];
	s1 =	srdreg.scid  }
0x3: {  	s13 =	simm.s32 $0x0;
	s11 =	stileid.u32;
	s15 =	simm.s32 $0x9  }
0x4: {  	s17 =	simm.s32 $0x50;
	s18 =	simm.s32 $0x2000;
	s19 =	simm.s32 $0x80  }
0x5: {  	s20 =	simm.s32 $0x4800;
	s28 =	simm.s32 $0x3;
	s29 =	simm.s32 $0x4  }
0x6: {  	s30 =	simm.s32 $0x5;
	s31 =	simm.s32 $0x6;
	s12 =	simm.s32 $0x1F80  }
0x7: {  	s1 =	sand.u32 $0x1, s1;
	[smem:$0x7FF] =	sst s13;
	s4 =	smul.u32 $0x14000, s11  }
0x8: {  	s5 =	sadd.s32 $0x2200, s0;
	s6 =	sadd.s32 $0x2A200, s0;
	s21 =	smul.u32 $0x50000, s11  }
0x9: {  	s7 =	sadd.s32 $0x5F200, s0;
	s9 =	smul.u32 $0x2800, s11;
	s10 =	sshll.u32 s11, $0xC  }
0xa: {  	s26 =	sshll.u32 s11, $0x6;
	s11 =	simm.s32 $0x1F00;
	s3 =	smul.u32 $0x140000, s1  }
0xb: {  	_ =	strace $0x8000004A;
	s8 =	ssub.s32 $0x2, s1;
	p0 =	seq.s32 s1, $0x0  }
0xc: {  	s14 =	sor.u32 $0x1C09, s26;
	s26 =	simm.s32 $0x2;
	s22 =	sshrl.u32 s8, $0x1  }
0xd: {  	s23 =	sadd.s32 s6, s9;
	s24 =	sadd.s32 s5, s9;
	[dreg:$0x9] =	wrdreg s14  }
0xe: {  	s9 =	simm.s32 $0x1E80;
	s3 =	sadd.s32 s4, s3;
	[dreg:$0x5] =	wrdreg s23  }
0xf: {  	s4 =	sshrl.u32 s21, $0x2;
	[dreg:$0x6] =	wrdreg s24;
	s21 =	simm.s32 $0x100  }
0x10: {  	s23 =	simm.s32 $0x180;
	s24 =	simm.s32 $0x9800;
	s3 =	sshrl.u32 s3, $0x3  }
.Ltmp0:
0x11: {  	s4 =	sadd.s32 s4, s2;
	s0 =	sadd.s32 s3, s0;
	(pc) =	sbr.rel .LBB2_1-.Ltmp0, $4  }
0x12: {  	s3 =	ssub.s32 s8, s22;
	s4 =	sshrl.u32 s4, $0x3;
	s22 =	simm.s32 $0x7000  }
0x13: {  	s8 =	simm.s32 $0x1E00;
	s0 =	sadd.s32 $0x6F200, s0;
	[dreg:$0xa] =	wrdreg s4  }
0x14: {  	s25 =	smax.u32 s3, $0x1;
	s3 =	simm.s32 $0x8;
	[dreg:$0x7] =	wrdreg s0  }
0x15: {  	[dreg:$0x8] =	wrdreg s25;
	s25 =	simm.s32 $0x1;
	s0 =	simm.s32 $0x7  }
.LBB2_10:
0x16: {  	[bflag:$0x0] =	sbarrier.arrive $0xFFFF  }
0x17: {  	s1 =	rddreg [dreg:$0x7]  }
0x18: {  	s14 =	rddreg [dreg:$0x9]  }
0x19: {  	s4 =	rddreg [dreg:$0xa]  }
0x1a: {  	[hbm:s1], [sflag:s14] =	dma.local [spmem:s4], $0x2800  }
0x1b: {  	_ =	swait.ge [sflag:s15], $0x2800  }
0x1c: {  	s13 =	rddreg [dreg:$0x4]  }
0x1d: {  	s16 =	rddreg [dreg:$0x8];
	s13 =	sadd.s32 $0x1, s13  }
0x1e: {  	p1 =	sne.s32 s13, s16  }
.Ltmp1:
0x1f: {  	_ = 	snop;
	(pc) =	sbr.rel @!p1 .LBB2_11-.Ltmp1, $3  }
0x20: {  	_ =	sdelay $0x1  }
0x21: {  	[sflag:s15] =	ssyncset.done $0x0  }
0x22: {  	[sflag:s15] =	ssyncadd.s32 $0xFFFFD800  }
.LBB2_1:
.Ltmp2:
0x23: {  	(pc) =	sbr.rel @!p0 .LBB2_2-.Ltmp2, $2  }
0x24: {  	_ =	sdelay $0x2  }
0x25: {  	[dreg:$0x4] =	wrdreg s13  }
0x26: {  	s1 =	rddreg [dreg:$0x6]  }
0x27: {  	[spmem:s4], [sflag:s14] =	dma.local [hbm:s1], $0x2800  }
0x28: {  	_ =	swait.ge [sflag:s15], $0x2800  }
0x29: {  	[sflag:s15] =	ssyncset.done $0x0  }
0x2a: {  	[sflag:s15] =	ssyncadd.s32 $0xFFFFD800  }
0x2b: {  	s13 =	simm.s32 $0x0;
	s14 =	simm.s32 $0x0;
	[bflag:$0x0] =	sbarrier.arrive $0xFFFF  }
.LBB2_7:
0x2c: {  	s1 =	sshll.u32 s14, $0x9  }
0x2d: {  	s4 =	rddreg [dreg:$0x1];
	s1 =	sadd.s32 s10, s1  }
0x2e: {  	s4 =	sadd.s32 s4, s1  }
0x2f: {  	[tilespmem:s13], [sflag:$0x9] =	stream.linear.gather [hbm4b:s4+s13], $0x1000, $0x38;
	v63 =	vld [tilespmem:$0x0]  }
0x30: {  	_ =	swait.ge [sflag:s15], $0x1000  }
0x31: {  	[sflag:s15] =	ssyncset.done $0x0  }
0x32: {  	s16 =	simm.s32 $0x1000;
	s1 =	sadd.s32 s7, s1;
	[sflag:s15] =	ssyncadd.s32 $0xFFFFF000  }
0x33: {  	[tilespmem:s16], [sflag:$0x9] =	stream.linear.gather [hbm4b:s1+s13], $0x1000, $0x38;
	v63 =	vld [tilespmem:$0x0]  }
0x34: {  	_ =	swait.ge [sflag:s15], $0x1000  }
0x35: {  	[sflag:s15] =	ssyncset.done $0x0  }
0x36: {  	[sflag:s15] =	ssyncadd.s32 $0xFFFFF000  }
0x37: {  	[tilespmem:s18], [sflag:$0x1] =	stream.indirect.gather [hbm4b:s5+s17], $0x80, s13, s17, $0xb8;
	v63 =	vld [tilespmem:$0x0]  }
0x38: {  	_ = 	snop  }
0x39: {  	[tilespmem:s20], [sflag:$0x2] =	stream.indirect.gather [hbm4b:s5+s17], $0x80, s19, s17, $0xb8;
	v63 =	vld [tilespmem:$0x0]  }
0x3a: {  	_ = 	snop  }
0x3b: {  	[tilespmem:s22], [sflag:$0x3] =	stream.indirect.gather [hbm4b:s5+s17], $0x80, s21, s17, $0xb8;
	v63 =	vld [tilespmem:$0x0]  }
0x3c: {  	_ = 	snop  }
0x3d: {  	[tilespmem:s24], [sflag:$0x4] =	stream.indirect.gather [hbm4b:s5+s17], $0x80, s23, s17, $0xb8;
	v63 =	vld [tilespmem:$0x0]  }
0x3e: {  	_ =	swait.ge [sflag:s25], $0x2800  }
0x3f: {  	[sflag:s25] =	ssyncset.done $0x0  }
0x40: {  	s16 =	simm.s32 $0x1000;
	[sflag:s25] =	ssyncadd.s32 $0xFFFFD800  }
0x41: {  	[spmem:s2] =	stream.indirect.scatter.add.f32 [tilespmem:s18], [sflag:$0x5], $0x80, s16, s17, $0xb8;
	v63 =	vld [tilespmem:$0x0]  }
0x42: {  	_ =	swait.ge [sflag:s26], $0x2800  }
0x43: {  	[sflag:s26] =	ssyncset.done $0x0  }
0x44: {  	s4 =	simm.s32 $0x1080;
	[sflag:s26] =	ssyncadd.s32 $0xFFFFD800  }
0x45: {  	[spmem:s2] =	stream.indirect.scatter.add.f32 [tilespmem:s20], [sflag:$0x6], $0x80, s4, s17, $0xb8;
	v63 =	vld [tilespmem:$0x0]  }
0x46: {  	_ =	swait.ge [sflag:s28], $0x2800  }
0x47: {  	[sflag:s28] =	ssyncset.done $0x0  }
0x48: {  	s16 =	simm.s32 $0x1100;
	[sflag:s28] =	ssyncadd.s32 $0xFFFFD800  }
0x49: {  	[spmem:s2] =	stream.indirect.scatter.add.f32 [tilespmem:s22], [sflag:$0x7], $0x80, s16, s17, $0xb8;
	v63 =	vld [tilespmem:$0x0]  }
0x4a: {  	_ =	swait.ge [sflag:s29], $0x2800  }
0x4b: {  	[sflag:s29] =	ssyncset.done $0x0  }
0x4c: {  	s4 =	simm.s32 $0x1180;
	[sflag:s29] =	ssyncadd.s32 $0xFFFFD800  }
0x4d: {  	[spmem:s2] =	stream.indirect.scatter.add.f32 [tilespmem:s24], [sflag:$0x8], $0x80, s4, s17, $0xb8;
	v63 =	vld [tilespmem:$0x0]  }
0x4e: {  	_ =	swait.ge [sflag:s30], $0x2800  }
0x4f: {  	[sflag:s30] =	ssyncset.done $0x0  }
0x50: {  	s16 =	simm.s32 $0x200;
	[sflag:s30] =	ssyncadd.s32 $0xFFFFD800  }
0x51: {  	[tilespmem:s18], [sflag:$0x1] =	stream.indirect.gather [hbm4b:s5+s17], $0x80, s16, s17, $0xb8;
	v63 =	vld [tilespmem:$0x0]  }
0x52: {  	_ =	swait.ge [sflag:s31], $0x2800  }
0x53: {  	[sflag:s31] =	ssyncset.done $0x0  }
0x54: {  	s4 =	simm.s32 $0x280;
	[sflag:s31] =	ssyncadd.s32 $0xFFFFD800  }
0x55: {  	[tilespmem:s20], [sflag:$0x2] =	stream.indirect.gather [hbm4b:s5+s17], $0x80, s4, s17, $0xb8;
	v63 =	vld [tilespmem:$0x0]  }
0x56: {  	_ =	swait.ge [sflag:s0], $0x2800  }
0x57: {  	[sflag:s0] =	ssyncset.done $0x0  }
0x58: {  	s16 =	simm.s32 $0x300;
	[sflag:s0] =	ssyncadd.s32 $0xFFFFD800  }
0x59: {  	[tilespmem:s22], [sflag:$0x3] =	stream.indirect.gather [hbm4b:s5+s17], $0x80, s16, s17, $0xb8;
	v63 =	vld [tilespmem:$0x0]  }
0x5a: {  	_ =	swait.ge [sflag:s3], $0x2800  }
0x5b: {  	[sflag:s3] =	ssyncset.done $0x0  }
0x5c: {  	s1 =	simm.s32 $0x380;
	s4 =	simm.s32 $0x800;
	[sflag:s3] =	ssyncadd.s32 $0xFFFFD800  }
.LBB2_8:
0x5d: {  	[tilespmem:s24], [sflag:$0x4] =	stream.indirect.gather [hbm4b:s5+s17], $0x80, s1, s17, $0xb8;
	v63 =	vld [tilespmem:$0x0]  }
0x5e: {  	s1 =	smov.u32 s4  }
0x5f: {  	p1 =	sne.s32 s4, $0x3000;
	s4 =	sadd.s32 $0x800, s4;
	_ =	swait.ge [sflag:s25], $0x2800  }
0x60: {  	s1 =	sshra.s32 s1, $0x2;
	[sflag:s25] =	ssyncset.done $0x0  }
0x61: {  	s16 =	sadd.s32 $0x1000, s1;
	[sflag:s25] =	ssyncadd.s32 $0xFFFFD800  }
0x62: {  	[spmem:s2] =	stream.indirect.scatter.add.f32 [tilespmem:s18], [sflag:$0x5], $0x80, s16, s17, $0xb8;
	v63 =	vld [tilespmem:$0x0]  }
0x63: {  	_ =	swait.ge [sflag:s26], $0x2800  }
0x64: {  	[sflag:s26] =	ssyncset.done $0x0  }
0x65: {  	s16 =	sadd.s32 $0x1080, s1;
	[sflag:s26] =	ssyncadd.s32 $0xFFFFD800  }
0x66: {  	[spmem:s2] =	stream.indirect.scatter.add.f32 [tilespmem:s20], [sflag:$0x6], $0x80, s16, s17, $0xb8;
	v63 =	vld [tilespmem:$0x0]  }
0x67: {  	_ =	swait.ge [sflag:s28], $0x2800  }
0x68: {  	[sflag:s28] =	ssyncset.done $0x0  }
0x69: {  	s16 =	sadd.s32 $0x1100, s1;
	[sflag:s28] =	ssyncadd.s32 $0xFFFFD800  }
0x6a: {  	[spmem:s2] =	stream.indirect.scatter.add.f32 [tilespmem:s22], [sflag:$0x7], $0x80, s16, s17, $0xb8;
	v63 =	vld [tilespmem:$0x0]  }
0x6b: {  	_ =	swait.ge [sflag:s29], $0x2800  }
0x6c: {  	[sflag:s29] =	ssyncset.done $0x0  }
0x6d: {  	s16 =	sadd.s32 $0x1180, s1;
	[sflag:s29] =	ssyncadd.s32 $0xFFFFD800  }
0x6e: {  	[spmem:s2] =	stream.indirect.scatter.add.f32 [tilespmem:s24], [sflag:$0x8], $0x80, s16, s17, $0xb8;
	v63 =	vld [tilespmem:$0x0]  }
0x6f: {  	_ =	swait.ge [sflag:s30], $0x2800  }
0x70: {  	[sflag:s30] =	ssyncset.done $0x0  }
0x71: {  	s16 =	sadd.s32 $0x200, s1;
	[sflag:s30] =	ssyncadd.s32 $0xFFFFD800  }
0x72: {  	[tilespmem:s18], [sflag:$0x1] =	stream.indirect.gather [hbm4b:s5+s17], $0x80, s16, s17, $0xb8;
	v63 =	vld [tilespmem:$0x0]  }
0x73: {  	_ =	swait.ge [sflag:s31], $0x2800  }
0x74: {  	[sflag:s31] =	ssyncset.done $0x0  }
0x75: {  	s16 =	sadd.s32 $0x280, s1;
	[sflag:s31] =	ssyncadd.s32 $0xFFFFD800  }
0x76: {  	[tilespmem:s20], [sflag:$0x2] =	stream.indirect.gather [hbm4b:s5+s17], $0x80, s16, s17, $0xb8;
	v63 =	vld [tilespmem:$0x0]  }
0x77: {  	_ =	swait.ge [sflag:s0], $0x2800  }
0x78: {  	[sflag:s0] =	ssyncset.done $0x0  }
.Ltmp3:
0x79: {  	s16 =	sadd.s32 $0x300, s1;
	[sflag:s0] =	ssyncadd.s32 $0xFFFFD800;
	(pc) =	sbr.rel @p1 .LBB2_8-.Ltmp3, $4  }
0x7a: {  	[tilespmem:s22], [sflag:$0x3] =	stream.indirect.gather [hbm4b:s5+s17], $0x80, s16, s17, $0xb8;
	v63 =	vld [tilespmem:$0x0]  }
0x7b: {  	_ =	swait.ge [sflag:s3], $0x2800  }
0x7c: {  	[sflag:s3] =	ssyncset.done $0x0  }
0x7d: {  	s1 =	sadd.s32 $0x380, s1;
	[sflag:s3] =	ssyncadd.s32 $0xFFFFD800  }
0x7e: {  	[tilespmem:s24], [sflag:$0x4] =	stream.indirect.gather [hbm4b:s5+s17], $0x80, s1, s17, $0xb8;
	v63 =	vld [tilespmem:$0x0]  }
0x7f: {  	_ =	swait.ge [sflag:s25], $0x2800  }
0x80: {  	[sflag:s25] =	ssyncset.done $0x0  }
0x81: {  	[sflag:s25] =	ssyncadd.s32 $0xFFFFD800  }
0x82: {  	[spmem:s2] =	stream.indirect.scatter.add.f32 [tilespmem:s18], [sflag:$0x5], $0x80, s8, s17, $0xb8;
	v63 =	vld [tilespmem:$0x0]  }
0x83: {  	_ =	swait.ge [sflag:s26], $0x2800  }
0x84: {  	[sflag:s26] =	ssyncset.done $0x0  }
0x85: {  	[sflag:s26] =	ssyncadd.s32 $0xFFFFD800  }
0x86: {  	[spmem:s2] =	stream.indirect.scatter.add.f32 [tilespmem:s20], [sflag:$0x6], $0x80, s9, s17, $0xb8;
	v63 =	vld [tilespmem:$0x0]  }
0x87: {  	_ =	swait.ge [sflag:s28], $0x2800  }
0x88: {  	[sflag:s28] =	ssyncset.done $0x0  }
0x89: {  	[sflag:s28] =	ssyncadd.s32 $0xFFFFD800  }
0x8a: {  	[spmem:s2] =	stream.indirect.scatter.add.f32 [tilespmem:s22], [sflag:$0x7], $0x80, s11, s17, $0xb8;
	v63 =	vld [tilespmem:$0x0]  }
0x8b: {  	_ =	swait.ge [sflag:s29], $0x2800  }
0x8c: {  	[sflag:s29] =	ssyncset.done $0x0  }
0x8d: {  	[sflag:s29] =	ssyncadd.s32 $0xFFFFD800  }
0x8e: {  	[spmem:s2] =	stream.indirect.scatter.add.f32 [tilespmem:s24], [sflag:$0x8], $0x80, s12, s17, $0xb8;
	v63 =	vld [tilespmem:$0x0]  }
0x8f: {  	_ =	swait.ge [sflag:s30], $0x2800  }
0x90: {  	[sflag:s30] =	ssyncset.done $0x0  }
0x91: {  	[sflag:s30] =	ssyncadd.s32 $0xFFFFD800  }
0x92: {  	_ =	swait.ge [sflag:s31], $0x2800  }
0x93: {  	[sflag:s31] =	ssyncset.done $0x0  }
0x94: {  	s14 =	sadd.s32 $0x1, s14;
	[sflag:s31] =	ssyncadd.s32 $0xFFFFD800  }
0x95: {  	p1 =	seq.s32 s14, $0x8;
	_ =	swait.ge [sflag:s0], $0x2800  }
.Ltmp4:
0x96: {  	[sflag:s0] =	ssyncset.done $0x0;
	(pc) =	sbr.rel @!p1 .LBB2_7-.Ltmp4, $4  }
.Ltmp5:
0x97: {  	[sflag:s0] =	ssyncadd.s32 $0xFFFFD800;
	(pc) =	sbr.rel @p1 .LBB2_10-.Ltmp5, $4  }
0x98: {  	_ =	swait.ge [sflag:s3], $0x2800  }
0x99: {  	[sflag:s3] =	ssyncset.done $0x0  }
0x9a: {  	[sflag:s3] =	ssyncadd.s32 $0xFFFFD800  }
0x9b: {  	_ = 	snop  }
.LBB2_2:
0x9c: {  	s1 =	rddreg [dreg:$0x5]  }
0x9d: {  	[spmem:s4], [sflag:s14] =	dma.local [hbm:s1], $0x2800  }
0x9e: {  	_ =	swait.ge [sflag:s15], $0x2800  }
0x9f: {  	[sflag:s15] =	ssyncset.done $0x0  }
0xa0: {  	[sflag:s15] =	ssyncadd.s32 $0xFFFFD800  }
0xa1: {  	s13 =	simm.s32 $0x0;
	s14 =	simm.s32 $0x0;
	[bflag:$0x0] =	sbarrier.arrive $0xFFFF  }
.LBB2_3:
0xa2: {  	s1 =	sshll.u32 s14, $0x9  }
0xa3: {  	s4 =	rddreg [dreg:$0x1];
	s1 =	sadd.s32 s10, s1  }
0xa4: {  	s4 =	sadd.s32 s4, s1  }
0xa5: {  	[tilespmem:s13], [sflag:$0x9] =	stream.linear.gather [hbm4b:s4+s13], $0x1000, $0x38;
	v63 =	vld [tilespmem:$0x0]  }
0xa6: {  	_ =	swait.ge [sflag:s15], $0x1000  }
0xa7: {  	[sflag:s15] =	ssyncset.done $0x0  }
0xa8: {  	s16 =	simm.s32 $0x1000;
	s1 =	sadd.s32 s7, s1;
	[sflag:s15] =	ssyncadd.s32 $0xFFFFF000  }
0xa9: {  	[tilespmem:s16], [sflag:$0x9] =	stream.linear.gather [hbm4b:s1+s13], $0x1000, $0x38;
	v63 =	vld [tilespmem:$0x0]  }
0xaa: {  	_ =	swait.ge [sflag:s15], $0x1000  }
0xab: {  	[sflag:s15] =	ssyncset.done $0x0  }
0xac: {  	[sflag:s15] =	ssyncadd.s32 $0xFFFFF000  }
0xad: {  	[tilespmem:s18], [sflag:$0x1] =	stream.indirect.gather [hbm4b:s6+s17], $0x80, s13, s17, $0xb8;
	v63 =	vld [tilespmem:$0x0]  }
0xae: {  	_ = 	snop  }
0xaf: {  	[tilespmem:s20], [sflag:$0x2] =	stream.indirect.gather [hbm4b:s6+s17], $0x80, s19, s17, $0xb8;
	v63 =	vld [tilespmem:$0x0]  }
0xb0: {  	_ = 	snop  }
0xb1: {  	[tilespmem:s22], [sflag:$0x3] =	stream.indirect.gather [hbm4b:s6+s17], $0x80, s21, s17, $0xb8;
	v63 =	vld [tilespmem:$0x0]  }
0xb2: {  	_ = 	snop  }
0xb3: {  	[tilespmem:s24], [sflag:$0x4] =	stream.indirect.gather [hbm4b:s6+s17], $0x80, s23, s17, $0xb8;
	v63 =	vld [tilespmem:$0x0]  }
0xb4: {  	_ =	swait.ge [sflag:s25], $0x2800  }
0xb5: {  	[sflag:s25] =	ssyncset.done $0x0  }
0xb6: {  	s16 =	simm.s32 $0x1000;
	[sflag:s25] =	ssyncadd.s32 $0xFFFFD800  }
0xb7: {  	[spmem:s2] =	stream.indirect.scatter.add.f32 [tilespmem:s18], [sflag:$0x5], $0x80, s16, s17, $0xb8;
	v63 =	vld [tilespmem:$0x0]  }
0xb8: {  	_ =	swait.ge [sflag:s26], $0x2800  }
0xb9: {  	[sflag:s26] =	ssyncset.done $0x0  }
0xba: {  	s4 =	simm.s32 $0x1080;
	[sflag:s26] =	ssyncadd.s32 $0xFFFFD800  }
0xbb: {  	[spmem:s2] =	stream.indirect.scatter.add.f32 [tilespmem:s20], [sflag:$0x6], $0x80, s4, s17, $0xb8;
	v63 =	vld [tilespmem:$0x0]  }
0xbc: {  	_ =	swait.ge [sflag:s28], $0x2800  }
0xbd: {  	[sflag:s28] =	ssyncset.done $0x0  }
0xbe: {  	s16 =	simm.s32 $0x1100;
	[sflag:s28] =	ssyncadd.s32 $0xFFFFD800  }
0xbf: {  	[spmem:s2] =	stream.indirect.scatter.add.f32 [tilespmem:s22], [sflag:$0x7], $0x80, s16, s17, $0xb8;
	v63 =	vld [tilespmem:$0x0]  }
0xc0: {  	_ =	swait.ge [sflag:s29], $0x2800  }
0xc1: {  	[sflag:s29] =	ssyncset.done $0x0  }
0xc2: {  	s4 =	simm.s32 $0x1180;
	[sflag:s29] =	ssyncadd.s32 $0xFFFFD800  }
0xc3: {  	[spmem:s2] =	stream.indirect.scatter.add.f32 [tilespmem:s24], [sflag:$0x8], $0x80, s4, s17, $0xb8;
	v63 =	vld [tilespmem:$0x0]  }
0xc4: {  	_ =	swait.ge [sflag:s30], $0x2800  }
0xc5: {  	[sflag:s30] =	ssyncset.done $0x0  }
0xc6: {  	s16 =	simm.s32 $0x200;
	[sflag:s30] =	ssyncadd.s32 $0xFFFFD800  }
0xc7: {  	[tilespmem:s18], [sflag:$0x1] =	stream.indirect.gather [hbm4b:s6+s17], $0x80, s16, s17, $0xb8;
	v63 =	vld [tilespmem:$0x0]  }
0xc8: {  	_ =	swait.ge [sflag:s31], $0x2800  }
0xc9: {  	[sflag:s31] =	ssyncset.done $0x0  }
0xca: {  	s4 =	simm.s32 $0x280;
	[sflag:s31] =	ssyncadd.s32 $0xFFFFD800  }
0xcb: {  	[tilespmem:s20], [sflag:$0x2] =	stream.indirect.gather [hbm4b:s6+s17], $0x80, s4, s17, $0xb8;
	v63 =	vld [tilespmem:$0x0]  }
0xcc: {  	_ =	swait.ge [sflag:s0], $0x2800  }
0xcd: {  	[sflag:s0] =	ssyncset.done $0x0  }
0xce: {  	s16 =	simm.s32 $0x300;
	[sflag:s0] =	ssyncadd.s32 $0xFFFFD800  }
0xcf: {  	[tilespmem:s22], [sflag:$0x3] =	stream.indirect.gather [hbm4b:s6+s17], $0x80, s16, s17, $0xb8;
	v63 =	vld [tilespmem:$0x0]  }
0xd0: {  	_ =	swait.ge [sflag:s3], $0x2800  }
0xd1: {  	[sflag:s3] =	ssyncset.done $0x0  }
0xd2: {  	s1 =	simm.s32 $0x380;
	s4 =	simm.s32 $0x800;
	[sflag:s3] =	ssyncadd.s32 $0xFFFFD800  }
.LBB2_4:
0xd3: {  	[tilespmem:s24], [sflag:$0x4] =	stream.indirect.gather [hbm4b:s6+s17], $0x80, s1, s17, $0xb8;
	v63 =	vld [tilespmem:$0x0]  }
0xd4: {  	s1 =	smov.u32 s4  }
0xd5: {  	p1 =	sne.s32 s4, $0x3000;
	s4 =	sadd.s32 $0x800, s4;
	_ =	swait.ge [sflag:s25], $0x2800  }
0xd6: {  	s1 =	sshra.s32 s1, $0x2;
	[sflag:s25] =	ssyncset.done $0x0  }
0xd7: {  	s16 =	sadd.s32 $0x1000, s1;
	[sflag:s25] =	ssyncadd.s32 $0xFFFFD800  }
0xd8: {  	[spmem:s2] =	stream.indirect.scatter.add.f32 [tilespmem:s18], [sflag:$0x5], $0x80, s16, s17, $0xb8;
	v63 =	vld [tilespmem:$0x0]  }
0xd9: {  	_ =	swait.ge [sflag:s26], $0x2800  }
0xda: {  	[sflag:s26] =	ssyncset.done $0x0  }
0xdb: {  	s16 =	sadd.s32 $0x1080, s1;
	[sflag:s26] =	ssyncadd.s32 $0xFFFFD800  }
0xdc: {  	[spmem:s2] =	stream.indirect.scatter.add.f32 [tilespmem:s20], [sflag:$0x6], $0x80, s16, s17, $0xb8;
	v63 =	vld [tilespmem:$0x0]  }
0xdd: {  	_ =	swait.ge [sflag:s28], $0x2800  }
0xde: {  	[sflag:s28] =	ssyncset.done $0x0  }
0xdf: {  	s16 =	sadd.s32 $0x1100, s1;
	[sflag:s28] =	ssyncadd.s32 $0xFFFFD800  }
0xe0: {  	[spmem:s2] =	stream.indirect.scatter.add.f32 [tilespmem:s22], [sflag:$0x7], $0x80, s16, s17, $0xb8;
	v63 =	vld [tilespmem:$0x0]  }
0xe1: {  	_ =	swait.ge [sflag:s29], $0x2800  }
0xe2: {  	[sflag:s29] =	ssyncset.done $0x0  }
0xe3: {  	s16 =	sadd.s32 $0x1180, s1;
	[sflag:s29] =	ssyncadd.s32 $0xFFFFD800  }
0xe4: {  	[spmem:s2] =	stream.indirect.scatter.add.f32 [tilespmem:s24], [sflag:$0x8], $0x80, s16, s17, $0xb8;
	v63 =	vld [tilespmem:$0x0]  }
0xe5: {  	_ =	swait.ge [sflag:s30], $0x2800  }
0xe6: {  	[sflag:s30] =	ssyncset.done $0x0  }
0xe7: {  	s16 =	sadd.s32 $0x200, s1;
	[sflag:s30] =	ssyncadd.s32 $0xFFFFD800  }
0xe8: {  	[tilespmem:s18], [sflag:$0x1] =	stream.indirect.gather [hbm4b:s6+s17], $0x80, s16, s17, $0xb8;
	v63 =	vld [tilespmem:$0x0]  }
0xe9: {  	_ =	swait.ge [sflag:s31], $0x2800  }
0xea: {  	[sflag:s31] =	ssyncset.done $0x0  }
0xeb: {  	s16 =	sadd.s32 $0x280, s1;
	[sflag:s31] =	ssyncadd.s32 $0xFFFFD800  }
0xec: {  	[tilespmem:s20], [sflag:$0x2] =	stream.indirect.gather [hbm4b:s6+s17], $0x80, s16, s17, $0xb8;
	v63 =	vld [tilespmem:$0x0]  }
0xed: {  	_ =	swait.ge [sflag:s0], $0x2800  }
0xee: {  	[sflag:s0] =	ssyncset.done $0x0  }
.Ltmp6:
0xef: {  	s16 =	sadd.s32 $0x300, s1;
	[sflag:s0] =	ssyncadd.s32 $0xFFFFD800;
	(pc) =	sbr.rel @p1 .LBB2_4-.Ltmp6, $4  }
0xf0: {  	[tilespmem:s22], [sflag:$0x3] =	stream.indirect.gather [hbm4b:s6+s17], $0x80, s16, s17, $0xb8;
	v63 =	vld [tilespmem:$0x0]  }
0xf1: {  	_ =	swait.ge [sflag:s3], $0x2800  }
0xf2: {  	[sflag:s3] =	ssyncset.done $0x0  }
0xf3: {  	s1 =	sadd.s32 $0x380, s1;
	[sflag:s3] =	ssyncadd.s32 $0xFFFFD800  }
0xf4: {  	[tilespmem:s24], [sflag:$0x4] =	stream.indirect.gather [hbm4b:s6+s17], $0x80, s1, s17, $0xb8;
	v63 =	vld [tilespmem:$0x0]  }
0xf5: {  	_ =	swait.ge [sflag:s25], $0x2800  }
0xf6: {  	[sflag:s25] =	ssyncset.done $0x0  }
0xf7: {  	[sflag:s25] =	ssyncadd.s32 $0xFFFFD800  }
0xf8: {  	[spmem:s2] =	stream.indirect.scatter.add.f32 [tilespmem:s18], [sflag:$0x5], $0x80, s8, s17, $0xb8;
	v63 =	vld [tilespmem:$0x0]  }
0xf9: {  	_ =	swait.ge [sflag:s26], $0x2800  }
0xfa: {  	[sflag:s26] =	ssyncset.done $0x0  }
0xfb: {  	[sflag:s26] =	ssyncadd.s32 $0xFFFFD800  }
0xfc: {  	[spmem:s2] =	stream.indirect.scatter.add.f32 [tilespmem:s20], [sflag:$0x6], $0x80, s9, s17, $0xb8;
	v63 =	vld [tilespmem:$0x0]  }
0xfd: {  	_ =	swait.ge [sflag:s28], $0x2800  }
0xfe: {  	[sflag:s28] =	ssyncset.done $0x0  }
0xff: {  	[sflag:s28] =	ssyncadd.s32 $0xFFFFD800  }
0x100: {  	[spmem:s2] =	stream.indirect.scatter.add.f32 [tilespmem:s22], [sflag:$0x7], $0x80, s11, s17, $0xb8;
	v63 =	vld [tilespmem:$0x0]  }
0x101: {  	_ =	swait.ge [sflag:s29], $0x2800  }
0x102: {  	[sflag:s29] =	ssyncset.done $0x0  }
0x103: {  	[sflag:s29] =	ssyncadd.s32 $0xFFFFD800  }
0x104: {  	[spmem:s2] =	stream.indirect.scatter.add.f32 [tilespmem:s24], [sflag:$0x8], $0x80, s12, s17, $0xb8;
	v63 =	vld [tilespmem:$0x0]  }
0x105: {  	_ =	swait.ge [sflag:s30], $0x2800  }
0x106: {  	[sflag:s30] =	ssyncset.done $0x0  }
0x107: {  	[sflag:s30] =	ssyncadd.s32 $0xFFFFD800  }
0x108: {  	_ =	swait.ge [sflag:s31], $0x2800  }
0x109: {  	[sflag:s31] =	ssyncset.done $0x0  }
0x10a: {  	s14 =	sadd.s32 $0x1, s14;
	[sflag:s31] =	ssyncadd.s32 $0xFFFFD800  }
0x10b: {  	p1 =	sne.s32 s14, $0x8;
	_ =	swait.ge [sflag:s0], $0x2800  }
.Ltmp7:
0x10c: {  	[sflag:s0] =	ssyncset.done $0x0;
	(pc) =	sbr.rel @p1 .LBB2_3-.Ltmp7, $4  }
.Ltmp8:
0x10d: {  	[sflag:s0] =	ssyncadd.s32 $0xFFFFD800;
	(pc) =	sbr.rel @!p1 .LBB2_10-.Ltmp8, $4  }
0x10e: {  	_ =	swait.ge [sflag:s3], $0x2800  }
0x10f: {  	[sflag:s3] =	ssyncset.done $0x0  }
0x110: {  	[sflag:s3] =	ssyncadd.s32 $0xFFFFD800  }
0x111: {  	_ = 	snop  }
.LBB2_11:
0x112: {  	_ =	sfence.sel $0x180000  }
0x113: {  	[bflag:$0x0] =	sbarrier.arrive $0xFFFF  }
0x114: {  	_ =	strace $0x9000004A  }
0x115: {  	s0 =	stileid.u32;
	[bflag:$0x2] =	sbarrier.arrive $0xFFFF  }
0x116: {  	p0 =	sne.s32 s0, $0x0;
	s0 =	rddreg [dreg:$0x3]  }
0x117: {  	s0 =	sadd.s32 @!p0 $0x100000, s0  }
0x118: {  	[sflag:s0] =	ssyncadd.tile.s32 @!p0 $0x1;
	_ =	shalt  }
.Lfunc_end2:
_tile_overlayer_lowered:
.L_overlay_start_2:
0x119: {  	(tag) =	ssettag $0x2  }
0x11a: {  	s0 =	rddreg [dreg:$0x0];
	s2 =	stileid.u32  }
0x11b: {  	s1 =	rddreg [dreg:$0x1];
	p0 =	sne.s32 s2, $0x0  }
0x11c: {  	s3 =	rddreg [dreg:$0x2];
	[bflag:$0x3] =	sbarrier.arrive $0xFFFF;
	s2 =	simm.s32 @!p0 $0x1C09  }
0x11d: {  	[timem:s3], [sflag:s2] =	dma.local @!p0 [hbm:s0], s1  }
0x11e: {  	s0 =	simm.s32 @!p0 $0x9  }
0x11f: {  	_ =	swait.ge @!p0 [sflag:s0], s1  }
0x120: {  	s1 =	ssub.s32 @!p0 $0x0, s1;
	[sflag:s0] =	ssyncset.done @!p0 $0x0  }
0x121: {  	[sflag:s0] =	ssyncadd.s32 @!p0 s1  }
0x122: {  	[bflag:$0x3] =	sbarrier.arrive $0xFFFF  }
0x123: {  	_ =	shalt  }

// kernel: kernel.14.cloned.1.call-start
scs
__scs_entry_jumppad:
0x0: {  	(pc) =	sbr.rel $0x88, $3  }
0x1: {  	(tag) =	ssettag $0x0;
	lr =	simm.s32 $0x1  }
0x2: {  	[smem:$0x3F9B] =	sst lr;
	_ =	strace $0xD0000000  }
0x3: {  	_ = 	snop  }
0x4: {  	_ = 	snop  }
0x5: {  	_ = 	snop  }
0x6: {  	_ = 	snop  }
0x7: {  	_ = 	snop  }
__scs_overlays_trampoline_lowered:
0x8: {  	[smem:$0x3FAA] =	sst s0  }
0x9: {  	[smem:$0x3FAB] =	sst s1  }
0xa: {  	[smem:$0x3FAC] =	sst s2  }
0xb: {  	[smem:$0x3FAD] =	sst s3  }
0xc: {  	[smem:$0x3FAE] =	sst s4  }
0xd: {  	[smem:$0x3FAF] =	sst s5  }
0xe: {  	[smem:$0x3FB0] =	sst s6  }
0xf: {  	[smem:$0x3FB1] =	sst s7  }
0x10: {  	[smem:$0x3FB2] =	sst s8  }
0x11: {  	[smem:$0x3FB3] =	sst s9;
	s0 =	simm.s32 @!p0 $0x0  }
0x12: {  	s1 =	sld [smem:$0x3F99];
	s0 =	simm.s32 @p0 $0x1  }
0x13: {  	[smem:$0x3FB4] =	sst s0;
	s0 =	simm.s32 @!p1 $0x0  }
0x14: {  	s2 =	sld [smem:$0x3F98];
	s0 =	simm.s32 @p1 $0x1  }
0x15: {  	[smem:$0x3FB5] =	sst s0;
	s0 =	simm.s32 @!p2 $0x0  }
0x16: {  	s3 =	sld [smem:$0x3FDB];
	s0 =	simm.s32 @p2 $0x1  }
0x17: {  	s4 =	simm.s32 $0x1BF5;
	[smem:$0x3FB7] =	sst s0  }
0x18: {  	s0 =	sld [smem:$0x3F9A];
	_ =	swait.ge [sflag:s4], $0x0  }
0x19: {  	s7 =	sld [smem:$0x3F9B]  }
0x1a: {  	s8 =	sadd.s32 $0xFFFFE003, lr  }
0x1b: {  	s9 =	sadd.s32 $0xFFFFFEF7, lr;
	s5 =	simm.s32 $0xFFFFFFFF;
	p2 =	slt.u32 s8, $0xFFFFF086  }
0x1c: {  	p1 =	slt.u32 s9, $0xF7A;
	s5 =	simm.s32 @!p2 $0x0  }
0x1d: {  	s5 =	simm.s32 @p1 $0x1;
	p0 =	seq.s32 s7, s2  }
0x1e: {  	s7 =	smul.u32 @!p0 $0xF7A, s2;
	p2 =	seq.s32 @!p0 s5, $0x0  }
0x1f: {  	s9 =	smul.u32 $0xF7A, s1;
	s8 =	simm.s32 @!p0 $0x1BF5;
	p2 =	por !p2, p0  }
0x20: {  	[sflag:s8] =	ssyncset.s32 @!p0 $0xFFFFF086;
	s6 =	sadd.s32 @!p0 s3, s7;
	s7 =	simm.s32 @!p0 $0x108  }
0x21: {  	s3 =	sadd.s32 s3, s9;
	s6 =	sadd.s32 @!p0 $0x88, s6;
	s7 =	simm.s32 @p2 $0x1082  }
0x22: {  	[simem:s7], [sflag:s8] =	dma.local @!p0 [hbm:s6], $0xF7A  }
0x23: {  	s9 =	sor.u32 $0xD0000000, s2;
	s6 =	simm.s32 $0x108;
	_ =	swait.ge @!p0 [sflag:s8], $0x0  }
0x24: {  	s3 =	sadd.s32 $0x88, s3;
	s6 =	simm.s32 @!p1 $0x1082;
	[sflag:s4] =	ssyncset.s32 $0xFFFFF086  }
0x25: {  	[simem:s6], [sflag:s4] =	dma.local [hbm:s3], $0xF7A  }
0x26: {  	[smem:$0x3F9B] =	sst s1;
	(tag) =	ssettag s2;
	_ =	strace s9  }
0x27: {  	s1 =	sld [smem:$0x3FAB]  }
0x28: {  	s2 =	sld [smem:$0x3FAC]  }
0x29: {  	s4 =	sld [smem:$0x3FAE]  }
0x2a: {  	p0 =	seq.s32 s5, $0x0;
	s5 =	sld [smem:$0x3FAF]  }
0x2b: {  	s6 =	sld [smem:$0x3FB0]  }
0x2c: {  	s7 =	sld [smem:$0x3FB1]  }
0x2d: {  	s3 =	simm.s32 $0x108;
	s8 =	sld [smem:$0x3FB2]  }
0x2e: {  	s3 =	simm.s32 @!p0 $0x1082;
	s9 =	sld [smem:$0x3FB3]  }
0x2f: {  	lr =	sadd.s32 s0, s3;
	s0 =	sld [smem:$0x3FAA]  }
0x30: {  	s3 =	sld [smem:$0x3FAD]  }
0x31: {  	[smem:$0x3FB6] =	sst s10  }
0x32: {  	s10 =	sld [smem:$0x3FB4];
	_ =	sdelay $0x3  }
0x33: {  	p0 =	seq.s32 s10, $0x1;
	s10 =	sld [smem:$0x3FB6];
	_ =	sdelay $0x3  }
0x34: {  	[smem:$0x3FB6] =	sst s10  }
0x35: {  	s10 =	sld [smem:$0x3FB5];
	_ =	sdelay $0x3  }
0x36: {  	p1 =	seq.s32 s10, $0x1;
	s10 =	sld [smem:$0x3FB6];
	_ =	sdelay $0x3  }
0x37: {  	[smem:$0x3FB6] =	sst s10  }
0x38: {  	s10 =	sld [smem:$0x3FB7]  }
0x39: {  	_ = 	snop;
	(pc) =	sbr.ind lr, $3  }
0x3a: {  	_ = 	snop  }
0x3b: {  	_ = 	snop  }
0x3c: {  	p2 =	seq.s32 s10, $0x1;
	s10 =	sld [smem:$0x3FB6]  }
0x3d: {  	_ =	shalt  }
0x3e: {  	_ =	shalt  }
0x3f: {  	_ =	shalt  }
0x40: {  	_ =	shalt  }
0x41: {  	_ =	shalt  }
0x42: {  	_ =	shalt  }
0x43: {  	_ =	shalt  }
0x44: {  	_ =	shalt  }
0x45: {  	_ =	shalt  }
0x46: {  	_ =	shalt  }
0x47: {  	_ =	shalt  }
0x48: {  	_ =	shalt  }
0x49: {  	_ =	shalt  }
0x4a: {  	_ =	shalt  }
0x4b: {  	_ =	shalt  }
0x4c: {  	_ =	shalt  }
0x4d: {  	_ =	shalt  }
0x4e: {  	_ =	shalt  }
0x4f: {  	_ =	shalt  }
0x50: {  	_ =	shalt  }
0x51: {  	_ =	shalt  }
0x52: {  	_ =	shalt  }
0x53: {  	_ =	shalt  }
0x54: {  	_ =	shalt  }
0x55: {  	_ =	shalt  }
0x56: {  	_ =	shalt  }
0x57: {  	_ =	shalt  }
0x58: {  	_ =	shalt  }
0x59: {  	_ =	shalt  }
0x5a: {  	_ =	shalt  }
0x5b: {  	_ =	shalt  }
0x5c: {  	_ =	shalt  }
0x5d: {  	_ =	shalt  }
0x5e: {  	_ =	shalt  }
0x5f: {  	_ =	shalt  }
0x60: {  	_ =	shalt  }
0x61: {  	_ =	shalt  }
0x62: {  	_ =	shalt  }
0x63: {  	_ =	shalt  }
0x64: {  	_ =	shalt  }
0x65: {  	_ =	shalt  }
0x66: {  	_ =	shalt  }
0x67: {  	_ =	shalt  }
0x68: {  	_ =	shalt  }
0x69: {  	_ =	shalt  }
0x6a: {  	_ =	shalt  }
0x6b: {  	_ =	shalt  }
0x6c: {  	_ =	shalt  }
0x6d: {  	_ =	shalt  }
0x6e: {  	_ =	shalt  }
0x6f: {  	_ =	shalt  }
0x70: {  	_ =	shalt  }
0x71: {  	_ =	shalt  }
0x72: {  	_ =	shalt  }
0x73: {  	_ =	shalt  }
0x74: {  	_ =	shalt  }
0x75: {  	_ =	shalt  }
0x76: {  	_ =	shalt  }
0x77: {  	_ =	shalt  }
0x78: {  	_ =	shalt  }
0x79: {  	_ =	shalt  }
0x7a: {  	_ =	shalt  }
0x7b: {  	_ =	shalt  }
0x7c: {  	_ =	shalt  }
0x7d: {  	_ =	shalt  }
0x7e: {  	_ =	shalt  }
0x7f: {  	_ =	shalt  }
0x80: {  	_ =	shalt  }
0x81: {  	_ =	shalt  }
0x82: {  	_ =	shalt  }
0x83: {  	_ =	shalt  }
0x84: {  	_ =	shalt  }
0x85: {  	_ =	shalt  }
0x86: {  	_ =	shalt  }
0x87: {  	_ =	shalt  }
.Lfunc_end0:
.L_simem_size_0:
called_computation.2_lowered:
.L_overlay_start_0:
0x88: {  	s2 =	sld [smem:$0x3FD9]  }
0x89: {  	s3 =	sld [smem:$0x3FFE];
	_ =	sdelay $0x1  }
0x8a: {  	s1 =	srdreg.scid  }
0x8b: {  	s0 =	sand.u32 $0x1, s1  }
0x8c: {  	s17 =	sshll.u32 s0, $0xA;
	s2 =	sadd.s32 s3, s2  }
0x8d: {  	s2 =	sadd.s32 s2, s17  }
0x8e: {  	[smem:$0x3FC2] =	sst s2  }
0x8f: {  	_ = 	snop  }
0x90: {  	s2 =	sld [smem:$0x3FD0];
	(tm) =	ssettm $0x1  }
0x91: {  	s18 =	sld [smem:$0x3FFB];
	_ =	sdelay $0x3  }
0x92: {  	_ =	strace s18  }
0x93: {  	s3 =	sld [smem:$0x3FFC];
	_ =	sdelay $0x3  }
0x94: {  	_ =	strace s3  }
0x95: {  	s3 =	sld [smem:$0x3FFD];
	_ =	sdelay $0x3  }
0x96: {  	_ =	strace s3  }
0x97: {  	_ =	strace $0x8FFFFFFF  }
0x98: {  	s19 =	sld [smem:$0x3FDB];
	_ =	sdelay $0x1  }
0x99: {  	s4 =	simm.s32 $_scs_section_size  }
0x9a: {  	s5 =	simm.s32 $_size__tile_overlayer_lowered;
	s6 =	simm.s32 $_tile_overlayer_lowered  }
0x9b: {  	s22 =	simm.s32 $0x1BFF;
	s21 =	sshll.u32 s6, $0x1;
	s3 =	sadd.s32 s4, s19  }
0x9c: {  	s7 =	simm.s32 $0x0;
	s20 =	sshll.u32 s5, $0x1;
	s5 =	sadd.s32 s21, s3  }
0x9d: {  	[timem:s7], [sflag:s22] =	dma.local [hbm:s5], s20  }
0x9e: {  	_ =	swait.ge [sflag:s22], s20  }
0x9f: {  	s4 =	ssub.s32 $0x0, s20;
	[sflag:s22] =	ssyncset.done $0x0  }
0xa0: {  	[sflag:s22] =	ssyncadd.s32 s4;
	_ =	sdelay $0x1  }
0xa1: {  	s23 =	simm.s32 $0x1B8B  }
0xa2: {  	_ =	swait.ge [sflag:s23], $0x1  }
0xa3: {  	[sflag:s23] =	ssyncset.done $0x0  }
0xa4: {  	s25 =	simm.s32 $0x1B8E;
	s24 =	sld [smem:$0x3FFE];
	[sflag:s23] =	ssyncadd.s32 $0xFFFFFFFF  }
0xa5: {  	s26 =	simm.s32 $execute0_lowered;
	[smem:$0x3FD2] =	sst s25  }
0xa6: {  	s5 =	sshll.u32 s26, $0x1;
	_ =	strace $0x8000004C;
	[dreg:$0x1] =	wrdreg $0xFFFFFFFF  }
0xa7: {  	s28 =	simm.s32 $_size_execute0_lowered;
	s3 =	sadd.s32 s3, s5;
	[dreg:$0x0] =	wrdreg $0x0  }
0xa8: {  	s5 =	sshll.u32 s28, $0x1;
	[dreg:$0x2] =	wrdreg s3  }
0xa9: {  	[dreg:$0x3] =	wrdreg s5  }
0xaa: {  	[dreg:$0x4] =	wrdreg $0xC0  }
0xab: {  	_ =	task [dreg:s7], $0x5FFFF  }
0xac: {  	[dreg:$0x1] =	wrdreg $0xFFFFFFFF  }
0xad: {  	[dreg:$0x0] =	wrdreg $0x60  }
0xae: {  	[dreg:$0x2] =	wrdreg s24  }
0xaf: {  	[dreg:$0x3] =	wrdreg s2  }
0xb0: {  	[dreg:$0x4] =	wrdreg $0xC0000  }
0xb1: {  	[dreg:$0x5] =	wrdreg $0x9  }
0xb2: {  	_ =	task.clear_ibuf [dreg:s7], $0x6FFFF;
	_ =	strace $0x9000004C  }
0xb3: {  	s29 =	simm.s32 $0x9;
	_ =	strace $0x8000004E  }
0xb4: {  	_ =	swait.ge [sflag:s29], $0x1  }
0xb5: {  	[sflag:s29] =	ssyncadd.s32 $0xFFFFFFFF  }
0xb6: {  	_ =	strace $0x9000004E  }
0xb7: {  	_ =	sfence  }
0xb8: {  	s30 =	sld [smem:$0x0];
	_ =	sdelay $0x2  }
0xb9: {  	s31 =	sshll.u32 s1, $0xD;
	s1 =	sshrl.u32 s1, $0x2  }
0xba: {  	s3 =	sand.u32 $0x4000, s31;
	s1 =	sadd.s32 s1, s30  }
0xbb: {  	s0 =	sor.u32 s3, s0;
	s1 =	sshll.u32 s1, $0x11  }
0xbc: {  	s0 =	sor.u32 s1, s0  }
0xbd: {  	s0 =	sadd.s32 $0x8F2B, s0  }
0xbe: {  	[sflag:s0] =	ssyncadd.remote.s32 $0x1  }
0xbf: {  	_ =	sfence.sel $0xFFFF  }
0xc0: {  	[dreg:$0x0] =	wrdreg $0xFFFFFFFF;
	(pc) =	sbr.abs _section_cstart, $3  }
0xc1: {  	[dreg:$0x1] =	wrdreg $0xFFFFFFFF  }
0xc2: {  	_ =	task.clear_ibuf [dreg:s7], $0x2FFFF;
	_ =	strace $0x9FFFFFFF  }
0xc3: {  	(tm) =	ssettm $0x7FFFFFFF  }
tec
execute0_lowered:
.L_overlay_start_1:
0x0: {  	(tag) =	ssettag $0x1  }
0x1: {  	s0 =	rddreg [dreg:$0x0]  }
0x2: {  	s2 =	rddreg [dreg:$0x1];
	s1 =	srdreg.scid  }
0x3: {  	s4 =	stileid.u32;
	s3 =	rddreg [dreg:$0x2]  }
0x4: {  	s11 =	simm.s32 $0x0;
	s13 =	simm.s32 $0x9;
	s14 =	simm.s32 $0x1000  }
0x5: {  	s15 =	simm.s32 $0x50;
	s16 =	simm.s32 $0x2000;
	s17 =	simm.s32 $0x80  }
0x6: {  	s18 =	simm.s32 $0x4800;
	s19 =	simm.s32 $0x100;
	s20 =	simm.s32 $0x7000  }
0x7: {  	s21 =	simm.s32 $0x180;
	s28 =	simm.s32 $0x5;
	s29 =	simm.s32 $0x6  }
0x8: {  	s30 =	simm.s32 $0x7;
	s31 =	simm.s32 $0x8;
	s7 =	smul.u32 $0x14000, s4  }
0x9: {  	s1 =	sand.u32 $0x1, s1;
	[smem:$0x7FF] =	sst s11;
	s9 =	smul.u32 $0x50000, s4  }
0xa: {  	s24 =	sshll.u32 s4, $0x6;
	s25 =	sshll.u32 s4, $0xB;
	s5 =	smul.u32 $0x140000, s1  }
0xb: {  	_ =	strace $0x8000004D;
	s22 =	ssub.s32 $0x2, s1;
	s1 =	sshll.u32 s1, $0xF  }
0xc: {  	s12 =	sor.u32 $0x1C09, s24;
	s24 =	simm.s32 $0x2;
	s10 =	sshrl.u32 s22, $0x1  }
0xd: {  	s9 =	sshrl.u32 s9, $0x2;
	[dreg:$0x6] =	wrdreg s12;
	s6 =	sadd.s32 s7, s5  }
0xe: {  	s5 =	sadd.s32 $0x2200, s0;
	s7 =	sshrl.u32 s7, $0x3;
	s23 =	sadd.s32 s9, s3  }
0xf: {  	s9 =	sor.u32 s25, s1;
	s25 =	simm.s32 $0x3;
	s1 =	simm.s32 $0x1E00  }
0x10: {  	s8 =	sshrl.u32 s6, $0x3;
	s6 =	sadd.s32 $0x5F200, s0;
	s7 =	sadd.s32 s5, s7  }
0x11: {  	s0 =	sadd.s32 s8, s0;
	s8 =	ssub.s32 s22, s10;
	[dreg:$0x5] =	wrdreg s7  }
0x12: {  	s22 =	simm.s32 $0x9800;
	s7 =	simm.s32 $0x1F00;
	s0 =	sadd.s32 $0x6F200, s0  }
0x13: {  	s10 =	simm.s32 $0x1F80;
	s26 =	smax.u32 s8, $0x1;
	[dreg:$0x7] =	wrdreg s0  }
0x14: {  	s8 =	sshrl.u32 s23, $0x3;
	s23 =	simm.s32 $0x1;
	[dreg:$0x8] =	wrdreg s26  }
0x15: {  	s26 =	simm.s32 $0x4;
	s0 =	simm.s32 $0x1E80;
	[dreg:$0x9] =	wrdreg s8  }
.LBB2_1:
0x16: {  	[dreg:$0x4] =	wrdreg s11  }
0x17: {  	s4 =	rddreg [dreg:$0x5]  }
0x18: {  	[spmem:s8], [sflag:s12] =	dma.local [hbm:s4], $0x2800  }
0x19: {  	_ =	swait.ge [sflag:s13], $0x2800  }
0x1a: {  	[sflag:s13] =	ssyncset.done $0x0  }
0x1b: {  	[sflag:s13] =	ssyncadd.s32 $0xFFFFD800  }
0x1c: {  	s11 =	simm.s32 $0x0;
	[bflag:$0x0] =	sbarrier.arrive $0xFFFF  }
.LBB2_2:
0x1d: {  	s8 =	sshll.u32 s11, $0x9  }
0x1e: {  	s8 =	sadd.s32 s9, s8  }
0x1f: {  	s4 =	simm.s32 $0x0;
	s12 =	sadd.s32 s2, s8  }
0x20: {  	[tilespmem:s4], [sflag:$0x9] =	stream.linear.gather [hbm4b:s12+s4], $0x1000, $0x38;
	v63 =	vld [tilespmem:$0x0]  }
0x21: {  	_ =	swait.ge [sflag:s13], $0x1000  }
0x22: {  	[sflag:s13] =	ssyncset.done $0x0  }
0x23: {  	s8 =	sadd.s32 s6, s8;
	[sflag:s13] =	ssyncadd.s32 $0xFFFFF000  }
0x24: {  	[tilespmem:s14], [sflag:$0x9] =	stream.linear.gather [hbm4b:s8+s4], $0x1000, $0x38;
	v63 =	vld [tilespmem:$0x0]  }
0x25: {  	_ =	swait.ge [sflag:s13], $0x1000  }
0x26: {  	[sflag:s13] =	ssyncset.done $0x0  }
0x27: {  	[sflag:s13] =	ssyncadd.s32 $0xFFFFF000  }
0x28: {  	[tilespmem:s16], [sflag:$0x1] =	stream.indirect.gather [hbm4b:s5+s15], $0x80, s4, s15, $0xb8;
	v63 =	vld [tilespmem:$0x0]  }
0x29: {  	_ = 	snop  }
0x2a: {  	[tilespmem:s18], [sflag:$0x2] =	stream.indirect.gather [hbm4b:s5+s15], $0x80, s17, s15, $0xb8;
	v63 =	vld [tilespmem:$0x0]  }
0x2b: {  	_ = 	snop  }
0x2c: {  	[tilespmem:s20], [sflag:$0x3] =	stream.indirect.gather [hbm4b:s5+s15], $0x80, s19, s15, $0xb8;
	v63 =	vld [tilespmem:$0x0]  }
0x2d: {  	_ = 	snop  }
0x2e: {  	[tilespmem:s22], [sflag:$0x4] =	stream.indirect.gather [hbm4b:s5+s15], $0x80, s21, s15, $0xb8;
	v63 =	vld [tilespmem:$0x0]  }
0x2f: {  	_ =	swait.ge [sflag:s23], $0x2800  }
0x30: {  	[sflag:s23] =	ssyncset.done $0x0  }
0x31: {  	s12 =	simm.s32 $0x1000;
	[sflag:s23] =	ssyncadd.s32 $0xFFFFD800  }
0x32: {  	[spmem:s3] =	stream.indirect.scatter.add.f32 [tilespmem:s16], [sflag:$0x5], $0x80, s12, s15, $0xb8;
	v63 =	vld [tilespmem:$0x0]  }
0x33: {  	_ =	swait.ge [sflag:s24], $0x2800  }
0x34: {  	[sflag:s24] =	ssyncset.done $0x0  }
0x35: {  	s8 =	simm.s32 $0x1080;
	[sflag:s24] =	ssyncadd.s32 $0xFFFFD800  }
0x36: {  	[spmem:s3] =	stream.indirect.scatter.add.f32 [tilespmem:s18], [sflag:$0x6], $0x80, s8, s15, $0xb8;
	v63 =	vld [tilespmem:$0x0]  }
0x37: {  	_ =	swait.ge [sflag:s25], $0x2800  }
0x38: {  	[sflag:s25] =	ssyncset.done $0x0  }
0x39: {  	s12 =	simm.s32 $0x1100;
	[sflag:s25] =	ssyncadd.s32 $0xFFFFD800  }
0x3a: {  	[spmem:s3] =	stream.indirect.scatter.add.f32 [tilespmem:s20], [sflag:$0x7], $0x80, s12, s15, $0xb8;
	v63 =	vld [tilespmem:$0x0]  }
0x3b: {  	_ =	swait.ge [sflag:s26], $0x2800  }
0x3c: {  	[sflag:s26] =	ssyncset.done $0x0  }
0x3d: {  	s8 =	simm.s32 $0x1180;
	[sflag:s26] =	ssyncadd.s32 $0xFFFFD800  }
0x3e: {  	[spmem:s3] =	stream.indirect.scatter.add.f32 [tilespmem:s22], [sflag:$0x8], $0x80, s8, s15, $0xb8;
	v63 =	vld [tilespmem:$0x0]  }
0x3f: {  	_ =	swait.ge [sflag:s28], $0x2800  }
0x40: {  	[sflag:s28] =	ssyncset.done $0x0  }
0x41: {  	s12 =	simm.s32 $0x200;
	[sflag:s28] =	ssyncadd.s32 $0xFFFFD800  }
0x42: {  	[tilespmem:s16], [sflag:$0x1] =	stream.indirect.gather [hbm4b:s5+s15], $0x80, s12, s15, $0xb8;
	v63 =	vld [tilespmem:$0x0]  }
0x43: {  	_ =	swait.ge [sflag:s29], $0x2800  }
0x44: {  	[sflag:s29] =	ssyncset.done $0x0  }
0x45: {  	s8 =	simm.s32 $0x280;
	[sflag:s29] =	ssyncadd.s32 $0xFFFFD800  }
0x46: {  	[tilespmem:s18], [sflag:$0x2] =	stream.indirect.gather [hbm4b:s5+s15], $0x80, s8, s15, $0xb8;
	v63 =	vld [tilespmem:$0x0]  }
0x47: {  	_ =	swait.ge [sflag:s30], $0x2800  }
0x48: {  	[sflag:s30] =	ssyncset.done $0x0  }
0x49: {  	s12 =	simm.s32 $0x300;
	[sflag:s30] =	ssyncadd.s32 $0xFFFFD800  }
0x4a: {  	[tilespmem:s20], [sflag:$0x3] =	stream.indirect.gather [hbm4b:s5+s15], $0x80, s12, s15, $0xb8;
	v63 =	vld [tilespmem:$0x0]  }
0x4b: {  	_ =	swait.ge [sflag:s31], $0x2800  }
0x4c: {  	[sflag:s31] =	ssyncset.done $0x0  }
0x4d: {  	s8 =	simm.s32 $0x800;
	s12 =	simm.s32 $0x380;
	[sflag:s31] =	ssyncadd.s32 $0xFFFFD800  }
.LBB2_3:
0x4e: {  	[tilespmem:s22], [sflag:$0x4] =	stream.indirect.gather [hbm4b:s5+s15], $0x80, s12, s15, $0xb8;
	v63 =	vld [tilespmem:$0x0]  }
0x4f: {  	s4 =	smov.u32 s8  }
0x50: {  	p0 =	sne.s32 s8, $0x3000;
	s8 =	sadd.s32 $0x800, s8;
	_ =	swait.ge [sflag:s23], $0x2800  }
0x51: {  	s12 =	sshra.s32 s4, $0x2;
	[sflag:s23] =	ssyncset.done $0x0  }
0x52: {  	s4 =	sadd.s32 $0x1000, s12;
	[sflag:s23] =	ssyncadd.s32 $0xFFFFD800  }
0x53: {  	[spmem:s3] =	stream.indirect.scatter.add.f32 [tilespmem:s16], [sflag:$0x5], $0x80, s4, s15, $0xb8;
	v63 =	vld [tilespmem:$0x0]  }
0x54: {  	_ =	swait.ge [sflag:s24], $0x2800  }
0x55: {  	[sflag:s24] =	ssyncset.done $0x0  }
0x56: {  	s4 =	sadd.s32 $0x1080, s12;
	[sflag:s24] =	ssyncadd.s32 $0xFFFFD800  }
0x57: {  	[spmem:s3] =	stream.indirect.scatter.add.f32 [tilespmem:s18], [sflag:$0x6], $0x80, s4, s15, $0xb8;
	v63 =	vld [tilespmem:$0x0]  }
0x58: {  	_ =	swait.ge [sflag:s25], $0x2800  }
0x59: {  	[sflag:s25] =	ssyncset.done $0x0  }
0x5a: {  	s4 =	sadd.s32 $0x1100, s12;
	[sflag:s25] =	ssyncadd.s32 $0xFFFFD800  }
0x5b: {  	[spmem:s3] =	stream.indirect.scatter.add.f32 [tilespmem:s20], [sflag:$0x7], $0x80, s4, s15, $0xb8;
	v63 =	vld [tilespmem:$0x0]  }
0x5c: {  	_ =	swait.ge [sflag:s26], $0x2800  }
0x5d: {  	[sflag:s26] =	ssyncset.done $0x0  }
0x5e: {  	s4 =	sadd.s32 $0x1180, s12;
	[sflag:s26] =	ssyncadd.s32 $0xFFFFD800  }
0x5f: {  	[spmem:s3] =	stream.indirect.scatter.add.f32 [tilespmem:s22], [sflag:$0x8], $0x80, s4, s15, $0xb8;
	v63 =	vld [tilespmem:$0x0]  }
0x60: {  	_ =	swait.ge [sflag:s28], $0x2800  }
0x61: {  	[sflag:s28] =	ssyncset.done $0x0  }
0x62: {  	s4 =	sadd.s32 $0x200, s12;
	[sflag:s28] =	ssyncadd.s32 $0xFFFFD800  }
0x63: {  	[tilespmem:s16], [sflag:$0x1] =	stream.indirect.gather [hbm4b:s5+s15], $0x80, s4, s15, $0xb8;
	v63 =	vld [tilespmem:$0x0]  }
0x64: {  	_ =	swait.ge [sflag:s29], $0x2800  }
0x65: {  	[sflag:s29] =	ssyncset.done $0x0  }
0x66: {  	s4 =	sadd.s32 $0x280, s12;
	[sflag:s29] =	ssyncadd.s32 $0xFFFFD800  }
0x67: {  	[tilespmem:s18], [sflag:$0x2] =	stream.indirect.gather [hbm4b:s5+s15], $0x80, s4, s15, $0xb8;
	v63 =	vld [tilespmem:$0x0]  }
0x68: {  	_ =	swait.ge [sflag:s30], $0x2800  }
0x69: {  	[sflag:s30] =	ssyncset.done $0x0  }
.Ltmp0:
0x6a: {  	s4 =	sadd.s32 $0x300, s12;
	[sflag:s30] =	ssyncadd.s32 $0xFFFFD800;
	(pc) =	sbr.rel @p0 .LBB2_3-.Ltmp0, $4  }
0x6b: {  	[tilespmem:s20], [sflag:$0x3] =	stream.indirect.gather [hbm4b:s5+s15], $0x80, s4, s15, $0xb8;
	v63 =	vld [tilespmem:$0x0]  }
0x6c: {  	_ =	swait.ge [sflag:s31], $0x2800  }
0x6d: {  	[sflag:s31] =	ssyncset.done $0x0  }
0x6e: {  	s12 =	sadd.s32 $0x380, s12;
	[sflag:s31] =	ssyncadd.s32 $0xFFFFD800  }
0x6f: {  	[tilespmem:s22], [sflag:$0x4] =	stream.indirect.gather [hbm4b:s5+s15], $0x80, s12, s15, $0xb8;
	v63 =	vld [tilespmem:$0x0]  }
0x70: {  	_ =	swait.ge [sflag:s23], $0x2800  }
0x71: {  	[sflag:s23] =	ssyncset.done $0x0  }
0x72: {  	[sflag:s23] =	ssyncadd.s32 $0xFFFFD800  }
0x73: {  	[spmem:s3] =	stream.indirect.scatter.add.f32 [tilespmem:s16], [sflag:$0x5], $0x80, s1, s15, $0xb8;
	v63 =	vld [tilespmem:$0x0]  }
0x74: {  	_ =	swait.ge [sflag:s24], $0x2800  }
0x75: {  	[sflag:s24] =	ssyncset.done $0x0  }
0x76: {  	[sflag:s24] =	ssyncadd.s32 $0xFFFFD800  }
0x77: {  	[spmem:s3] =	stream.indirect.scatter.add.f32 [tilespmem:s18], [sflag:$0x6], $0x80, s0, s15, $0xb8;
	v63 =	vld [tilespmem:$0x0]  }
0x78: {  	_ =	swait.ge [sflag:s25], $0x2800  }
0x79: {  	[sflag:s25] =	ssyncset.done $0x0  }
0x7a: {  	[sflag:s25] =	ssyncadd.s32 $0xFFFFD800  }
0x7b: {  	[spmem:s3] =	stream.indirect.scatter.add.f32 [tilespmem:s20], [sflag:$0x7], $0x80, s7, s15, $0xb8;
	v63 =	vld [tilespmem:$0x0]  }
0x7c: {  	_ =	swait.ge [sflag:s26], $0x2800  }
0x7d: {  	[sflag:s26] =	ssyncset.done $0x0  }
0x7e: {  	[sflag:s26] =	ssyncadd.s32 $0xFFFFD800  }
0x7f: {  	[spmem:s3] =	stream.indirect.scatter.add.f32 [tilespmem:s22], [sflag:$0x8], $0x80, s10, s15, $0xb8;
	v63 =	vld [tilespmem:$0x0]  }
0x80: {  	_ =	swait.ge [sflag:s28], $0x2800  }
0x81: {  	[sflag:s28] =	ssyncset.done $0x0  }
0x82: {  	[sflag:s28] =	ssyncadd.s32 $0xFFFFD800  }
0x83: {  	_ =	swait.ge [sflag:s29], $0x2800  }
0x84: {  	[sflag:s29] =	ssyncset.done $0x0  }
0x85: {  	s11 =	sadd.s32 $0x1, s11;
	[sflag:s29] =	ssyncadd.s32 $0xFFFFD800  }
0x86: {  	p0 =	sne.s32 s11, $0x4;
	_ =	swait.ge [sflag:s30], $0x2800  }
.Ltmp1:
0x87: {  	[sflag:s30] =	ssyncset.done $0x0;
	(pc) =	sbr.rel @p0 .LBB2_2-.Ltmp1, $4  }
0x88: {  	[sflag:s30] =	ssyncadd.s32 $0xFFFFD800  }
0x89: {  	_ =	swait.ge [sflag:s31], $0x2800  }
0x8a: {  	[sflag:s31] =	ssyncset.done $0x0  }
0x8b: {  	[sflag:s31] =	ssyncadd.s32 $0xFFFFD800  }
0x8c: {  	[bflag:$0x0] =	sbarrier.arrive $0xFFFF  }
0x8d: {  	s12 =	rddreg [dreg:$0x6]  }
0x8e: {  	s4 =	rddreg [dreg:$0x7]  }
0x8f: {  	s8 =	rddreg [dreg:$0x9]  }
0x90: {  	[hbm:s4], [sflag:s12] =	dma.local [spmem:s8], $0x2800  }
0x91: {  	_ =	swait.ge [sflag:s13], $0x2800  }
0x92: {  	s11 =	rddreg [dreg:$0x4]  }
0x93: {  	s4 =	rddreg [dreg:$0x8];
	s11 =	sadd.s32 $0x1, s11  }
0x94: {  	p0 =	sne.s32 s11, s4  }
.Ltmp2:
0x95: {  	_ = 	snop;
	(pc) =	sbr.rel @p0 .LBB2_1-.Ltmp2, $3  }
0x96: {  	_ =	sdelay $0x1  }
0x97: {  	[sflag:s13] =	ssyncset.done $0x0  }
0x98: {  	[sflag:s13] =	ssyncadd.s32 $0xFFFFD800  }
0x99: {  	_ =	sfence.sel $0x180000  }
0x9a: {  	[bflag:$0x0] =	sbarrier.arrive $0xFFFF  }
0x9b: {  	_ =	strace $0x9000004D  }
0x9c: {  	s0 =	stileid.u32;
	[bflag:$0x2] =	sbarrier.arrive $0xFFFF  }
0x9d: {  	p0 =	sne.s32 s0, $0x0;
	s0 =	rddreg [dreg:$0x3]  }
0x9e: {  	s0 =	sadd.s32 @!p0 $0x100000, s0  }
0x9f: {  	[sflag:s0] =	ssyncadd.tile.s32 @!p0 $0x1;
	_ =	shalt  }
.Lfunc_end2:
_tile_overlayer_lowered:
.L_overlay_start_2:
0xa0: {  	(tag) =	ssettag $0x2  }
0xa1: {  	s0 =	rddreg [dreg:$0x0];
	s2 =	stileid.u32  }
0xa2: {  	s1 =	rddreg [dreg:$0x1];
	p0 =	sne.s32 s2, $0x0  }
0xa3: {  	s3 =	rddreg [dreg:$0x2];
	[bflag:$0x3] =	sbarrier.arrive $0xFFFF;
	s2 =	simm.s32 @!p0 $0x1C09  }
0xa4: {  	[timem:s3], [sflag:s2] =	dma.local @!p0 [hbm:s0], s1  }
0xa5: {  	s0 =	simm.s32 @!p0 $0x9  }
0xa6: {  	_ =	swait.ge @!p0 [sflag:s0], s1  }
0xa7: {  	s1 =	ssub.s32 @!p0 $0x0, s1;
	[sflag:s0] =	ssyncset.done @!p0 $0x0  }
0xa8: {  	[sflag:s0] =	ssyncadd.s32 @!p0 s1  }
0xa9: {  	[bflag:$0x3] =	sbarrier.arrive $0xFFFF  }
0xaa: {  	_ =	shalt  }

// kernel: kernel.8.cloned.1.call-start
scs
__scs_entry_jumppad:
0x0: {  	(pc) =	sbr.rel $0x88, $3  }
0x1: {  	(tag) =	ssettag $0x0;
	lr =	simm.s32 $0x1  }
0x2: {  	[smem:$0x3F9B] =	sst lr;
	_ =	strace $0xD0000000  }
0x3: {  	_ = 	snop  }
0x4: {  	_ = 	snop  }
0x5: {  	_ = 	snop  }
0x6: {  	_ = 	snop  }
0x7: {  	_ = 	snop  }
__scs_overlays_trampoline_lowered:
0x8: {  	[smem:$0x3FAA] =	sst s0  }
0x9: {  	[smem:$0x3FAB] =	sst s1  }
0xa: {  	[smem:$0x3FAC] =	sst s2  }
0xb: {  	[smem:$0x3FAD] =	sst s3  }
0xc: {  	[smem:$0x3FAE] =	sst s4  }
0xd: {  	[smem:$0x3FAF] =	sst s5  }
0xe: {  	[smem:$0x3FB0] =	sst s6  }
0xf: {  	[smem:$0x3FB1] =	sst s7  }
0x10: {  	[smem:$0x3FB2] =	sst s8  }
0x11: {  	[smem:$0x3FB3] =	sst s9;
	s0 =	simm.s32 @!p0 $0x0  }
0x12: {  	s1 =	sld [smem:$0x3F99];
	s0 =	simm.s32 @p0 $0x1  }
0x13: {  	[smem:$0x3FB4] =	sst s0;
	s0 =	simm.s32 @!p1 $0x0  }
0x14: {  	s2 =	sld [smem:$0x3F98];
	s0 =	simm.s32 @p1 $0x1  }
0x15: {  	[smem:$0x3FB5] =	sst s0;
	s0 =	simm.s32 @!p2 $0x0  }
0x16: {  	s3 =	sld [smem:$0x3FDB];
	s0 =	simm.s32 @p2 $0x1  }
0x17: {  	s4 =	simm.s32 $0x1BF5;
	[smem:$0x3FB7] =	sst s0  }
0x18: {  	s0 =	sld [smem:$0x3F9A];
	_ =	swait.ge [sflag:s4], $0x0  }
0x19: {  	s7 =	sld [smem:$0x3F9B]  }
0x1a: {  	s8 =	sadd.s32 $0xFFFFE003, lr  }
0x1b: {  	s9 =	sadd.s32 $0xFFFFFEF7, lr;
	s5 =	simm.s32 $0xFFFFFFFF;
	p2 =	slt.u32 s8, $0xFFFFF086  }
0x1c: {  	p1 =	slt.u32 s9, $0xF7A;
	s5 =	simm.s32 @!p2 $0x0  }
0x1d: {  	s5 =	simm.s32 @p1 $0x1;
	p0 =	seq.s32 s7, s2  }
0x1e: {  	s7 =	smul.u32 @!p0 $0xF7A, s2;
	p2 =	seq.s32 @!p0 s5, $0x0  }
0x1f: {  	s9 =	smul.u32 $0xF7A, s1;
	s8 =	simm.s32 @!p0 $0x1BF5;
	p2 =	por !p2, p0  }
0x20: {  	[sflag:s8] =	ssyncset.s32 @!p0 $0xFFFFF086;
	s6 =	sadd.s32 @!p0 s3, s7;
	s7 =	simm.s32 @!p0 $0x108  }
0x21: {  	s3 =	sadd.s32 s3, s9;
	s6 =	sadd.s32 @!p0 $0x88, s6;
	s7 =	simm.s32 @p2 $0x1082  }
0x22: {  	[simem:s7], [sflag:s8] =	dma.local @!p0 [hbm:s6], $0xF7A  }
0x23: {  	s9 =	sor.u32 $0xD0000000, s2;
	s6 =	simm.s32 $0x108;
	_ =	swait.ge @!p0 [sflag:s8], $0x0  }
0x24: {  	s3 =	sadd.s32 $0x88, s3;
	s6 =	simm.s32 @!p1 $0x1082;
	[sflag:s4] =	ssyncset.s32 $0xFFFFF086  }
0x25: {  	[simem:s6], [sflag:s4] =	dma.local [hbm:s3], $0xF7A  }
0x26: {  	[smem:$0x3F9B] =	sst s1;
	(tag) =	ssettag s2;
	_ =	strace s9  }
0x27: {  	s1 =	sld [smem:$0x3FAB]  }
0x28: {  	s2 =	sld [smem:$0x3FAC]  }
0x29: {  	s4 =	sld [smem:$0x3FAE]  }
0x2a: {  	p0 =	seq.s32 s5, $0x0;
	s5 =	sld [smem:$0x3FAF]  }
0x2b: {  	s6 =	sld [smem:$0x3FB0]  }
0x2c: {  	s7 =	sld [smem:$0x3FB1]  }
0x2d: {  	s3 =	simm.s32 $0x108;
	s8 =	sld [smem:$0x3FB2]  }
0x2e: {  	s3 =	simm.s32 @!p0 $0x1082;
	s9 =	sld [smem:$0x3FB3]  }
0x2f: {  	lr =	sadd.s32 s0, s3;
	s0 =	sld [smem:$0x3FAA]  }
0x30: {  	s3 =	sld [smem:$0x3FAD]  }
0x31: {  	[smem:$0x3FB6] =	sst s10  }
0x32: {  	s10 =	sld [smem:$0x3FB4];
	_ =	sdelay $0x3  }
0x33: {  	p0 =	seq.s32 s10, $0x1;
	s10 =	sld [smem:$0x3FB6];
	_ =	sdelay $0x3  }
0x34: {  	[smem:$0x3FB6] =	sst s10  }
0x35: {  	s10 =	sld [smem:$0x3FB5];
	_ =	sdelay $0x3  }
0x36: {  	p1 =	seq.s32 s10, $0x1;
	s10 =	sld [smem:$0x3FB6];
	_ =	sdelay $0x3  }
0x37: {  	[smem:$0x3FB6] =	sst s10  }
0x38: {  	s10 =	sld [smem:$0x3FB7]  }
0x39: {  	_ = 	snop;
	(pc) =	sbr.ind lr, $3  }
0x3a: {  	_ = 	snop  }
0x3b: {  	_ = 	snop  }
0x3c: {  	p2 =	seq.s32 s10, $0x1;
	s10 =	sld [smem:$0x3FB6]  }
0x3d: {  	_ =	shalt  }
0x3e: {  	_ =	shalt  }
0x3f: {  	_ =	shalt  }
0x40: {  	_ =	shalt  }
0x41: {  	_ =	shalt  }
0x42: {  	_ =	shalt  }
0x43: {  	_ =	shalt  }
0x44: {  	_ =	shalt  }
0x45: {  	_ =	shalt  }
0x46: {  	_ =	shalt  }
0x47: {  	_ =	shalt  }
0x48: {  	_ =	shalt  }
0x49: {  	_ =	shalt  }
0x4a: {  	_ =	shalt  }
0x4b: {  	_ =	shalt  }
0x4c: {  	_ =	shalt  }
0x4d: {  	_ =	shalt  }
0x4e: {  	_ =	shalt  }
0x4f: {  	_ =	shalt  }
0x50: {  	_ =	shalt  }
0x51: {  	_ =	shalt  }
0x52: {  	_ =	shalt  }
0x53: {  	_ =	shalt  }
0x54: {  	_ =	shalt  }
0x55: {  	_ =	shalt  }
0x56: {  	_ =	shalt  }
0x57: {  	_ =	shalt  }
0x58: {  	_ =	shalt  }
0x59: {  	_ =	shalt  }
0x5a: {  	_ =	shalt  }
0x5b: {  	_ =	shalt  }
0x5c: {  	_ =	shalt  }
0x5d: {  	_ =	shalt  }
0x5e: {  	_ =	shalt  }
0x5f: {  	_ =	shalt  }
0x60: {  	_ =	shalt  }
0x61: {  	_ =	shalt  }
0x62: {  	_ =	shalt  }
0x63: {  	_ =	shalt  }
0x64: {  	_ =	shalt  }
0x65: {  	_ =	shalt  }
0x66: {  	_ =	shalt  }
0x67: {  	_ =	shalt  }
0x68: {  	_ =	shalt  }
0x69: {  	_ =	shalt  }
0x6a: {  	_ =	shalt  }
0x6b: {  	_ =	shalt  }
0x6c: {  	_ =	shalt  }
0x6d: {  	_ =	shalt  }
0x6e: {  	_ =	shalt  }
0x6f: {  	_ =	shalt  }
0x70: {  	_ =	shalt  }
0x71: {  	_ =	shalt  }
0x72: {  	_ =	shalt  }
0x73: {  	_ =	shalt  }
0x74: {  	_ =	shalt  }
0x75: {  	_ =	shalt  }
0x76: {  	_ =	shalt  }
0x77: {  	_ =	shalt  }
0x78: {  	_ =	shalt  }
0x79: {  	_ =	shalt  }
0x7a: {  	_ =	shalt  }
0x7b: {  	_ =	shalt  }
0x7c: {  	_ =	shalt  }
0x7d: {  	_ =	shalt  }
0x7e: {  	_ =	shalt  }
0x7f: {  	_ =	shalt  }
0x80: {  	_ =	shalt  }
0x81: {  	_ =	shalt  }
0x82: {  	_ =	shalt  }
0x83: {  	_ =	shalt  }
0x84: {  	_ =	shalt  }
0x85: {  	_ =	shalt  }
0x86: {  	_ =	shalt  }
0x87: {  	_ =	shalt  }
.Lfunc_end0:
.L_simem_size_0:
called_computation_lowered:
.L_overlay_start_0:
0x88: {  	s2 =	sld [smem:$0x3FD9]  }
0x89: {  	s3 =	sld [smem:$0x3FFE];
	_ =	sdelay $0x1  }
0x8a: {  	s1 =	srdreg.scid  }
0x8b: {  	s0 =	sand.u32 $0x1, s1  }
0x8c: {  	s16 =	sshll.u32 s0, $0xA;
	s2 =	sadd.s32 s3, s2  }
0x8d: {  	s2 =	sadd.s32 s2, s16  }
0x8e: {  	[smem:$0x3FC2] =	sst s2  }
0x8f: {  	_ = 	snop  }
0x90: {  	(tm) =	ssettm $0x1  }
0x91: {  	s17 =	sld [smem:$0x3FFB];
	_ =	sdelay $0x3  }
0x92: {  	_ =	strace s17  }
0x93: {  	s2 =	sld [smem:$0x3FFC];
	_ =	sdelay $0x3  }
0x94: {  	_ =	strace s2  }
0x95: {  	s2 =	sld [smem:$0x3FFD];
	_ =	sdelay $0x3  }
0x96: {  	_ =	strace s2  }
0x97: {  	_ =	strace $0x8FFFFFFF  }
0x98: {  	s18 =	sld [smem:$0x3FDB];
	_ =	sdelay $0x1  }
0x99: {  	s19 =	simm.s32 $_scs_section_size  }
0x9a: {  	s4 =	simm.s32 $_size__tile_overlayer_lowered;
	s5 =	simm.s32 $_tile_overlayer_lowered  }
0x9b: {  	s22 =	simm.s32 $0x1BFF;
	s21 =	sshll.u32 s5, $0x1;
	s2 =	sadd.s32 s19, s18  }
0x9c: {  	s6 =	simm.s32 $0x0;
	s20 =	sshll.u32 s4, $0x1;
	s4 =	sadd.s32 s21, s2  }
0x9d: {  	[timem:s6], [sflag:s22] =	dma.local [hbm:s4], s20  }
0x9e: {  	_ =	swait.ge [sflag:s22], s20  }
0x9f: {  	s3 =	ssub.s32 $0x0, s20;
	[sflag:s22] =	ssyncset.done $0x0  }
0xa0: {  	[sflag:s22] =	ssyncadd.s32 s3;
	_ =	sdelay $0x1  }
0xa1: {  	s23 =	simm.s32 $0x1B8B  }
0xa2: {  	_ =	swait.ge [sflag:s23], $0x1  }
0xa3: {  	[sflag:s23] =	ssyncset.done $0x0  }
0xa4: {  	s25 =	simm.s32 $0x1B8E;
	s24 =	sld [smem:$0x3FFE];
	[sflag:s23] =	ssyncadd.s32 $0xFFFFFFFF  }
0xa5: {  	s26 =	simm.s32 $execute0_lowered;
	[smem:$0x3FD2] =	sst s25  }
0xa6: {  	s4 =	sshll.u32 s26, $0x1;
	_ =	strace $0x80000046;
	[dreg:$0x1] =	wrdreg $0xFFFFFFFF  }
0xa7: {  	s28 =	simm.s32 $_size_execute0_lowered;
	s2 =	sadd.s32 s2, s4;
	[dreg:$0x0] =	wrdreg $0x0  }
0xa8: {  	s4 =	sshll.u32 s28, $0x1;
	[dreg:$0x2] =	wrdreg s2  }
0xa9: {  	[dreg:$0x3] =	wrdreg s4  }
0xaa: {  	[dreg:$0x4] =	wrdreg $0xC0  }
0xab: {  	_ =	task [dreg:s6], $0x5FFFF  }
0xac: {  	[dreg:$0x1] =	wrdreg $0xFFFFFFFF  }
0xad: {  	[dreg:$0x0] =	wrdreg $0x60  }
0xae: {  	[dreg:$0x2] =	wrdreg s24  }
0xaf: {  	[dreg:$0x3] =	wrdreg $0x68000  }
0xb0: {  	[dreg:$0x4] =	wrdreg $0x9  }
0xb1: {  	_ =	task.clear_ibuf [dreg:s6], $0x5FFFF;
	_ =	strace $0x90000046  }
0xb2: {  	s29 =	simm.s32 $0x9;
	_ =	strace $0x80000048  }
0xb3: {  	_ =	swait.ge [sflag:s29], $0x1  }
0xb4: {  	[sflag:s29] =	ssyncadd.s32 $0xFFFFFFFF  }
0xb5: {  	_ =	strace $0x90000048  }
0xb6: {  	_ =	sfence  }
0xb7: {  	s30 =	sld [smem:$0x0];
	_ =	sdelay $0x2  }
0xb8: {  	s31 =	sshll.u32 s1, $0xD;
	s1 =	sshrl.u32 s1, $0x2  }
0xb9: {  	s3 =	sand.u32 $0x4000, s31;
	s1 =	sadd.s32 s1, s30  }
0xba: {  	s0 =	sor.u32 s3, s0;
	s1 =	sshll.u32 s1, $0x11  }
0xbb: {  	s0 =	sor.u32 s1, s0  }
0xbc: {  	s0 =	sadd.s32 $0x8F2B, s0  }
0xbd: {  	[sflag:s0] =	ssyncadd.remote.s32 $0x1  }
0xbe: {  	_ =	sfence.sel $0xFFFF  }
0xbf: {  	[dreg:$0x0] =	wrdreg $0xFFFFFFFF;
	(pc) =	sbr.abs _section_cstart, $3  }
0xc0: {  	[dreg:$0x1] =	wrdreg $0xFFFFFFFF  }
0xc1: {  	_ =	task.clear_ibuf [dreg:s6], $0x2FFFF;
	_ =	strace $0x9FFFFFFF  }
0xc2: {  	(tm) =	ssettm $0x7FFFFFFF  }
0xc3: {  	_ =	shalt  }
tec
execute0_lowered:
.L_overlay_start_1:
0x0: {  	(tag) =	ssettag $0x1  }
0x1: {  	s7 =	rddreg [dreg:$0x0]  }
0x2: {  	s0 =	srdreg.scid;
	s2 =	rddreg [dreg:$0x1]  }
0x3: {  	s1 =	rddreg [dreg:$0x2];
	s6 =	sand.u32 $0x1, s0  }
0x4: {  	s0 =	stileid.u32;
	s4 =	smul.u32 $0x5000, s6  }
0x5: {  	s3 =	simm.s32 $0x0;
	s14 =	simm.s32 $0x1;
	s5 =	smul.u32 $0x500, s0  }
0x6: {  	s15 =	simm.s32 $0x0;
	[smem:$0x7FF] =	sst s3;
	s8 =	smul.u32 $0x140000, s6  }
0x7: {  	s9 =	smul.u32 $0x14000, s0;
	_ =	strace $0x80000047;
	s6 =	ssub.s32 $0x2, s6  }
0x8: {  	s30 =	smul.u32 $0x50000, s0;
	s11 =	sshll.u32 s0, $0x6;
	s31 =	sshrl.u32 s6, $0x1  }
0x9: {  	s4 =	sadd.s32 s5, s4;
	s29 =	sadd.s32 s9, s8;
	s5 =	sadd.s32 $0xC200, s7  }
0xa: {  	s9 =	sshrl.u32 s30, $0x2;
	s12 =	ssub.s32 s6, s31;
	s6 =	sor.u32 $0x1C02, s11  }
0xb: {  	s11 =	simm.s32 $0x2;
	s10 =	sadd.s32 s4, s7;
	s4 =	sadd.s32 $0xEA00, s7  }
0xc: {  	s8 =	sshrl.u32 s29, $0x3;
	s13 =	sadd.s32 s9, s2;
	s9 =	smax.u32 s12, $0x1  }
0xd: {  	s12 =	simm.s32 $0x2800;
	s8 =	sadd.s32 s8, s7;
	s7 =	sadd.s32 $0x2200, s10  }
0xe: {  	s10 =	sshrl.u32 s13, $0x3;
	s13 =	simm.s32 $0x80;
	s8 =	sadd.s32 $0xF200, s8  }
.LBB2_1:
0xf: {  	[spmem:s10], [sflag:s6] =	dma.local [hbm:s5], $0x2800  }
0x10: {  	_ =	swait.ge [sflag:s11], $0x2800  }
0x11: {  	[sflag:s11] =	ssyncset.done $0x0  }
0x12: {  	[sflag:s11] =	ssyncadd.s32 $0xFFFFD800  }
0x13: {  	[tilespmem:s12], [sflag:$0x2] =	stream.linear.gather [hbm4b:s4+s3], $0x4000, $0x38;
	[tilespmem:$0x1A800] =	vst v63  }
0x14: {  	_ =	swait.ge [sflag:s11], $0x4000  }
0x15: {  	[sflag:s11] =	ssyncset.done $0x0  }
0x16: {  	[sflag:s11] =	ssyncadd.s32 $0xFFFFC000  }
0x17: {  	[tilespmem:s3], [sflag:$0x2] =	stream.linear.gather [hbm4b:s7+s3], $0x2800, $0x38;
	[tilespmem:$0x1A800] =	vst v63  }
0x18: {  	_ =	swait.ge [sflag:s11], $0x2800  }
0x19: {  	[sflag:s11] =	ssyncset.done $0x0  }
0x1a: {  	[sflag:s11] =	ssyncadd.s32 $0xFFFFD800  }
0x1b: {  	s16 =	simm.s32 $0x0;
	[bflag:$0x0] =	sbarrier.arrive $0xFFFF  }
0x1c: {  	[spmem:s2] =	stream.indirect.scatter.add.f32 [tilespmem:s12], [sflag:$0x1], $0x80, s16, s13, $0xb8;
	[tilespmem:$0x1A800] =	vst v63  }
0x1d: {  	s29 =	simm.s32 $0x80  }
0x1e: {  	[spmem:s2] =	stream.indirect.scatter.add.f32 [tilespmem:s12], [sflag:$0x1], $0x80, s29, s13, $0xb8;
	[tilespmem:$0x1A800] =	vst v63  }
0x1f: {  	s30 =	simm.s32 $0x100  }
0x20: {  	[spmem:s2] =	stream.indirect.scatter.add.f32 [tilespmem:s12], [sflag:$0x1], $0x80, s30, s13, $0xb8;
	[tilespmem:$0x1A800] =	vst v63  }
0x21: {  	s31 =	simm.s32 $0x180  }
0x22: {  	[spmem:s2] =	stream.indirect.scatter.add.f32 [tilespmem:s12], [sflag:$0x1], $0x80, s31, s13, $0xb8;
	[tilespmem:$0x1A800] =	vst v63  }
0x23: {  	_ =	swait.ge [sflag:s14], $0x4000  }
0x24: {  	[sflag:s14] =	ssyncset.done $0x0  }
0x25: {  	[sflag:s14] =	ssyncadd.s32 $0xFFFFC000  }
0x26: {  	_ =	swait.ge [sflag:s14], $0x4000  }
0x27: {  	[sflag:s14] =	ssyncset.done $0x0  }
0x28: {  	[sflag:s14] =	ssyncadd.s32 $0xFFFFC000  }
0x29: {  	_ =	swait.ge [sflag:s14], $0x4000  }
0x2a: {  	[sflag:s14] =	ssyncset.done $0x0  }
0x2b: {  	[sflag:s14] =	ssyncadd.s32 $0xFFFFC000  }
0x2c: {  	_ =	swait.ge [sflag:s14], $0x4000  }
0x2d: {  	s17 =	simm.s32 $0x1000;
	s16 =	simm.s32 $0x800;
	[sflag:s14] =	ssyncset.done $0x0  }
.LBB2_2:
0x2e: {  	s18 =	sshra.s32 s16, $0x2  }
0x2f: {  	[sflag:s14] =	ssyncadd.s32 $0xFFFFC000;
	s16 =	smov.u32 s17;
	s19 =	sadd.s32 $0x800, s17  }
0x30: {  	[spmem:s2] =	stream.indirect.scatter.add.f32 [tilespmem:s12], [sflag:$0x1], $0x80, s18, s13, $0xb8;
	[tilespmem:$0x1A800] =	vst v63  }
0x31: {  	p0 =	sne.s32 s17, $0x9800;
	s17 =	sadd.s32 $0x80, s18  }
0x32: {  	[spmem:s2] =	stream.indirect.scatter.add.f32 [tilespmem:s12], [sflag:$0x1], $0x80, s17, s13, $0xb8;
	[tilespmem:$0x1A800] =	vst v63  }
0x33: {  	s17 =	sadd.s32 $0x100, s18  }
0x34: {  	[spmem:s2] =	stream.indirect.scatter.add.f32 [tilespmem:s12], [sflag:$0x1], $0x80, s17, s13, $0xb8;
	[tilespmem:$0x1A800] =	vst v63  }
0x35: {  	s17 =	sadd.s32 $0x180, s18  }
0x36: {  	[spmem:s2] =	stream.indirect.scatter.add.f32 [tilespmem:s12], [sflag:$0x1], $0x80, s17, s13, $0xb8;
	[tilespmem:$0x1A800] =	vst v63  }
0x37: {  	_ =	swait.ge [sflag:s14], $0x4000  }
0x38: {  	[sflag:s14] =	ssyncset.done $0x0  }
0x39: {  	[sflag:s14] =	ssyncadd.s32 $0xFFFFC000  }
0x3a: {  	_ =	swait.ge [sflag:s14], $0x4000  }
0x3b: {  	[sflag:s14] =	ssyncset.done $0x0  }
0x3c: {  	[sflag:s14] =	ssyncadd.s32 $0xFFFFC000  }
.Ltmp0:
0x3d: {  	_ =	swait.ge [sflag:s14], $0x4000;
	(pc) =	sbr.rel @p0 .LBB2_2-.Ltmp0, $4  }
0x3e: {  	[sflag:s14] =	ssyncset.done $0x0  }
0x3f: {  	[sflag:s14] =	ssyncadd.s32 $0xFFFFC000  }
0x40: {  	_ =	swait.ge [sflag:s14], $0x4000  }
0x41: {  	s17 =	smov.u32 s19;
	[sflag:s14] =	ssyncset.done $0x0  }
0x42: {  	s16 =	sshra.s32 s16, $0x2;
	[sflag:s14] =	ssyncadd.s32 $0xFFFFC000  }
0x43: {  	[spmem:s2] =	stream.indirect.scatter.add.f32 [tilespmem:s12], [sflag:$0x1], $0x80, s16, s13, $0xb8;
	[tilespmem:$0x1A800] =	vst v63  }
0x44: {  	s17 =	sadd.s32 $0x80, s16  }
0x45: {  	[spmem:s2] =	stream.indirect.scatter.add.f32 [tilespmem:s12], [sflag:$0x1], $0x80, s17, s13, $0xb8;
	[tilespmem:$0x1A800] =	vst v63  }
0x46: {  	s31 =	sadd.s32 $0x100, s16  }
0x47: {  	[spmem:s2] =	stream.indirect.scatter.add.f32 [tilespmem:s12], [sflag:$0x1], $0x80, s31, s13, $0xb8;
	[tilespmem:$0x1A800] =	vst v63  }
0x48: {  	s16 =	sadd.s32 $0x180, s16  }
0x49: {  	[spmem:s2] =	stream.indirect.scatter.add.f32 [tilespmem:s12], [sflag:$0x1], $0x80, s16, s13, $0xb8;
	[tilespmem:$0x1A800] =	vst v63  }
0x4a: {  	_ =	swait.ge [sflag:s14], $0x4000  }
0x4b: {  	[sflag:s14] =	ssyncset.done $0x0  }
0x4c: {  	[sflag:s14] =	ssyncadd.s32 $0xFFFFC000  }
0x4d: {  	_ =	swait.ge [sflag:s14], $0x4000  }
0x4e: {  	[sflag:s14] =	ssyncset.done $0x0  }
0x4f: {  	[sflag:s14] =	ssyncadd.s32 $0xFFFFC000  }
0x50: {  	_ =	swait.ge [sflag:s14], $0x4000  }
0x51: {  	[sflag:s14] =	ssyncset.done $0x0  }
0x52: {  	[sflag:s14] =	ssyncadd.s32 $0xFFFFC000  }
0x53: {  	_ =	swait.ge [sflag:s14], $0x4000  }
0x54: {  	s15 =	sadd.s32 $0x1, s15;
	[sflag:s14] =	ssyncset.done $0x0  }
0x55: {  	p0 =	sne.s32 s15, s9;
	[sflag:s14] =	ssyncadd.s32 $0xFFFFC000  }
.Ltmp1:
0x56: {  	[bflag:$0x0] =	sbarrier.arrive $0xFFFF;
	(pc) =	sbr.rel @p0 .LBB2_1-.Ltmp1, $4  }
0x57: {  	[hbm:s8], [sflag:s6] =	dma.local [spmem:s10], $0x2800  }
0x58: {  	_ =	swait.ge [sflag:s11], $0x2800  }
0x59: {  	[sflag:s11] =	ssyncset.done $0x0  }
0x5a: {  	[sflag:s11] =	ssyncadd.s32 $0xFFFFD800  }
0x5b: {  	_ =	sfence.sel $0x180000  }
0x5c: {  	[bflag:$0x0] =	sbarrier.arrive $0xFFFF  }
0x5d: {  	p0 =	sne.s32 s0, $0x0;
	_ =	strace $0x90000047  }
0x5e: {  	s0 =	sadd.s32 @!p0 $0x100000, s1;
	[bflag:$0x2] =	sbarrier.arrive $0xFFFF  }
0x5f: {  	[sflag:s0] =	ssyncadd.tile.s32 @!p0 $0x1;
	_ =	shalt  }
.Lfunc_end2:
_tile_overlayer_lowered:
.L_overlay_start_2:
0x60: {  	(tag) =	ssettag $0x2  }
0x61: {  	s0 =	rddreg [dreg:$0x0];
	s2 =	stileid.u32  }
0x62: {  	s1 =	rddreg [dreg:$0x1];
	p0 =	sne.s32 s2, $0x0  }
0x63: {  	s3 =	rddreg [dreg:$0x2];
	[bflag:$0x3] =	sbarrier.arrive $0xFFFF;
	s2 =	simm.s32 @!p0 $0x1C02  }
0x64: {  	[timem:s3], [sflag:s2] =	dma.local @!p0 [hbm:s0], s1  }
0x65: {  	s0 =	simm.s32 @!p0 $0x2  }
0x66: {  	_ =	swait.ge @!p0 [sflag:s0], s1  }
0x67: {  	s1 =	ssub.s32 @!p0 $0x0, s1;
	[sflag:s0] =	ssyncset.done @!p0 $0x0  }
0x68: {  	[sflag:s0] =	ssyncadd.s32 @!p0 s1  }
0x69: {  	[bflag:$0x3] =	sbarrier.arrive $0xFFFF  }
0x6a: {  	_ =	shalt  }

</sc_bundles>
